<compile_context>
chip_gen: v7x
topology: tpu7x:2x2x1
jax: 0.10.2.dev20260603
libtpu: 0.0.44.dev20260713+nightly
codegen_flags: <defaults>
</compile_context>

<pallas_src>
import functools

import jax
import jax.numpy as jnp
from jax import lax
from jax.experimental import pallas as pl
from jax.experimental.pallas import tpu as pltpu
from jax.experimental.pallas import tpu_sc as plsc

B = 16384
D = 32
NC = 2
NS = 16
NW = NC * NS
BPW = B // NW
L = 16
RING = 8
LANES = 128
NG = BPW // L

_mesh = plsc.VectorSubcoreMesh(core_axis_name="c", subcore_axis_name="s")

_scratch = [
    pltpu.VMEM((BPW,), jnp.int32),
    pltpu.VMEM((BPW,), jnp.int32),
    pltpu.VMEM((D, BPW), jnp.float32),
]
_scratch += [pltpu.VMEM((D, LANES), jnp.float32) for _ in range(2 * RING)]
_scratch += [pltpu.SemaphoreType.DMA for _ in range(2 * RING)]


@functools.partial(
    pl.kernel,
    mesh=_mesh,
    out_type=jax.ShapeDtypeStruct((D, B), jnp.float32),
    compiler_params=pltpu.CompilerParams(needs_layout_passes=False),
    scratch_types=_scratch,
)
def _gmf(users_hbm, items_hbm, uembT_hbm, iembT_hbm, outT_hbm,
         uidx_v, iidx_v, obuf, *ring):
    ublk = ring[0:RING]
    iblk = ring[RING:2 * RING]
    usem = ring[2 * RING:3 * RING]
    isem = ring[3 * RING:4 * RING]

    wid = lax.axis_index("s") * NC + lax.axis_index("c")
    base = wid * BPW

    pltpu.sync_copy(users_hbm.at[pl.ds(base, BPW)], uidx_v)
    pltpu.sync_copy(items_hbm.at[pl.ds(base, BPW)], iidx_v)

    rows0 = lax.iota(jnp.int32, L)

    def fetch(uvec, ivec, k, j):
        uo = pl.multiple_of((uvec[k] >> 7) << 7, LANES)
        io = pl.multiple_of((ivec[k] >> 7) << 7, LANES)
        pltpu.async_copy(uembT_hbm.at[:, pl.ds(uo, LANES)],
                         ublk[j], usem[j])
        pltpu.async_copy(iembT_hbm.at[:, pl.ds(io, LANES)],
                         iblk[j], isem[j])

    uvec0 = uidx_v[pl.ds(0, L)]
    ivec0 = iidx_v[pl.ds(0, L)]
    for j in range(RING):
        fetch(uvec0, ivec0, j, j)

    def body(g, carry):
        uvec = uidx_v[pl.ds(g * L, L)]
        ivec = iidx_v[pl.ds(g * L, L)]
        gn = jnp.minimum(g + 1, NG - 1)
        uvec_n = uidx_v[pl.ds(gn * L, L)]
        ivec_n = iidx_v[pl.ds(gn * L, L)]

        for k in range(L):
            j = k % RING
            ul = jnp.full((L,), uvec[k] & (LANES - 1), jnp.int32)
            il = jnp.full((L,), ivec[k] & (LANES - 1), jnp.int32)
            pltpu.make_async_copy(
                uembT_hbm.at[:, pl.ds(0, LANES)], ublk[j], usem[j]).wait()
            pltpu.make_async_copy(
                iembT_hbm.at[:, pl.ds(0, LANES)], iblk[j], isem[j]).wait()
            rcol = jnp.full((L,), g * L + k, jnp.int32)
            for h in range(D // L):
                u = plsc.load_gather(ublk[j], [rows0 + h * L, ul])
                i = plsc.load_gather(iblk[j], [rows0 + h * L, il])
                plsc.store_scatter(obuf, [rows0 + h * L, rcol],
                                   (u + 1.0) * (i + 1.0) * 0.25)
            if k < L - RING:
                fetch(uvec, ivec, k + RING, j)
            else:
                @pl.when(g < NG - 1)
                def _():
                    fetch(uvec_n, ivec_n, k + RING - L, j)
        return carry

    lax.fori_loop(0, NG, body, 0)

    pltpu.sync_copy(obuf, outT_hbm.at[:, pl.ds(base, BPW)])


def kernel(x, user_emb, item_emb):
    xi = x.astype(jnp.int32)
    outT = _gmf(xi[:, 0], xi[:, 1], user_emb.T, item_emb.T)
    return outT.T

# --- scband reference (transcript-rebuilt; emitter-appended) ---
"""Pipeline reference for scband-generalized-matrix-factorization-62088047231495 (READ-ONLY COPY).

The authoritative reference and input builder live on the scoring server;
editing this copy changes nothing except your own understanding.
"""

import jax, jax.numpy as jnp
import numpy as np

N_USERS = 1000000
N_ITEMS = 1000000
EMBED_DIM = 32
BATCH = 16384

def _xavier_uniform(key, shape):
    fan_in, fan_out = shape[0], shape[1]
    limit = float(np.sqrt(6.0 / (fan_in + fan_out)))
    return jax.random.uniform(key, shape, dtype=jnp.float32, minval=-limit, maxval=limit)

def setup_inputs(seed: int = 0) -> dict:
    key = jax.random.key(seed)
    k_x, k_u, k_i = jax.random.split(key, 3)
    x = jax.random.randint(k_x, (BATCH, 2), 0, N_USERS, dtype=jnp.int64)
    user_emb = _xavier_uniform(k_u, (N_USERS, EMBED_DIM))
    item_emb = _xavier_uniform(k_i, (N_ITEMS, EMBED_DIM))
    return {"x": x, "user_emb": user_emb, "item_emb": item_emb}

def reference(x, user_emb, item_emb):
    users = x[:, 0]
    items = x[:, 1]
    user_vectors = (jnp.take(user_emb, users, axis=0) + 1.0) / 2.0
    item_vectors = (jnp.take(item_emb, items, axis=0) + 1.0) / 2.0
    return user_vectors * item_vectors

if __name__ == "__main__":
    import jax
    _d = setup_inputs()
    print(jax.jit(kernel)(*tuple(_d.values())))

</pallas_src>

<mosaic_0001>
#map = affine_map<(d0, d1) -> (0)>
#map1 = affine_map<(d0, d1) -> (0, 0)>
module attributes {stable_mosaic.version = 14 : i64} {
  func.func @_gmf(%arg0: i32, %arg1: i32, %arg2: memref<16384xi32, #tpu.memory_space<hbm>>, %arg3: memref<16384xi32, #tpu.memory_space<hbm>>, %arg4: memref<32x1000000xf32, #tpu.memory_space<hbm>>, %arg5: memref<32x1000000xf32, #tpu.memory_space<hbm>>, %arg6: memref<32x16384xf32, #tpu.memory_space<hbm>>, %arg7: memref<512xi32, #tpu.memory_space<vmem>>, %arg8: memref<512xi32, #tpu.memory_space<vmem>>, %arg9: memref<32x512xf32, #tpu.memory_space<vmem>>, %arg10: memref<32x128xf32, #tpu.memory_space<vmem>>, %arg11: memref<32x128xf32, #tpu.memory_space<vmem>>, %arg12: memref<32x128xf32, #tpu.memory_space<vmem>>, %arg13: memref<32x128xf32, #tpu.memory_space<vmem>>, %arg14: memref<32x128xf32, #tpu.memory_space<vmem>>, %arg15: memref<32x128xf32, #tpu.memory_space<vmem>>, %arg16: memref<32x128xf32, #tpu.memory_space<vmem>>, %arg17: memref<32x128xf32, #tpu.memory_space<vmem>>, %arg18: memref<32x128xf32, #tpu.memory_space<vmem>>, %arg19: memref<32x128xf32, #tpu.memory_space<vmem>>, %arg20: memref<32x128xf32, #tpu.memory_space<vmem>>, %arg21: memref<32x128xf32, #tpu.memory_space<vmem>>, %arg22: memref<32x128xf32, #tpu.memory_space<vmem>>, %arg23: memref<32x128xf32, #tpu.memory_space<vmem>>, %arg24: memref<32x128xf32, #tpu.memory_space<vmem>>, %arg25: memref<32x128xf32, #tpu.memory_space<vmem>>, %arg26: memref<!tpu.dma_semaphore, #tpu.memory_space<semaphore_mem>>, %arg27: memref<!tpu.dma_semaphore, #tpu.memory_space<semaphore_mem>>, %arg28: memref<!tpu.dma_semaphore, #tpu.memory_space<semaphore_mem>>, %arg29: memref<!tpu.dma_semaphore, #tpu.memory_space<semaphore_mem>>, %arg30: memref<!tpu.dma_semaphore, #tpu.memory_space<semaphore_mem>>, %arg31: memref<!tpu.dma_semaphore, #tpu.memory_space<semaphore_mem>>, %arg32: memref<!tpu.dma_semaphore, #tpu.memory_space<semaphore_mem>>, %arg33: memref<!tpu.dma_semaphore, #tpu.memory_space<semaphore_mem>>, %arg34: memref<!tpu.dma_semaphore, #tpu.memory_space<semaphore_mem>>, %arg35: memref<!tpu.dma_semaphore, #tpu.memory_space<semaphore_mem>>, %arg36: memref<!tpu.dma_semaphore, #tpu.memory_space<semaphore_mem>>, %arg37: memref<!tpu.dma_semaphore, #tpu.memory_space<semaphore_mem>>, %arg38: memref<!tpu.dma_semaphore, #tpu.memory_space<semaphore_mem>>, %arg39: memref<!tpu.dma_semaphore, #tpu.memory_space<semaphore_mem>>, %arg40: memref<!tpu.dma_semaphore, #tpu.memory_space<semaphore_mem>>, %arg41: memref<!tpu.dma_semaphore, #tpu.memory_space<semaphore_mem>>) attributes {dimension_semantics = [#tpu.dimension_semantics<core_parallel>, #tpu.dimension_semantics<subcore_parallel>], iteration_bounds = array<i64: 2, 16>, scalar_prefetch = 0 : i64, scratch_operands = 35 : i64, tpu.core_type = #tpu.core_type<sc_vector_subcore>, window_params = [{transform_indices = #map}, {transform_indices = #map}, {transform_indices = #map1}, {transform_indices = #map1}, {transform_indices = #map1}]} {
    %mul3A = arith.constant 2 : i32
    %mul3A_0 = arith.muli %arg1, %mul3A : i32
    %add3A = arith.addi %mul3A_0, %arg0 : i32
    %mul3A_1 = arith.constant 512 : i32
    %mul3A_2 = arith.muli %add3A, %mul3A_1 : i32
    "tpu.region"() ({
      %run_scoped3A = tpu.sem_alloc : memref<!tpu.dma_semaphore, #tpu.memory_space<semaphore_mem>>
      %dma_start3A_181 = tpu.memref_slice %arg2[%mul3A_2] : memref<16384xi32, #tpu.memory_space<hbm>> -> memref<512xi32, #tpu.memory_space<hbm>>
      %dma_start3A_182 = tpu.memref_slice %arg2[%mul3A_2] : memref<16384xi32, #tpu.memory_space<hbm>> -> memref<512xi32, #tpu.memory_space<hbm>>
      tpu.enqueue_dma source(%dma_start3A_182 : memref<512xi32, #tpu.memory_space<hbm>>) target(%arg7 : memref<512xi32, #tpu.memory_space<vmem>>) target_semaphore(%run_scoped3A : memref<!tpu.dma_semaphore, #tpu.memory_space<semaphore_mem>>)
      %dma_wait3A = tpu.memref_slice %arg2[%mul3A_2] : memref<16384xi32, #tpu.memory_space<hbm>> -> memref<512xi32, #tpu.memory_space<hbm>>
      %dma_wait3A_183 = tpu.memref_slice %arg2[%mul3A_2] : memref<16384xi32, #tpu.memory_space<hbm>> -> memref<512xi32, #tpu.memory_space<hbm>>
      tpu.wait_dma2 semaphore(%run_scoped3A : memref<!tpu.dma_semaphore, #tpu.memory_space<semaphore_mem>>) src(%dma_wait3A_183 : memref<512xi32, #tpu.memory_space<hbm>>) dst(%arg7 : memref<512xi32, #tpu.memory_space<vmem>>)
      tpu.yield
    }) : () -> ()
    "tpu.region"() ({
      %run_scoped3A = tpu.sem_alloc : memref<!tpu.dma_semaphore, #tpu.memory_space<semaphore_mem>>
      %dma_start3A_181 = tpu.memref_slice %arg3[%mul3A_2] : memref<16384xi32, #tpu.memory_space<hbm>> -> memref<512xi32, #tpu.memory_space<hbm>>
      %dma_start3A_182 = tpu.memref_slice %arg3[%mul3A_2] : memref<16384xi32, #tpu.memory_space<hbm>> -> memref<512xi32, #tpu.memory_space<hbm>>
      tpu.enqueue_dma source(%dma_start3A_182 : memref<512xi32, #tpu.memory_space<hbm>>) target(%arg8 : memref<512xi32, #tpu.memory_space<vmem>>) target_semaphore(%run_scoped3A : memref<!tpu.dma_semaphore, #tpu.memory_space<semaphore_mem>>)
      %dma_wait3A = tpu.memref_slice %arg3[%mul3A_2] : memref<16384xi32, #tpu.memory_space<hbm>> -> memref<512xi32, #tpu.memory_space<hbm>>
      %dma_wait3A_183 = tpu.memref_slice %arg3[%mul3A_2] : memref<16384xi32, #tpu.memory_space<hbm>> -> memref<512xi32, #tpu.memory_space<hbm>>
      tpu.wait_dma2 semaphore(%run_scoped3A : memref<!tpu.dma_semaphore, #tpu.memory_space<semaphore_mem>>) src(%dma_wait3A_183 : memref<512xi32, #tpu.memory_space<hbm>>) dst(%arg8 : memref<512xi32, #tpu.memory_space<vmem>>)
      tpu.yield
    }) : () -> ()
    %iota3A = tpu.iota {dimensions = array<i32: 0>} : vector<16xi32>
    %get3A = arith.constant 0 : index
    %get3A_3 = tpu.vector_load %arg7[%get3A] {strides = array<i32>} : memref<512xi32, #tpu.memory_space<vmem>>, vector<16xi32>,
    %get3A_4 = arith.constant 0 : index
    %get3A_5 = tpu.vector_load %arg8[%get3A_4] {strides = array<i32>} : memref<512xi32, #tpu.memory_space<vmem>>, vector<16xi32>,
    %slice3A = vector.extract_strided_slice %get3A_3 {offsets = [0], sizes = [1], strides = [1]} : vector<16xi32> to vector<1xi32>
    %squeeze3A = vector.extract %slice3A[0] : i32 from vector<1xi32>
    %shift_right_arithmetic3A = arith.constant 7 : i32
    %shift_right_arithmetic3A_6 = arith.shrsi %squeeze3A, %shift_right_arithmetic3A : i32
    %shift_left3A = arith.constant 7 : i32
    %shift_left3A_7 = arith.shli %shift_right_arithmetic3A_6, %shift_left3A : i32
    %multiple_of3A = tpu.assume_multiple %shift_left3A_7, 128 : i32
    %slice3A_8 = vector.extract_strided_slice %get3A_5 {offsets = [0], sizes = [1], strides = [1]} : vector<16xi32> to vector<1xi32>
    %squeeze3A_9 = vector.extract %slice3A_8[0] : i32 from vector<1xi32>
    %shift_right_arithmetic3A_10 = arith.constant 7 : i32
    %shift_right_arithmetic3A_11 = arith.shrsi %squeeze3A_9, %shift_right_arithmetic3A_10 : i32
    %shift_left3A_12 = arith.constant 7 : i32
    %shift_left3A_13 = arith.shli %shift_right_arithmetic3A_11, %shift_left3A_12 : i32
    %multiple_of3A_14 = tpu.assume_multiple %shift_left3A_13, 128 : i32
    %dma_start3A = arith.constant 0 : i32
    %dma_start3A_15 = tpu.memref_slice %arg4[%dma_start3A, %multiple_of3A] : memref<32x1000000xf32, #tpu.memory_space<hbm>> -> memref<32x128xf32, #tpu.memory_space<hbm>>
    %dma_start3A_16 = arith.constant 0 : i32
    %dma_start3A_17 = tpu.memref_slice %arg4[%dma_start3A_16, %multiple_of3A] : memref<32x1000000xf32, #tpu.memory_space<hbm>> -> memref<32x128xf32, #tpu.memory_space<hbm>>
    tpu.enqueue_dma source(%dma_start3A_17 : memref<32x128xf32, #tpu.memory_space<hbm>>) target(%arg10 : memref<32x128xf32, #tpu.memory_space<vmem>>) target_semaphore(%arg26 : memref<!tpu.dma_semaphore, #tpu.memory_space<semaphore_mem>>)
    %dma_start3A_18 = arith.constant 0 : i32
    %dma_start3A_19 = tpu.memref_slice %arg5[%dma_start3A_18, %multiple_of3A_14] : memref<32x1000000xf32, #tpu.memory_space<hbm>> -> memref<32x128xf32, #tpu.memory_space<hbm>>
    %dma_start3A_20 = arith.constant 0 : i32
    %dma_start3A_21 = tpu.memref_slice %arg5[%dma_start3A_20, %multiple_of3A_14] : memref<32x1000000xf32, #tpu.memory_space<hbm>> -> memref<32x128xf32, #tpu.memory_space<hbm>>
    tpu.enqueue_dma source(%dma_start3A_21 : memref<32x128xf32, #tpu.memory_space<hbm>>) target(%arg18 : memref<32x128xf32, #tpu.memory_space<vmem>>) target_semaphore(%arg34 : memref<!tpu.dma_semaphore, #tpu.memory_space<semaphore_mem>>)
    %slice3A_22 = vector.extract_strided_slice %get3A_3 {offsets = [1], sizes = [1], strides = [1]} : vector<16xi32> to vector<1xi32>
    %squeeze3A_23 = vector.extract %slice3A_22[0] : i32 from vector<1xi32>
    %shift_right_arithmetic3A_24 = arith.constant 7 : i32
    %shift_right_arithmetic3A_25 = arith.shrsi %squeeze3A_23, %shift_right_arithmetic3A_24 : i32
    %shift_left3A_26 = arith.constant 7 : i32
    %shift_left3A_27 = arith.shli %shift_right_arithmetic3A_25, %shift_left3A_26 : i32
    %multiple_of3A_28 = tpu.assume_multiple %shift_left3A_27, 128 : i32
    %slice3A_29 = vector.extract_strided_slice %get3A_5 {offsets = [1], sizes = [1], strides = [1]} : vector<16xi32> to vector<1xi32>
    %squeeze3A_30 = vector.extract %slice3A_29[0] : i32 from vector<1xi32>
    %shift_right_arithmetic3A_31 = arith.constant 7 : i32
    %shift_right_arithmetic3A_32 = arith.shrsi %squeeze3A_30, %shift_right_arithmetic3A_31 : i32
    %shift_left3A_33 = arith.constant 7 : i32
    %shift_left3A_34 = arith.shli %shift_right_arithmetic3A_32, %shift_left3A_33 : i32
    %multiple_of3A_35 = tpu.assume_multiple %shift_left3A_34, 128 : i32
    %dma_start3A_36 = arith.constant 0 : i32
    %dma_start3A_37 = tpu.memref_slice %arg4[%dma_start3A_36, %multiple_of3A_28] : memref<32x1000000xf32, #tpu.memory_space<hbm>> -> memref<32x128xf32, #tpu.memory_space<hbm>>
    %dma_start3A_38 = arith.constant 0 : i32
    %dma_start3A_39 = tpu.memref_slice %arg4[%dma_start3A_38, %multiple_of3A_28] : memref<32x1000000xf32, #tpu.memory_space<hbm>> -> memref<32x128xf32, #tpu.memory_space<hbm>>
    tpu.enqueue_dma source(%dma_start3A_39 : memref<32x128xf32, #tpu.memory_space<hbm>>) target(%arg11 : memref<32x128xf32, #tpu.memory_space<vmem>>) target_semaphore(%arg27 : memref<!tpu.dma_semaphore, #tpu.memory_space<semaphore_mem>>)
    %dma_start3A_40 = arith.constant 0 : i32
    %dma_start3A_41 = tpu.memref_slice %arg5[%dma_start3A_40, %multiple_of3A_35] : memref<32x1000000xf32, #tpu.memory_space<hbm>> -> memref<32x128xf32, #tpu.memory_space<hbm>>
    %dma_start3A_42 = arith.constant 0 : i32
    %dma_start3A_43 = tpu.memref_slice %arg5[%dma_start3A_42, %multiple_of3A_35] : memref<32x1000000xf32, #tpu.memory_space<hbm>> -> memref<32x128xf32, #tpu.memory_space<hbm>>
    tpu.enqueue_dma source(%dma_start3A_43 : memref<32x128xf32, #tpu.memory_space<hbm>>) target(%arg19 : memref<32x128xf32, #tpu.memory_space<vmem>>) target_semaphore(%arg35 : memref<!tpu.dma_semaphore, #tpu.memory_space<semaphore_mem>>)
    %slice3A_44 = vector.extract_strided_slice %get3A_3 {offsets = [2], sizes = [1], strides = [1]} : vector<16xi32> to vector<1xi32>
    %squeeze3A_45 = vector.extract %slice3A_44[0] : i32 from vector<1xi32>
    %shift_right_arithmetic3A_46 = arith.constant 7 : i32
    %shift_right_arithmetic3A_47 = arith.shrsi %squeeze3A_45, %shift_right_arithmetic3A_46 : i32
    %shift_left3A_48 = arith.constant 7 : i32
    %shift_left3A_49 = arith.shli %shift_right_arithmetic3A_47, %shift_left3A_48 : i32
    %multiple_of3A_50 = tpu.assume_multiple %shift_left3A_49, 128 : i32
    %slice3A_51 = vector.extract_strided_slice %get3A_5 {offsets = [2], sizes = [1], strides = [1]} : vector<16xi32> to vector<1xi32>
    %squeeze3A_52 = vector.extract %slice3A_51[0] : i32 from vector<1xi32>
    %shift_right_arithmetic3A_53 = arith.constant 7 : i32
    %shift_right_arithmetic3A_54 = arith.shrsi %squeeze3A_52, %shift_right_arithmetic3A_53 : i32
    %shift_left3A_55 = arith.constant 7 : i32
    %shift_left3A_56 = arith.shli %shift_right_arithmetic3A_54, %shift_left3A_55 : i32
    %multiple_of3A_57 = tpu.assume_multiple %shift_left3A_56, 128 : i32
    %dma_start3A_58 = arith.constant 0 : i32
    %dma_start3A_59 = tpu.memref_slice %arg4[%dma_start3A_58, %multiple_of3A_50] : memref<32x1000000xf32, #tpu.memory_space<hbm>> -> memref<32x128xf32, #tpu.memory_space<hbm>>
    %dma_start3A_60 = arith.constant 0 : i32
    %dma_start3A_61 = tpu.memref_slice %arg4[%dma_start3A_60, %multiple_of3A_50] : memref<32x1000000xf32, #tpu.memory_space<hbm>> -> memref<32x128xf32, #tpu.memory_space<hbm>>
    tpu.enqueue_dma source(%dma_start3A_61 : memref<32x128xf32, #tpu.memory_space<hbm>>) target(%arg12 : memref<32x128xf32, #tpu.memory_space<vmem>>) target_semaphore(%arg28 : memref<!tpu.dma_semaphore, #tpu.memory_space<semaphore_mem>>)
    %dma_start3A_62 = arith.constant 0 : i32
    %dma_start3A_63 = tpu.memref_slice %arg5[%dma_start3A_62, %multiple_of3A_57] : memref<32x1000000xf32, #tpu.memory_space<hbm>> -> memref<32x128xf32, #tpu.memory_space<hbm>>
    %dma_start3A_64 = arith.constant 0 : i32
    %dma_start3A_65 = tpu.memref_slice %arg5[%dma_start3A_64, %multiple_of3A_57] : memref<32x1000000xf32, #tpu.memory_space<hbm>> -> memref<32x128xf32, #tpu.memory_space<hbm>>
    tpu.enqueue_dma source(%dma_start3A_65 : memref<32x128xf32, #tpu.memory_space<hbm>>) target(%arg20 : memref<32x128xf32, #tpu.memory_space<vmem>>) target_semaphore(%arg36 : memref<!tpu.dma_semaphore, #tpu.memory_space<semaphore_mem>>)
    %slice3A_66 = vector.extract_strided_slice %get3A_3 {offsets = [3], sizes = [1], strides = [1]} : vector<16xi32> to vector<1xi32>
    %squeeze3A_67 = vector.extract %slice3A_66[0] : i32 from vector<1xi32>
    %shift_right_arithmetic3A_68 = arith.constant 7 : i32
    %shift_right_arithmetic3A_69 = arith.shrsi %squeeze3A_67, %shift_right_arithmetic3A_68 : i32
    %shift_left3A_70 = arith.constant 7 : i32
    %shift_left3A_71 = arith.shli %shift_right_arithmetic3A_69, %shift_left3A_70 : i32
    %multiple_of3A_72 = tpu.assume_multiple %shift_left3A_71, 128 : i32
    %slice3A_73 = vector.extract_strided_slice %get3A_5 {offsets = [3], sizes = [1], strides = [1]} : vector<16xi32> to vector<1xi32>
    %squeeze3A_74 = vector.extract %slice3A_73[0] : i32 from vector<1xi32>
    %shift_right_arithmetic3A_75 = arith.constant 7 : i32
    %shift_right_arithmetic3A_76 = arith.shrsi %squeeze3A_74, %shift_right_arithmetic3A_75 : i32
    %shift_left3A_77 = arith.constant 7 : i32
    %shift_left3A_78 = arith.shli %shift_right_arithmetic3A_76, %shift_left3A_77 : i32
    %multiple_of3A_79 = tpu.assume_multiple %shift_left3A_78, 128 : i32
    %dma_start3A_80 = arith.constant 0 : i32
    %dma_start3A_81 = tpu.memref_slice %arg4[%dma_start3A_80, %multiple_of3A_72] : memref<32x1000000xf32, #tpu.memory_space<hbm>> -> memref<32x128xf32, #tpu.memory_space<hbm>>
    %dma_start3A_82 = arith.constant 0 : i32
    %dma_start3A_83 = tpu.memref_slice %arg4[%dma_start3A_82, %multiple_of3A_72] : memref<32x1000000xf32, #tpu.memory_space<hbm>> -> memref<32x128xf32, #tpu.memory_space<hbm>>
    tpu.enqueue_dma source(%dma_start3A_83 : memref<32x128xf32, #tpu.memory_space<hbm>>) target(%arg13 : memref<32x128xf32, #tpu.memory_space<vmem>>) target_semaphore(%arg29 : memref<!tpu.dma_semaphore, #tpu.memory_space<semaphore_mem>>)
    %dma_start3A_84 = arith.constant 0 : i32
    %dma_start3A_85 = tpu.memref_slice %arg5[%dma_start3A_84, %multiple_of3A_79] : memref<32x1000000xf32, #tpu.memory_space<hbm>> -> memref<32x128xf32, #tpu.memory_space<hbm>>
    %dma_start3A_86 = arith.constant 0 : i32
    %dma_start3A_87 = tpu.memref_slice %arg5[%dma_start3A_86, %multiple_of3A_79] : memref<32x1000000xf32, #tpu.memory_space<hbm>> -> memref<32x128xf32, #tpu.memory_space<hbm>>
    tpu.enqueue_dma source(%dma_start3A_87 : memref<32x128xf32, #tpu.memory_space<hbm>>) target(%arg21 : memref<32x128xf32, #tpu.memory_space<vmem>>) target_semaphore(%arg37 : memref<!tpu.dma_semaphore, #tpu.memory_space<semaphore_mem>>)
    %slice3A_88 = vector.extract_strided_slice %get3A_3 {offsets = [4], sizes = [1], strides = [1]} : vector<16xi32> to vector<1xi32>
    %squeeze3A_89 = vector.extract %slice3A_88[0] : i32 from vector<1xi32>
    %shift_right_arithmetic3A_90 = arith.constant 7 : i32
    %shift_right_arithmetic3A_91 = arith.shrsi %squeeze3A_89, %shift_right_arithmetic3A_90 : i32
    %shift_left3A_92 = arith.constant 7 : i32
    %shift_left3A_93 = arith.shli %shift_right_arithmetic3A_91, %shift_left3A_92 : i32
    %multiple_of3A_94 = tpu.assume_multiple %shift_left3A_93, 128 : i32
    %slice3A_95 = vector.extract_strided_slice %get3A_5 {offsets = [4], sizes = [1], strides = [1]} : vector<16xi32> to vector<1xi32>
    %squeeze3A_96 = vector.extract %slice3A_95[0] : i32 from vector<1xi32>
    %shift_right_arithmetic3A_97 = arith.constant 7 : i32
    %shift_right_arithmetic3A_98 = arith.shrsi %squeeze3A_96, %shift_right_arithmetic3A_97 : i32
    %shift_left3A_99 = arith.constant 7 : i32
    %shift_left3A_100 = arith.shli %shift_right_arithmetic3A_98, %shift_left3A_99 : i32
    %multiple_of3A_101 = tpu.assume_multiple %shift_left3A_100, 128 : i32
    %dma_start3A_102 = arith.constant 0 : i32
    %dma_start3A_103 = tpu.memref_slice %arg4[%dma_start3A_102, %multiple_of3A_94] : memref<32x1000000xf32, #tpu.memory_space<hbm>> -> memref<32x128xf32, #tpu.memory_space<hbm>>
    %dma_start3A_104 = arith.constant 0 : i32
    %dma_start3A_105 = tpu.memref_slice %arg4[%dma_start3A_104, %multiple_of3A_94] : memref<32x1000000xf32, #tpu.memory_space<hbm>> -> memref<32x128xf32, #tpu.memory_space<hbm>>
    tpu.enqueue_dma source(%dma_start3A_105 : memref<32x128xf32, #tpu.memory_space<hbm>>) target(%arg14 : memref<32x128xf32, #tpu.memory_space<vmem>>) target_semaphore(%arg30 : memref<!tpu.dma_semaphore, #tpu.memory_space<semaphore_mem>>)
    %dma_start3A_106 = arith.constant 0 : i32
    %dma_start3A_107 = tpu.memref_slice %arg5[%dma_start3A_106, %multiple_of3A_101] : memref<32x1000000xf32, #tpu.memory_space<hbm>> -> memref<32x128xf32, #tpu.memory_space<hbm>>
    %dma_start3A_108 = arith.constant 0 : i32
    %dma_start3A_109 = tpu.memref_slice %arg5[%dma_start3A_108, %multiple_of3A_101] : memref<32x1000000xf32, #tpu.memory_space<hbm>> -> memref<32x128xf32, #tpu.memory_space<hbm>>
    tpu.enqueue_dma source(%dma_start3A_109 : memref<32x128xf32, #tpu.memory_space<hbm>>) target(%arg22 : memref<32x128xf32, #tpu.memory_space<vmem>>) target_semaphore(%arg38 : memref<!tpu.dma_semaphore, #tpu.memory_space<semaphore_mem>>)
    %slice3A_110 = vector.extract_strided_slice %get3A_3 {offsets = [5], sizes = [1], strides = [1]} : vector<16xi32> to vector<1xi32>
    %squeeze3A_111 = vector.extract %slice3A_110[0] : i32 from vector<1xi32>
    %shift_right_arithmetic3A_112 = arith.constant 7 : i32
    %shift_right_arithmetic3A_113 = arith.shrsi %squeeze3A_111, %shift_right_arithmetic3A_112 : i32
    %shift_left3A_114 = arith.constant 7 : i32
    %shift_left3A_115 = arith.shli %shift_right_arithmetic3A_113, %shift_left3A_114 : i32
    %multiple_of3A_116 = tpu.assume_multiple %shift_left3A_115, 128 : i32
    %slice3A_117 = vector.extract_strided_slice %get3A_5 {offsets = [5], sizes = [1], strides = [1]} : vector<16xi32> to vector<1xi32>
    %squeeze3A_118 = vector.extract %slice3A_117[0] : i32 from vector<1xi32>
    %shift_right_arithmetic3A_119 = arith.constant 7 : i32
    %shift_right_arithmetic3A_120 = arith.shrsi %squeeze3A_118, %shift_right_arithmetic3A_119 : i32
    %shift_left3A_121 = arith.constant 7 : i32
    %shift_left3A_122 = arith.shli %shift_right_arithmetic3A_120, %shift_left3A_121 : i32
    %multiple_of3A_123 = tpu.assume_multiple %shift_left3A_122, 128 : i32
    %dma_start3A_124 = arith.constant 0 : i32
    %dma_start3A_125 = tpu.memref_slice %arg4[%dma_start3A_124, %multiple_of3A_116] : memref<32x1000000xf32, #tpu.memory_space<hbm>> -> memref<32x128xf32, #tpu.memory_space<hbm>>
    %dma_start3A_126 = arith.constant 0 : i32
    %dma_start3A_127 = tpu.memref_slice %arg4[%dma_start3A_126, %multiple_of3A_116] : memref<32x1000000xf32, #tpu.memory_space<hbm>> -> memref<32x128xf32, #tpu.memory_space<hbm>>
    tpu.enqueue_dma source(%dma_start3A_127 : memref<32x128xf32, #tpu.memory_space<hbm>>) target(%arg15 : memref<32x128xf32, #tpu.memory_space<vmem>>) target_semaphore(%arg31 : memref<!tpu.dma_semaphore, #tpu.memory_space<semaphore_mem>>)
    %dma_start3A_128 = arith.constant 0 : i32
    %dma_start3A_129 = tpu.memref_slice %arg5[%dma_start3A_128, %multiple_of3A_123] : memref<32x1000000xf32, #tpu.memory_space<hbm>> -> memref<32x128xf32, #tpu.memory_space<hbm>>
    %dma_start3A_130 = arith.constant 0 : i32
    %dma_start3A_131 = tpu.memref_slice %arg5[%dma_start3A_130, %multiple_of3A_123] : memref<32x1000000xf32, #tpu.memory_space<hbm>> -> memref<32x128xf32, #tpu.memory_space<hbm>>
    tpu.enqueue_dma source(%dma_start3A_131 : memref<32x128xf32, #tpu.memory_space<hbm>>) target(%arg23 : memref<32x128xf32, #tpu.memory_space<vmem>>) target_semaphore(%arg39 : memref<!tpu.dma_semaphore, #tpu.memory_space<semaphore_mem>>)
    %slice3A_132 = vector.extract_strided_slice %get3A_3 {offsets = [6], sizes = [1], strides = [1]} : vector<16xi32> to vector<1xi32>
    %squeeze3A_133 = vector.extract %slice3A_132[0] : i32 from vector<1xi32>
    %shift_right_arithmetic3A_134 = arith.constant 7 : i32
    %shift_right_arithmetic3A_135 = arith.shrsi %squeeze3A_133, %shift_right_arithmetic3A_134 : i32
    %shift_left3A_136 = arith.constant 7 : i32
    %shift_left3A_137 = arith.shli %shift_right_arithmetic3A_135, %shift_left3A_136 : i32
    %multiple_of3A_138 = tpu.assume_multiple %shift_left3A_137, 128 : i32
    %slice3A_139 = vector.extract_strided_slice %get3A_5 {offsets = [6], sizes = [1], strides = [1]} : vector<16xi32> to vector<1xi32>
    %squeeze3A_140 = vector.extract %slice3A_139[0] : i32 from vector<1xi32>
    %shift_right_arithmetic3A_141 = arith.constant 7 : i32
    %shift_right_arithmetic3A_142 = arith.shrsi %squeeze3A_140, %shift_right_arithmetic3A_141 : i32
    %shift_left3A_143 = arith.constant 7 : i32
    %shift_left3A_144 = arith.shli %shift_right_arithmetic3A_142, %shift_left3A_143 : i32
    %multiple_of3A_145 = tpu.assume_multiple %shift_left3A_144, 128 : i32
    %dma_start3A_146 = arith.constant 0 : i32
    %dma_start3A_147 = tpu.memref_slice %arg4[%dma_start3A_146, %multiple_of3A_138] : memref<32x1000000xf32, #tpu.memory_space<hbm>> -> memref<32x128xf32, #tpu.memory_space<hbm>>
    %dma_start3A_148 = arith.constant 0 : i32
    %dma_start3A_149 = tpu.memref_slice %arg4[%dma_start3A_148, %multiple_of3A_138] : memref<32x1000000xf32, #tpu.memory_space<hbm>> -> memref<32x128xf32, #tpu.memory_space<hbm>>
    tpu.enqueue_dma source(%dma_start3A_149 : memref<32x128xf32, #tpu.memory_space<hbm>>) target(%arg16 : memref<32x128xf32, #tpu.memory_space<vmem>>) target_semaphore(%arg32 : memref<!tpu.dma_semaphore, #tpu.memory_space<semaphore_mem>>)
    %dma_start3A_150 = arith.constant 0 : i32
    %dma_start3A_151 = tpu.memref_slice %arg5[%dma_start3A_150, %multiple_of3A_145] : memref<32x1000000xf32, #tpu.memory_space<hbm>> -> memref<32x128xf32, #tpu.memory_space<hbm>>
    %dma_start3A_152 = arith.constant 0 : i32
    %dma_start3A_153 = tpu.memref_slice %arg5[%dma_start3A_152, %multiple_of3A_145] : memref<32x1000000xf32, #tpu.memory_space<hbm>> -> memref<32x128xf32, #tpu.memory_space<hbm>>
    tpu.enqueue_dma source(%dma_start3A_153 : memref<32x128xf32, #tpu.memory_space<hbm>>) target(%arg24 : memref<32x128xf32, #tpu.memory_space<vmem>>) target_semaphore(%arg40 : memref<!tpu.dma_semaphore, #tpu.memory_space<semaphore_mem>>)
    %slice3A_154 = vector.extract_strided_slice %get3A_3 {offsets = [7], sizes = [1], strides = [1]} : vector<16xi32> to vector<1xi32>
    %squeeze3A_155 = vector.extract %slice3A_154[0] : i32 from vector<1xi32>
    %shift_right_arithmetic3A_156 = arith.constant 7 : i32
    %shift_right_arithmetic3A_157 = arith.shrsi %squeeze3A_155, %shift_right_arithmetic3A_156 : i32
    %shift_left3A_158 = arith.constant 7 : i32
    %shift_left3A_159 = arith.shli %shift_right_arithmetic3A_157, %shift_left3A_158 : i32
    %multiple_of3A_160 = tpu.assume_multiple %shift_left3A_159, 128 : i32
    %slice3A_161 = vector.extract_strided_slice %get3A_5 {offsets = [7], sizes = [1], strides = [1]} : vector<16xi32> to vector<1xi32>
    %squeeze3A_162 = vector.extract %slice3A_161[0] : i32 from vector<1xi32>
    %shift_right_arithmetic3A_163 = arith.constant 7 : i32
    %shift_right_arithmetic3A_164 = arith.shrsi %squeeze3A_162, %shift_right_arithmetic3A_163 : i32
    %shift_left3A_165 = arith.constant 7 : i32
    %shift_left3A_166 = arith.shli %shift_right_arithmetic3A_164, %shift_left3A_165 : i32
    %multiple_of3A_167 = tpu.assume_multiple %shift_left3A_166, 128 : i32
    %dma_start3A_168 = arith.constant 0 : i32
    %dma_start3A_169 = tpu.memref_slice %arg4[%dma_start3A_168, %multiple_of3A_160] : memref<32x1000000xf32, #tpu.memory_space<hbm>> -> memref<32x128xf32, #tpu.memory_space<hbm>>
    %dma_start3A_170 = arith.constant 0 : i32
    %dma_start3A_171 = tpu.memref_slice %arg4[%dma_start3A_170, %multiple_of3A_160] : memref<32x1000000xf32, #tpu.memory_space<hbm>> -> memref<32x128xf32, #tpu.memory_space<hbm>>
    tpu.enqueue_dma source(%dma_start3A_171 : memref<32x128xf32, #tpu.memory_space<hbm>>) target(%arg17 : memref<32x128xf32, #tpu.memory_space<vmem>>) target_semaphore(%arg33 : memref<!tpu.dma_semaphore, #tpu.memory_space<semaphore_mem>>)
    %dma_start3A_172 = arith.constant 0 : i32
    %dma_start3A_173 = tpu.memref_slice %arg5[%dma_start3A_172, %multiple_of3A_167] : memref<32x1000000xf32, #tpu.memory_space<hbm>> -> memref<32x128xf32, #tpu.memory_space<hbm>>
    %dma_start3A_174 = arith.constant 0 : i32
    %dma_start3A_175 = tpu.memref_slice %arg5[%dma_start3A_174, %multiple_of3A_167] : memref<32x1000000xf32, #tpu.memory_space<hbm>> -> memref<32x128xf32, #tpu.memory_space<hbm>>
    tpu.enqueue_dma source(%dma_start3A_175 : memref<32x128xf32, #tpu.memory_space<hbm>>) target(%arg25 : memref<32x128xf32, #tpu.memory_space<vmem>>) target_semaphore(%arg41 : memref<!tpu.dma_semaphore, #tpu.memory_space<semaphore_mem>>)
    %scan3A = arith.constant 0 : i32
    %scan3A_176 = arith.constant 0 : i32
    %scan3A_177 = arith.constant 32 : i32
    %scan3A_178 = arith.addi %scan3A_176, %scan3A_177 : i32
    %scan3A_179 = arith.constant 1 : i32
    scf.for %scan3A_181 = %scan3A_176 to %scan3A_178 step %scan3A_179  : i32 {
      %mul3A_182 = arith.constant 16 : i32
      %mul3A_183 = arith.muli %scan3A_181, %mul3A_182 : i32
      %get3A_184 = arith.index_cast %mul3A_183 : i32 to index
      %get3A_185 = tpu.vector_load %arg7[%get3A_184] {strides = array<i32>} : memref<512xi32, #tpu.memory_space<vmem>>, vector<16xi32>,
      %mul3A_186 = arith.constant 16 : i32
      %mul3A_187 = arith.muli %scan3A_181, %mul3A_186 : i32
      %get3A_188 = arith.index_cast %mul3A_187 : i32 to index
      %get3A_189 = tpu.vector_load %arg8[%get3A_188] {strides = array<i32>} : memref<512xi32, #tpu.memory_space<vmem>>, vector<16xi32>,
      %add3A_190 = arith.constant 1 : i32
      %add3A_191 = arith.addi %scan3A_181, %add3A_190 : i32
      %min3A = arith.constant 31 : i32
      %min3A_192 = arith.minsi %add3A_191, %min3A : i32
      %mul3A_193 = arith.constant 16 : i32
      %mul3A_194 = arith.muli %min3A_192, %mul3A_193 : i32
      %get3A_195 = arith.index_cast %mul3A_194 : i32 to index
      %get3A_196 = tpu.vector_load %arg7[%get3A_195] {strides = array<i32>} : memref<512xi32, #tpu.memory_space<vmem>>, vector<16xi32>,
      %mul3A_197 = arith.constant 16 : i32
      %mul3A_198 = arith.muli %min3A_192, %mul3A_197 : i32
      %get3A_199 = arith.index_cast %mul3A_198 : i32 to index
      %get3A_200 = tpu.vector_load %arg8[%get3A_199] {strides = array<i32>} : memref<512xi32, #tpu.memory_space<vmem>>, vector<16xi32>,
      %slice3A_201 = vector.extract_strided_slice %get3A_185 {offsets = [0], sizes = [1], strides = [1]} : vector<16xi32> to vector<1xi32>
      %squeeze3A_202 = vector.extract %slice3A_201[0] : i32 from vector<1xi32>
      %and3A = arith.constant 127 : i32
      %and3A_203 = arith.andi %squeeze3A_202, %and3A : i32
      %broadcast_in_dim3A = vector.broadcast %and3A_203 : i32 to vector<16xi32>
      %slice3A_204 = vector.extract_strided_slice %get3A_189 {offsets = [0], sizes = [1], strides = [1]} : vector<16xi32> to vector<1xi32>
      %squeeze3A_205 = vector.extract %slice3A_204[0] : i32 from vector<1xi32>
      %and3A_206 = arith.constant 127 : i32
      %and3A_207 = arith.andi %squeeze3A_205, %and3A_206 : i32
      %broadcast_in_dim3A_208 = vector.broadcast %and3A_207 : i32 to vector<16xi32>
      %dma_wait3A = arith.constant 0 : i32
      %dma_wait3A_209 = arith.constant 0 : i32
      %dma_wait3A_210 = tpu.memref_slice %arg4[%dma_wait3A, %dma_wait3A_209] : memref<32x1000000xf32, #tpu.memory_space<hbm>> -> memref<32x128xf32, #tpu.memory_space<hbm>>
      %dma_wait3A_211 = arith.constant 0 : i32
      %dma_wait3A_212 = arith.constant 0 : i32
      %dma_wait3A_213 = tpu.memref_slice %arg4[%dma_wait3A_211, %dma_wait3A_212] : memref<32x1000000xf32, #tpu.memory_space<hbm>> -> memref<32x128xf32, #tpu.memory_space<hbm>>
      tpu.wait_dma2 semaphore(%arg26 : memref<!tpu.dma_semaphore, #tpu.memory_space<semaphore_mem>>) src(%dma_wait3A_213 : memref<32x128xf32, #tpu.memory_space<hbm>>) dst(%arg10 : memref<32x128xf32, #tpu.memory_space<vmem>>)
      %dma_wait3A_214 = arith.constant 0 : i32
      %dma_wait3A_215 = arith.constant 0 : i32
      %dma_wait3A_216 = tpu.memref_slice %arg5[%dma_wait3A_214, %dma_wait3A_215] : memref<32x1000000xf32, #tpu.memory_space<hbm>> -> memref<32x128xf32, #tpu.memory_space<hbm>>
      %dma_wait3A_217 = arith.constant 0 : i32
      %dma_wait3A_218 = arith.constant 0 : i32
      %dma_wait3A_219 = tpu.memref_slice %arg5[%dma_wait3A_217, %dma_wait3A_218] : memref<32x1000000xf32, #tpu.memory_space<hbm>> -> memref<32x128xf32, #tpu.memory_space<hbm>>
      tpu.wait_dma2 semaphore(%arg34 : memref<!tpu.dma_semaphore, #tpu.memory_space<semaphore_mem>>) src(%dma_wait3A_219 : memref<32x128xf32, #tpu.memory_space<hbm>>) dst(%arg18 : memref<32x128xf32, #tpu.memory_space<vmem>>)
      %mul3A_220 = arith.constant 16 : i32
      %mul3A_221 = arith.muli %scan3A_181, %mul3A_220 : i32
      %add3A_222 = arith.constant 0 : i32
      %add3A_223 = arith.addi %mul3A_221, %add3A_222 : i32
      %broadcast_in_dim3A_224 = vector.broadcast %add3A_223 : i32 to vector<16xi32>
      %add3A_225 = arith.constant 0 : i32
      %add3A_226 = vector.broadcast %add3A_225 : i32 to vector<16xi32>
      %add3A_227 = arith.addi %iota3A, %add3A_226 : vector<16xi32>
      %gather3A = tpu.vector_load_idx %arg10[%add3A_227, %broadcast_in_dim3A] : memref<32x128xf32, #tpu.memory_space<vmem>>[vector<16xi32>, vector<16xi32>], vector<16xf32>,
      %add3A_228 = arith.constant 0 : i32
      %add3A_229 = vector.broadcast %add3A_228 : i32 to vector<16xi32>
      %add3A_230 = arith.addi %iota3A, %add3A_229 : vector<16xi32>
      %gather3A_231 = tpu.vector_load_idx %arg18[%add3A_230, %broadcast_in_dim3A_208] : memref<32x128xf32, #tpu.memory_space<vmem>>[vector<16xi32>, vector<16xi32>], vector<16xf32>,
      %add3A_232 = arith.constant 0 : i32
      %add3A_233 = vector.broadcast %add3A_232 : i32 to vector<16xi32>
      %add3A_234 = arith.addi %iota3A, %add3A_233 : vector<16xi32>
      %add3A_235 = arith.constant 1.000000e+00 : f32
      %add3A_236 = vector.broadcast %add3A_235 : f32 to vector<16xf32>
      %add3A_237 = arith.addf %gather3A, %add3A_236 : vector<16xf32>
      %add3A_238 = arith.constant 1.000000e+00 : f32
      %add3A_239 = vector.broadcast %add3A_238 : f32 to vector<16xf32>
      %add3A_240 = arith.addf %gather3A_231, %add3A_239 : vector<16xf32>
      %mul3A_241 = arith.mulf %add3A_237, %add3A_240 : vector<16xf32>
      %mul3A_242 = arith.constant 2.500000e-01 : f32
      %mul3A_243 = vector.broadcast %mul3A_242 : f32 to vector<16xf32>
      %mul3A_244 = arith.mulf %mul3A_241, %mul3A_243 : vector<16xf32>
      tpu.vector_store_idx %arg9[%add3A_234, %broadcast_in_dim3A_224], %mul3A_244 : memref<32x512xf32, #tpu.memory_space<vmem>>[vector<16xi32>, vector<16xi32>], vector<16xf32>,
      %add3A_245 = arith.constant 16 : i32
      %add3A_246 = vector.broadcast %add3A_245 : i32 to vector<16xi32>
      %add3A_247 = arith.addi %iota3A, %add3A_246 : vector<16xi32>
      %gather3A_248 = tpu.vector_load_idx %arg10[%add3A_247, %broadcast_in_dim3A] : memref<32x128xf32, #tpu.memory_space<vmem>>[vector<16xi32>, vector<16xi32>], vector<16xf32>,
      %add3A_249 = arith.constant 16 : i32
      %add3A_250 = vector.broadcast %add3A_249 : i32 to vector<16xi32>
      %add3A_251 = arith.addi %iota3A, %add3A_250 : vector<16xi32>
      %gather3A_252 = tpu.vector_load_idx %arg18[%add3A_251, %broadcast_in_dim3A_208] : memref<32x128xf32, #tpu.memory_space<vmem>>[vector<16xi32>, vector<16xi32>], vector<16xf32>,
      %add3A_253 = arith.constant 16 : i32
      %add3A_254 = vector.broadcast %add3A_253 : i32 to vector<16xi32>
      %add3A_255 = arith.addi %iota3A, %add3A_254 : vector<16xi32>
      %add3A_256 = arith.constant 1.000000e+00 : f32
      %add3A_257 = vector.broadcast %add3A_256 : f32 to vector<16xf32>
      %add3A_258 = arith.addf %gather3A_248, %add3A_257 : vector<16xf32>
      %add3A_259 = arith.constant 1.000000e+00 : f32
      %add3A_260 = vector.broadcast %add3A_259 : f32 to vector<16xf32>
      %add3A_261 = arith.addf %gather3A_252, %add3A_260 : vector<16xf32>
      %mul3A_262 = arith.mulf %add3A_258, %add3A_261 : vector<16xf32>
      %mul3A_263 = arith.constant 2.500000e-01 : f32
      %mul3A_264 = vector.broadcast %mul3A_263 : f32 to vector<16xf32>
      %mul3A_265 = arith.mulf %mul3A_262, %mul3A_264 : vector<16xf32>
      tpu.vector_store_idx %arg9[%add3A_255, %broadcast_in_dim3A_224], %mul3A_265 : memref<32x512xf32, #tpu.memory_space<vmem>>[vector<16xi32>, vector<16xi32>], vector<16xf32>,
      %slice3A_266 = vector.extract_strided_slice %get3A_185 {offsets = [8], sizes = [1], strides = [1]} : vector<16xi32> to vector<1xi32>
      %squeeze3A_267 = vector.extract %slice3A_266[0] : i32 from vector<1xi32>
      %shift_right_arithmetic3A_268 = arith.constant 7 : i32
      %shift_right_arithmetic3A_269 = arith.shrsi %squeeze3A_267, %shift_right_arithmetic3A_268 : i32
      %shift_left3A_270 = arith.constant 7 : i32
      %shift_left3A_271 = arith.shli %shift_right_arithmetic3A_269, %shift_left3A_270 : i32
      %multiple_of3A_272 = tpu.assume_multiple %shift_left3A_271, 128 : i32
      %slice3A_273 = vector.extract_strided_slice %get3A_189 {offsets = [8], sizes = [1], strides = [1]} : vector<16xi32> to vector<1xi32>
      %squeeze3A_274 = vector.extract %slice3A_273[0] : i32 from vector<1xi32>
      %shift_right_arithmetic3A_275 = arith.constant 7 : i32
      %shift_right_arithmetic3A_276 = arith.shrsi %squeeze3A_274, %shift_right_arithmetic3A_275 : i32
      %shift_left3A_277 = arith.constant 7 : i32
      %shift_left3A_278 = arith.shli %shift_right_arithmetic3A_276, %shift_left3A_277 : i32
      %multiple_of3A_279 = tpu.assume_multiple %shift_left3A_278, 128 : i32
      %dma_start3A_280 = arith.constant 0 : i32
      %dma_start3A_281 = tpu.memref_slice %arg4[%dma_start3A_280, %multiple_of3A_272] : memref<32x1000000xf32, #tpu.memory_space<hbm>> -> memref<32x128xf32, #tpu.memory_space<hbm>>
      %dma_start3A_282 = arith.constant 0 : i32
      %dma_start3A_283 = tpu.memref_slice %arg4[%dma_start3A_282, %multiple_of3A_272] : memref<32x1000000xf32, #tpu.memory_space<hbm>> -> memref<32x128xf32, #tpu.memory_space<hbm>>
      tpu.enqueue_dma source(%dma_start3A_283 : memref<32x128xf32, #tpu.memory_space<hbm>>) target(%arg10 : memref<32x128xf32, #tpu.memory_space<vmem>>) target_semaphore(%arg26 : memref<!tpu.dma_semaphore, #tpu.memory_space<semaphore_mem>>)
      %dma_start3A_284 = arith.constant 0 : i32
      %dma_start3A_285 = tpu.memref_slice %arg5[%dma_start3A_284, %multiple_of3A_279] : memref<32x1000000xf32, #tpu.memory_space<hbm>> -> memref<32x128xf32, #tpu.memory_space<hbm>>
      %dma_start3A_286 = arith.constant 0 : i32
      %dma_start3A_287 = tpu.memref_slice %arg5[%dma_start3A_286, %multiple_of3A_279] : memref<32x1000000xf32, #tpu.memory_space<hbm>> -> memref<32x128xf32, #tpu.memory_space<hbm>>
      tpu.enqueue_dma source(%dma_start3A_287 : memref<32x128xf32, #tpu.memory_space<hbm>>) target(%arg18 : memref<32x128xf32, #tpu.memory_space<vmem>>) target_semaphore(%arg34 : memref<!tpu.dma_semaphore, #tpu.memory_space<semaphore_mem>>)
      %slice3A_288 = vector.extract_strided_slice %get3A_185 {offsets = [1], sizes = [1], strides = [1]} : vector<16xi32> to vector<1xi32>
      %squeeze3A_289 = vector.extract %slice3A_288[0] : i32 from vector<1xi32>
      %and3A_290 = arith.constant 127 : i32
      %and3A_291 = arith.andi %squeeze3A_289, %and3A_290 : i32
      %broadcast_in_dim3A_292 = vector.broadcast %and3A_291 : i32 to vector<16xi32>
      %slice3A_293 = vector.extract_strided_slice %get3A_189 {offsets = [1], sizes = [1], strides = [1]} : vector<16xi32> to vector<1xi32>
      %squeeze3A_294 = vector.extract %slice3A_293[0] : i32 from vector<1xi32>
      %and3A_295 = arith.constant 127 : i32
      %and3A_296 = arith.andi %squeeze3A_294, %and3A_295 : i32
      %broadcast_in_dim3A_297 = vector.broadcast %and3A_296 : i32 to vector<16xi32>
      %dma_wait3A_298 = arith.constant 0 : i32
      %dma_wait3A_299 = arith.constant 0 : i32
      %dma_wait3A_300 = tpu.memref_slice %arg4[%dma_wait3A_298, %dma_wait3A_299] : memref<32x1000000xf32, #tpu.memory_space<hbm>> -> memref<32x128xf32, #tpu.memory_space<hbm>>
      %dma_wait3A_301 = arith.constant 0 : i32
      %dma_wait3A_302 = arith.constant 0 : i32
      %dma_wait3A_303 = tpu.memref_slice %arg4[%dma_wait3A_301, %dma_wait3A_302] : memref<32x1000000xf32, #tpu.memory_space<hbm>> -> memref<32x128xf32, #tpu.memory_space<hbm>>
      tpu.wait_dma2 semaphore(%arg27 : memref<!tpu.dma_semaphore, #tpu.memory_space<semaphore_mem>>) src(%dma_wait3A_303 : memref<32x128xf32, #tpu.memory_space<hbm>>) dst(%arg11 : memref<32x128xf32, #tpu.memory_space<vmem>>)
      %dma_wait3A_304 = arith.constant 0 : i32
      %dma_wait3A_305 = arith.constant 0 : i32
      %dma_wait3A_306 = tpu.memref_slice %arg5[%dma_wait3A_304, %dma_wait3A_305] : memref<32x1000000xf32, #tpu.memory_space<hbm>> -> memref<32x128xf32, #tpu.memory_space<hbm>>
      %dma_wait3A_307 = arith.constant 0 : i32
      %dma_wait3A_308 = arith.constant 0 : i32
      %dma_wait3A_309 = tpu.memref_slice %arg5[%dma_wait3A_307, %dma_wait3A_308] : memref<32x1000000xf32, #tpu.memory_space<hbm>> -> memref<32x128xf32, #tpu.memory_space<hbm>>
      tpu.wait_dma2 semaphore(%arg35 : memref<!tpu.dma_semaphore, #tpu.memory_space<semaphore_mem>>) src(%dma_wait3A_309 : memref<32x128xf32, #tpu.memory_space<hbm>>) dst(%arg19 : memref<32x128xf32, #tpu.memory_space<vmem>>)
      %mul3A_310 = arith.constant 16 : i32
      %mul3A_311 = arith.muli %scan3A_181, %mul3A_310 : i32
      %add3A_312 = arith.constant 1 : i32
      %add3A_313 = arith.addi %mul3A_311, %add3A_312 : i32
      %broadcast_in_dim3A_314 = vector.broadcast %add3A_313 : i32 to vector<16xi32>
      %add3A_315 = arith.constant 0 : i32
      %add3A_316 = vector.broadcast %add3A_315 : i32 to vector<16xi32>
      %add3A_317 = arith.addi %iota3A, %add3A_316 : vector<16xi32>
      %gather3A_318 = tpu.vector_load_idx %arg11[%add3A_317, %broadcast_in_dim3A_292] : memref<32x128xf32, #tpu.memory_space<vmem>>[vector<16xi32>, vector<16xi32>], vector<16xf32>,
      %add3A_319 = arith.constant 0 : i32
      %add3A_320 = vector.broadcast %add3A_319 : i32 to vector<16xi32>
      %add3A_321 = arith.addi %iota3A, %add3A_320 : vector<16xi32>
      %gather3A_322 = tpu.vector_load_idx %arg19[%add3A_321, %broadcast_in_dim3A_297] : memref<32x128xf32, #tpu.memory_space<vmem>>[vector<16xi32>, vector<16xi32>], vector<16xf32>,
      %add3A_323 = arith.constant 0 : i32
      %add3A_324 = vector.broadcast %add3A_323 : i32 to vector<16xi32>
      %add3A_325 = arith.addi %iota3A, %add3A_324 : vector<16xi32>
      %add3A_326 = arith.constant 1.000000e+00 : f32
      %add3A_327 = vector.broadcast %add3A_326 : f32 to vector<16xf32>
      %add3A_328 = arith.addf %gather3A_318, %add3A_327 : vector<16xf32>
      %add3A_329 = arith.constant 1.000000e+00 : f32
      %add3A_330 = vector.broadcast %add3A_329 : f32 to vector<16xf32>
      %add3A_331 = arith.addf %gather3A_322, %add3A_330 : vector<16xf32>
      %mul3A_332 = arith.mulf %add3A_328, %add3A_331 : vector<16xf32>
      %mul3A_333 = arith.constant 2.500000e-01 : f32
      %mul3A_334 = vector.broadcast %mul3A_333 : f32 to vector<16xf32>
      %mul3A_335 = arith.mulf %mul3A_332, %mul3A_334 : vector<16xf32>
      tpu.vector_store_idx %arg9[%add3A_325, %broadcast_in_dim3A_314], %mul3A_335 : memref<32x512xf32, #tpu.memory_space<vmem>>[vector<16xi32>, vector<16xi32>], vector<16xf32>,
      %add3A_336 = arith.constant 16 : i32
      %add3A_337 = vector.broadcast %add3A_336 : i32 to vector<16xi32>
      %add3A_338 = arith.addi %iota3A, %add3A_337 : vector<16xi32>
      %gather3A_339 = tpu.vector_load_idx %arg11[%add3A_338, %broadcast_in_dim3A_292] : memref<32x128xf32, #tpu.memory_space<vmem>>[vector<16xi32>, vector<16xi32>], vector<16xf32>,
      %add3A_340 = arith.constant 16 : i32
      %add3A_341 = vector.broadcast %add3A_340 : i32 to vector<16xi32>
      %add3A_342 = arith.addi %iota3A, %add3A_341 : vector<16xi32>
      %gather3A_343 = tpu.vector_load_idx %arg19[%add3A_342, %broadcast_in_dim3A_297] : memref<32x128xf32, #tpu.memory_space<vmem>>[vector<16xi32>, vector<16xi32>], vector<16xf32>,
      %add3A_344 = arith.constant 16 : i32
      %add3A_345 = vector.broadcast %add3A_344 : i32 to vector<16xi32>
      %add3A_346 = arith.addi %iota3A, %add3A_345 : vector<16xi32>
      %add3A_347 = arith.constant 1.000000e+00 : f32
      %add3A_348 = vector.broadcast %add3A_347 : f32 to vector<16xf32>
      %add3A_349 = arith.addf %gather3A_339, %add3A_348 : vector<16xf32>
      %add3A_350 = arith.constant 1.000000e+00 : f32
      %add3A_351 = vector.broadcast %add3A_350 : f32 to vector<16xf32>
      %add3A_352 = arith.addf %gather3A_343, %add3A_351 : vector<16xf32>
      %mul3A_353 = arith.mulf %add3A_349, %add3A_352 : vector<16xf32>
      %mul3A_354 = arith.constant 2.500000e-01 : f32
      %mul3A_355 = vector.broadcast %mul3A_354 : f32 to vector<16xf32>
      %mul3A_356 = arith.mulf %mul3A_353, %mul3A_355 : vector<16xf32>
      tpu.vector_store_idx %arg9[%add3A_346, %broadcast_in_dim3A_314], %mul3A_356 : memref<32x512xf32, #tpu.memory_space<vmem>>[vector<16xi32>, vector<16xi32>], vector<16xf32>,
      %slice3A_357 = vector.extract_strided_slice %get3A_185 {offsets = [9], sizes = [1], strides = [1]} : vector<16xi32> to vector<1xi32>
      %squeeze3A_358 = vector.extract %slice3A_357[0] : i32 from vector<1xi32>
      %shift_right_arithmetic3A_359 = arith.constant 7 : i32
      %shift_right_arithmetic3A_360 = arith.shrsi %squeeze3A_358, %shift_right_arithmetic3A_359 : i32
      %shift_left3A_361 = arith.constant 7 : i32
      %shift_left3A_362 = arith.shli %shift_right_arithmetic3A_360, %shift_left3A_361 : i32
      %multiple_of3A_363 = tpu.assume_multiple %shift_left3A_362, 128 : i32
      %slice3A_364 = vector.extract_strided_slice %get3A_189 {offsets = [9], sizes = [1], strides = [1]} : vector<16xi32> to vector<1xi32>
      %squeeze3A_365 = vector.extract %slice3A_364[0] : i32 from vector<1xi32>
      %shift_right_arithmetic3A_366 = arith.constant 7 : i32
      %shift_right_arithmetic3A_367 = arith.shrsi %squeeze3A_365, %shift_right_arithmetic3A_366 : i32
      %shift_left3A_368 = arith.constant 7 : i32
      %shift_left3A_369 = arith.shli %shift_right_arithmetic3A_367, %shift_left3A_368 : i32
      %multiple_of3A_370 = tpu.assume_multiple %shift_left3A_369, 128 : i32
      %dma_start3A_371 = arith.constant 0 : i32
      %dma_start3A_372 = tpu.memref_slice %arg4[%dma_start3A_371, %multiple_of3A_363] : memref<32x1000000xf32, #tpu.memory_space<hbm>> -> memref<32x128xf32, #tpu.memory_space<hbm>>
      %dma_start3A_373 = arith.constant 0 : i32
      %dma_start3A_374 = tpu.memref_slice %arg4[%dma_start3A_373, %multiple_of3A_363] : memref<32x1000000xf32, #tpu.memory_space<hbm>> -> memref<32x128xf32, #tpu.memory_space<hbm>>
      tpu.enqueue_dma source(%dma_start3A_374 : memref<32x128xf32, #tpu.memory_space<hbm>>) target(%arg11 : memref<32x128xf32, #tpu.memory_space<vmem>>) target_semaphore(%arg27 : memref<!tpu.dma_semaphore, #tpu.memory_space<semaphore_mem>>)
      %dma_start3A_375 = arith.constant 0 : i32
      %dma_start3A_376 = tpu.memref_slice %arg5[%dma_start3A_375, %multiple_of3A_370] : memref<32x1000000xf32, #tpu.memory_space<hbm>> -> memref<32x128xf32, #tpu.memory_space<hbm>>
      %dma_start3A_377 = arith.constant 0 : i32
      %dma_start3A_378 = tpu.memref_slice %arg5[%dma_start3A_377, %multiple_of3A_370] : memref<32x1000000xf32, #tpu.memory_space<hbm>> -> memref<32x128xf32, #tpu.memory_space<hbm>>
      tpu.enqueue_dma source(%dma_start3A_378 : memref<32x128xf32, #tpu.memory_space<hbm>>) target(%arg19 : memref<32x128xf32, #tpu.memory_space<vmem>>) target_semaphore(%arg35 : memref<!tpu.dma_semaphore, #tpu.memory_space<semaphore_mem>>)
      %slice3A_379 = vector.extract_strided_slice %get3A_185 {offsets = [2], sizes = [1], strides = [1]} : vector<16xi32> to vector<1xi32>
      %squeeze3A_380 = vector.extract %slice3A_379[0] : i32 from vector<1xi32>
      %and3A_381 = arith.constant 127 : i32
      %and3A_382 = arith.andi %squeeze3A_380, %and3A_381 : i32
      %broadcast_in_dim3A_383 = vector.broadcast %and3A_382 : i32 to vector<16xi32>
      %slice3A_384 = vector.extract_strided_slice %get3A_189 {offsets = [2], sizes = [1], strides = [1]} : vector<16xi32> to vector<1xi32>
      %squeeze3A_385 = vector.extract %slice3A_384[0] : i32 from vector<1xi32>
      %and3A_386 = arith.constant 127 : i32
      %and3A_387 = arith.andi %squeeze3A_385, %and3A_386 : i32
      %broadcast_in_dim3A_388 = vector.broadcast %and3A_387 : i32 to vector<16xi32>
      %dma_wait3A_389 = arith.constant 0 : i32
      %dma_wait3A_390 = arith.constant 0 : i32
      %dma_wait3A_391 = tpu.memref_slice %arg4[%dma_wait3A_389, %dma_wait3A_390] : memref<32x1000000xf32, #tpu.memory_space<hbm>> -> memref<32x128xf32, #tpu.memory_space<hbm>>
      %dma_wait3A_392 = arith.constant 0 : i32
      %dma_wait3A_393 = arith.constant 0 : i32
      %dma_wait3A_394 = tpu.memref_slice %arg4[%dma_wait3A_392, %dma_wait3A_393] : memref<32x1000000xf32, #tpu.memory_space<hbm>> -> memref<32x128xf32, #tpu.memory_space<hbm>>
      tpu.wait_dma2 semaphore(%arg28 : memref<!tpu.dma_semaphore, #tpu.memory_space<semaphore_mem>>) src(%dma_wait3A_394 : memref<32x128xf32, #tpu.memory_space<hbm>>) dst(%arg12 : memref<32x128xf32, #tpu.memory_space<vmem>>)
      %dma_wait3A_395 = arith.constant 0 : i32
      %dma_wait3A_396 = arith.constant 0 : i32
      %dma_wait3A_397 = tpu.memref_slice %arg5[%dma_wait3A_395, %dma_wait3A_396] : memref<32x1000000xf32, #tpu.memory_space<hbm>> -> memref<32x128xf32, #tpu.memory_space<hbm>>
      %dma_wait3A_398 = arith.constant 0 : i32
      %dma_wait3A_399 = arith.constant 0 : i32
      %dma_wait3A_400 = tpu.memref_slice %arg5[%dma_wait3A_398, %dma_wait3A_399] : memref<32x1000000xf32, #tpu.memory_space<hbm>> -> memref<32x128xf32, #tpu.memory_space<hbm>>
      tpu.wait_dma2 semaphore(%arg36 : memref<!tpu.dma_semaphore, #tpu.memory_space<semaphore_mem>>) src(%dma_wait3A_400 : memref<32x128xf32, #tpu.memory_space<hbm>>) dst(%arg20 : memref<32x128xf32, #tpu.memory_space<vmem>>)
      %mul3A_401 = arith.constant 16 : i32
      %mul3A_402 = arith.muli %scan3A_181, %mul3A_401 : i32
      %add3A_403 = arith.constant 2 : i32
      %add3A_404 = arith.addi %mul3A_402, %add3A_403 : i32
      %broadcast_in_dim3A_405 = vector.broadcast %add3A_404 : i32 to vector<16xi32>
      %add3A_406 = arith.constant 0 : i32
      %add3A_407 = vector.broadcast %add3A_406 : i32 to vector<16xi32>
      %add3A_408 = arith.addi %iota3A, %add3A_407 : vector<16xi32>
      %gather3A_409 = tpu.vector_load_idx %arg12[%add3A_408, %broadcast_in_dim3A_383] : memref<32x128xf32, #tpu.memory_space<vmem>>[vector<16xi32>, vector<16xi32>], vector<16xf32>,
      %add3A_410 = arith.constant 0 : i32
      %add3A_411 = vector.broadcast %add3A_410 : i32 to vector<16xi32>
      %add3A_412 = arith.addi %iota3A, %add3A_411 : vector<16xi32>
      %gather3A_413 = tpu.vector_load_idx %arg20[%add3A_412, %broadcast_in_dim3A_388] : memref<32x128xf32, #tpu.memory_space<vmem>>[vector<16xi32>, vector<16xi32>], vector<16xf32>,
      %add3A_414 = arith.constant 0 : i32
      %add3A_415 = vector.broadcast %add3A_414 : i32 to vector<16xi32>
      %add3A_416 = arith.addi %iota3A, %add3A_415 : vector<16xi32>
      %add3A_417 = arith.constant 1.000000e+00 : f32
      %add3A_418 = vector.broadcast %add3A_417 : f32 to vector<16xf32>
      %add3A_419 = arith.addf %gather3A_409, %add3A_418 : vector<16xf32>
      %add3A_420 = arith.constant 1.000000e+00 : f32
      %add3A_421 = vector.broadcast %add3A_420 : f32 to vector<16xf32>
      %add3A_422 = arith.addf %gather3A_413, %add3A_421 : vector<16xf32>
      %mul3A_423 = arith.mulf %add3A_419, %add3A_422 : vector<16xf32>
      %mul3A_424 = arith.constant 2.500000e-01 : f32
      %mul3A_425 = vector.broadcast %mul3A_424 : f32 to vector<16xf32>
      %mul3A_426 = arith.mulf %mul3A_423, %mul3A_425 : vector<16xf32>
      tpu.vector_store_idx %arg9[%add3A_416, %broadcast_in_dim3A_405], %mul3A_426 : memref<32x512xf32, #tpu.memory_space<vmem>>[vector<16xi32>, vector<16xi32>], vector<16xf32>,
      %add3A_427 = arith.constant 16 : i32
      %add3A_428 = vector.broadcast %add3A_427 : i32 to vector<16xi32>
      %add3A_429 = arith.addi %iota3A, %add3A_428 : vector<16xi32>
      %gather3A_430 = tpu.vector_load_idx %arg12[%add3A_429, %broadcast_in_dim3A_383] : memref<32x128xf32, #tpu.memory_space<vmem>>[vector<16xi32>, vector<16xi32>], vector<16xf32>,
      %add3A_431 = arith.constant 16 : i32
      %add3A_432 = vector.broadcast %add3A_431 : i32 to vector<16xi32>
      %add3A_433 = arith.addi %iota3A, %add3A_432 : vector<16xi32>
      %gather3A_434 = tpu.vector_load_idx %arg20[%add3A_433, %broadcast_in_dim3A_388] : memref<32x128xf32, #tpu.memory_space<vmem>>[vector<16xi32>, vector<16xi32>], vector<16xf32>,
      %add3A_435 = arith.constant 16 : i32
      %add3A_436 = vector.broadcast %add3A_435 : i32 to vector<16xi32>
      %add3A_437 = arith.addi %iota3A, %add3A_436 : vector<16xi32>
      %add3A_438 = arith.constant 1.000000e+00 : f32
      %add3A_439 = vector.broadcast %add3A_438 : f32 to vector<16xf32>
      %add3A_440 = arith.addf %gather3A_430, %add3A_439 : vector<16xf32>
      %add3A_441 = arith.constant 1.000000e+00 : f32
      %add3A_442 = vector.broadcast %add3A_441 : f32 to vector<16xf32>
      %add3A_443 = arith.addf %gather3A_434, %add3A_442 : vector<16xf32>
      %mul3A_444 = arith.mulf %add3A_440, %add3A_443 : vector<16xf32>
      %mul3A_445 = arith.constant 2.500000e-01 : f32
      %mul3A_446 = vector.broadcast %mul3A_445 : f32 to vector<16xf32>
      %mul3A_447 = arith.mulf %mul3A_444, %mul3A_446 : vector<16xf32>
      tpu.vector_store_idx %arg9[%add3A_437, %broadcast_in_dim3A_405], %mul3A_447 : memref<32x512xf32, #tpu.memory_space<vmem>>[vector<16xi32>, vector<16xi32>], vector<16xf32>,
      %slice3A_448 = vector.extract_strided_slice %get3A_185 {offsets = [10], sizes = [1], strides = [1]} : vector<16xi32> to vector<1xi32>
      %squeeze3A_449 = vector.extract %slice3A_448[0] : i32 from vector<1xi32>
      %shift_right_arithmetic3A_450 = arith.constant 7 : i32
      %shift_right_arithmetic3A_451 = arith.shrsi %squeeze3A_449, %shift_right_arithmetic3A_450 : i32
      %shift_left3A_452 = arith.constant 7 : i32
      %shift_left3A_453 = arith.shli %shift_right_arithmetic3A_451, %shift_left3A_452 : i32
      %multiple_of3A_454 = tpu.assume_multiple %shift_left3A_453, 128 : i32
      %slice3A_455 = vector.extract_strided_slice %get3A_189 {offsets = [10], sizes = [1], strides = [1]} : vector<16xi32> to vector<1xi32>
      %squeeze3A_456 = vector.extract %slice3A_455[0] : i32 from vector<1xi32>
      %shift_right_arithmetic3A_457 = arith.constant 7 : i32
      %shift_right_arithmetic3A_458 = arith.shrsi %squeeze3A_456, %shift_right_arithmetic3A_457 : i32
      %shift_left3A_459 = arith.constant 7 : i32
      %shift_left3A_460 = arith.shli %shift_right_arithmetic3A_458, %shift_left3A_459 : i32
      %multiple_of3A_461 = tpu.assume_multiple %shift_left3A_460, 128 : i32
      %dma_start3A_462 = arith.constant 0 : i32
      %dma_start3A_463 = tpu.memref_slice %arg4[%dma_start3A_462, %multiple_of3A_454] : memref<32x1000000xf32, #tpu.memory_space<hbm>> -> memref<32x128xf32, #tpu.memory_space<hbm>>
      %dma_start3A_464 = arith.constant 0 : i32
      %dma_start3A_465 = tpu.memref_slice %arg4[%dma_start3A_464, %multiple_of3A_454] : memref<32x1000000xf32, #tpu.memory_space<hbm>> -> memref<32x128xf32, #tpu.memory_space<hbm>>
      tpu.enqueue_dma source(%dma_start3A_465 : memref<32x128xf32, #tpu.memory_space<hbm>>) target(%arg12 : memref<32x128xf32, #tpu.memory_space<vmem>>) target_semaphore(%arg28 : memref<!tpu.dma_semaphore, #tpu.memory_space<semaphore_mem>>)
      %dma_start3A_466 = arith.constant 0 : i32
      %dma_start3A_467 = tpu.memref_slice %arg5[%dma_start3A_466, %multiple_of3A_461] : memref<32x1000000xf32, #tpu.memory_space<hbm>> -> memref<32x128xf32, #tpu.memory_space<hbm>>
      %dma_start3A_468 = arith.constant 0 : i32
      %dma_start3A_469 = tpu.memref_slice %arg5[%dma_start3A_468, %multiple_of3A_461] : memref<32x1000000xf32, #tpu.memory_space<hbm>> -> memref<32x128xf32, #tpu.memory_space<hbm>>
      tpu.enqueue_dma source(%dma_start3A_469 : memref<32x128xf32, #tpu.memory_space<hbm>>) target(%arg20 : memref<32x128xf32, #tpu.memory_space<vmem>>) target_semaphore(%arg36 : memref<!tpu.dma_semaphore, #tpu.memory_space<semaphore_mem>>)
      %slice3A_470 = vector.extract_strided_slice %get3A_185 {offsets = [3], sizes = [1], strides = [1]} : vector<16xi32> to vector<1xi32>
      %squeeze3A_471 = vector.extract %slice3A_470[0] : i32 from vector<1xi32>
      %and3A_472 = arith.constant 127 : i32
      %and3A_473 = arith.andi %squeeze3A_471, %and3A_472 : i32
      %broadcast_in_dim3A_474 = vector.broadcast %and3A_473 : i32 to vector<16xi32>
      %slice3A_475 = vector.extract_strided_slice %get3A_189 {offsets = [3], sizes = [1], strides = [1]} : vector<16xi32> to vector<1xi32>
      %squeeze3A_476 = vector.extract %slice3A_475[0] : i32 from vector<1xi32>
      %and3A_477 = arith.constant 127 : i32
      %and3A_478 = arith.andi %squeeze3A_476, %and3A_477 : i32
      %broadcast_in_dim3A_479 = vector.broadcast %and3A_478 : i32 to vector<16xi32>
      %dma_wait3A_480 = arith.constant 0 : i32
      %dma_wait3A_481 = arith.constant 0 : i32
      %dma_wait3A_482 = tpu.memref_slice %arg4[%dma_wait3A_480, %dma_wait3A_481] : memref<32x1000000xf32, #tpu.memory_space<hbm>> -> memref<32x128xf32, #tpu.memory_space<hbm>>
      %dma_wait3A_483 = arith.constant 0 : i32
      %dma_wait3A_484 = arith.constant 0 : i32
      %dma_wait3A_485 = tpu.memref_slice %arg4[%dma_wait3A_483, %dma_wait3A_484] : memref<32x1000000xf32, #tpu.memory_space<hbm>> -> memref<32x128xf32, #tpu.memory_space<hbm>>
      tpu.wait_dma2 semaphore(%arg29 : memref<!tpu.dma_semaphore, #tpu.memory_space<semaphore_mem>>) src(%dma_wait3A_485 : memref<32x128xf32, #tpu.memory_space<hbm>>) dst(%arg13 : memref<32x128xf32, #tpu.memory_space<vmem>>)
      %dma_wait3A_486 = arith.constant 0 : i32
      %dma_wait3A_487 = arith.constant 0 : i32
      %dma_wait3A_488 = tpu.memref_slice %arg5[%dma_wait3A_486, %dma_wait3A_487] : memref<32x1000000xf32, #tpu.memory_space<hbm>> -> memref<32x128xf32, #tpu.memory_space<hbm>>
      %dma_wait3A_489 = arith.constant 0 : i32
      %dma_wait3A_490 = arith.constant 0 : i32
      %dma_wait3A_491 = tpu.memref_slice %arg5[%dma_wait3A_489, %dma_wait3A_490] : memref<32x1000000xf32, #tpu.memory_space<hbm>> -> memref<32x128xf32, #tpu.memory_space<hbm>>
      tpu.wait_dma2 semaphore(%arg37 : memref<!tpu.dma_semaphore, #tpu.memory_space<semaphore_mem>>) src(%dma_wait3A_491 : memref<32x128xf32, #tpu.memory_space<hbm>>) dst(%arg21 : memref<32x128xf32, #tpu.memory_space<vmem>>)
      %mul3A_492 = arith.constant 16 : i32
      %mul3A_493 = arith.muli %scan3A_181, %mul3A_492 : i32
      %add3A_494 = arith.constant 3 : i32
      %add3A_495 = arith.addi %mul3A_493, %add3A_494 : i32
      %broadcast_in_dim3A_496 = vector.broadcast %add3A_495 : i32 to vector<16xi32>
      %add3A_497 = arith.constant 0 : i32
      %add3A_498 = vector.broadcast %add3A_497 : i32 to vector<16xi32>
      %add3A_499 = arith.addi %iota3A, %add3A_498 : vector<16xi32>
      %gather3A_500 = tpu.vector_load_idx %arg13[%add3A_499, %broadcast_in_dim3A_474] : memref<32x128xf32, #tpu.memory_space<vmem>>[vector<16xi32>, vector<16xi32>], vector<16xf32>,
      %add3A_501 = arith.constant 0 : i32
      %add3A_502 = vector.broadcast %add3A_501 : i32 to vector<16xi32>
      %add3A_503 = arith.addi %iota3A, %add3A_502 : vector<16xi32>
      %gather3A_504 = tpu.vector_load_idx %arg21[%add3A_503, %broadcast_in_dim3A_479] : memref<32x128xf32, #tpu.memory_space<vmem>>[vector<16xi32>, vector<16xi32>], vector<16xf32>,
      %add3A_505 = arith.constant 0 : i32
      %add3A_506 = vector.broadcast %add3A_505 : i32 to vector<16xi32>
      %add3A_507 = arith.addi %iota3A, %add3A_506 : vector<16xi32>
      %add3A_508 = arith.constant 1.000000e+00 : f32
      %add3A_509 = vector.broadcast %add3A_508 : f32 to vector<16xf32>
      %add3A_510 = arith.addf %gather3A_500, %add3A_509 : vector<16xf32>
      %add3A_511 = arith.constant 1.000000e+00 : f32
      %add3A_512 = vector.broadcast %add3A_511 : f32 to vector<16xf32>
      %add3A_513 = arith.addf %gather3A_504, %add3A_512 : vector<16xf32>
      %mul3A_514 = arith.mulf %add3A_510, %add3A_513 : vector<16xf32>
      %mul3A_515 = arith.constant 2.500000e-01 : f32
      %mul3A_516 = vector.broadcast %mul3A_515 : f32 to vector<16xf32>
      %mul3A_517 = arith.mulf %mul3A_514, %mul3A_516 : vector<16xf32>
      tpu.vector_store_idx %arg9[%add3A_507, %broadcast_in_dim3A_496], %mul3A_517 : memref<32x512xf32, #tpu.memory_space<vmem>>[vector<16xi32>, vector<16xi32>], vector<16xf32>,
      %add3A_518 = arith.constant 16 : i32
      %add3A_519 = vector.broadcast %add3A_518 : i32 to vector<16xi32>
      %add3A_520 = arith.addi %iota3A, %add3A_519 : vector<16xi32>
      %gather3A_521 = tpu.vector_load_idx %arg13[%add3A_520, %broadcast_in_dim3A_474] : memref<32x128xf32, #tpu.memory_space<vmem>>[vector<16xi32>, vector<16xi32>], vector<16xf32>,
      %add3A_522 = arith.constant 16 : i32
      %add3A_523 = vector.broadcast %add3A_522 : i32 to vector<16xi32>
      %add3A_524 = arith.addi %iota3A, %add3A_523 : vector<16xi32>
      %gather3A_525 = tpu.vector_load_idx %arg21[%add3A_524, %broadcast_in_dim3A_479] : memref<32x128xf32, #tpu.memory_space<vmem>>[vector<16xi32>, vector<16xi32>], vector<16xf32>,
      %add3A_526 = arith.constant 16 : i32
      %add3A_527 = vector.broadcast %add3A_526 : i32 to vector<16xi32>
      %add3A_528 = arith.addi %iota3A, %add3A_527 : vector<16xi32>
      %add3A_529 = arith.constant 1.000000e+00 : f32
      %add3A_530 = vector.broadcast %add3A_529 : f32 to vector<16xf32>
      %add3A_531 = arith.addf %gather3A_521, %add3A_530 : vector<16xf32>
      %add3A_532 = arith.constant 1.000000e+00 : f32
      %add3A_533 = vector.broadcast %add3A_532 : f32 to vector<16xf32>
      %add3A_534 = arith.addf %gather3A_525, %add3A_533 : vector<16xf32>
      %mul3A_535 = arith.mulf %add3A_531, %add3A_534 : vector<16xf32>
      %mul3A_536 = arith.constant 2.500000e-01 : f32
      %mul3A_537 = vector.broadcast %mul3A_536 : f32 to vector<16xf32>
      %mul3A_538 = arith.mulf %mul3A_535, %mul3A_537 : vector<16xf32>
      tpu.vector_store_idx %arg9[%add3A_528, %broadcast_in_dim3A_496], %mul3A_538 : memref<32x512xf32, #tpu.memory_space<vmem>>[vector<16xi32>, vector<16xi32>], vector<16xf32>,
      %slice3A_539 = vector.extract_strided_slice %get3A_185 {offsets = [11], sizes = [1], strides = [1]} : vector<16xi32> to vector<1xi32>
      %squeeze3A_540 = vector.extract %slice3A_539[0] : i32 from vector<1xi32>
      %shift_right_arithmetic3A_541 = arith.constant 7 : i32
      %shift_right_arithmetic3A_542 = arith.shrsi %squeeze3A_540, %shift_right_arithmetic3A_541 : i32
      %shift_left3A_543 = arith.constant 7 : i32
      %shift_left3A_544 = arith.shli %shift_right_arithmetic3A_542, %shift_left3A_543 : i32
      %multiple_of3A_545 = tpu.assume_multiple %shift_left3A_544, 128 : i32
      %slice3A_546 = vector.extract_strided_slice %get3A_189 {offsets = [11], sizes = [1], strides = [1]} : vector<16xi32> to vector<1xi32>
      %squeeze3A_547 = vector.extract %slice3A_546[0] : i32 from vector<1xi32>
      %shift_right_arithmetic3A_548 = arith.constant 7 : i32
      %shift_right_arithmetic3A_549 = arith.shrsi %squeeze3A_547, %shift_right_arithmetic3A_548 : i32
      %shift_left3A_550 = arith.constant 7 : i32
      %shift_left3A_551 = arith.shli %shift_right_arithmetic3A_549, %shift_left3A_550 : i32
      %multiple_of3A_552 = tpu.assume_multiple %shift_left3A_551, 128 : i32
      %dma_start3A_553 = arith.constant 0 : i32
      %dma_start3A_554 = tpu.memref_slice %arg4[%dma_start3A_553, %multiple_of3A_545] : memref<32x1000000xf32, #tpu.memory_space<hbm>> -> memref<32x128xf32, #tpu.memory_space<hbm>>
      %dma_start3A_555 = arith.constant 0 : i32
      %dma_start3A_556 = tpu.memref_slice %arg4[%dma_start3A_555, %multiple_of3A_545] : memref<32x1000000xf32, #tpu.memory_space<hbm>> -> memref<32x128xf32, #tpu.memory_space<hbm>>
      tpu.enqueue_dma source(%dma_start3A_556 : memref<32x128xf32, #tpu.memory_space<hbm>>) target(%arg13 : memref<32x128xf32, #tpu.memory_space<vmem>>) target_semaphore(%arg29 : memref<!tpu.dma_semaphore, #tpu.memory_space<semaphore_mem>>)
      %dma_start3A_557 = arith.constant 0 : i32
      %dma_start3A_558 = tpu.memref_slice %arg5[%dma_start3A_557, %multiple_of3A_552] : memref<32x1000000xf32, #tpu.memory_space<hbm>> -> memref<32x128xf32, #tpu.memory_space<hbm>>
      %dma_start3A_559 = arith.constant 0 : i32
      %dma_start3A_560 = tpu.memref_slice %arg5[%dma_start3A_559, %multiple_of3A_552] : memref<32x1000000xf32, #tpu.memory_space<hbm>> -> memref<32x128xf32, #tpu.memory_space<hbm>>
      tpu.enqueue_dma source(%dma_start3A_560 : memref<32x128xf32, #tpu.memory_space<hbm>>) target(%arg21 : memref<32x128xf32, #tpu.memory_space<vmem>>) target_semaphore(%arg37 : memref<!tpu.dma_semaphore, #tpu.memory_space<semaphore_mem>>)
      %slice3A_561 = vector.extract_strided_slice %get3A_185 {offsets = [4], sizes = [1], strides = [1]} : vector<16xi32> to vector<1xi32>
      %squeeze3A_562 = vector.extract %slice3A_561[0] : i32 from vector<1xi32>
      %and3A_563 = arith.constant 127 : i32
      %and3A_564 = arith.andi %squeeze3A_562, %and3A_563 : i32
      %broadcast_in_dim3A_565 = vector.broadcast %and3A_564 : i32 to vector<16xi32>
      %slice3A_566 = vector.extract_strided_slice %get3A_189 {offsets = [4], sizes = [1], strides = [1]} : vector<16xi32> to vector<1xi32>
      %squeeze3A_567 = vector.extract %slice3A_566[0] : i32 from vector<1xi32>
      %and3A_568 = arith.constant 127 : i32
      %and3A_569 = arith.andi %squeeze3A_567, %and3A_568 : i32
      %broadcast_in_dim3A_570 = vector.broadcast %and3A_569 : i32 to vector<16xi32>
      %dma_wait3A_571 = arith.constant 0 : i32
      %dma_wait3A_572 = arith.constant 0 : i32
      %dma_wait3A_573 = tpu.memref_slice %arg4[%dma_wait3A_571, %dma_wait3A_572] : memref<32x1000000xf32, #tpu.memory_space<hbm>> -> memref<32x128xf32, #tpu.memory_space<hbm>>
      %dma_wait3A_574 = arith.constant 0 : i32
      %dma_wait3A_575 = arith.constant 0 : i32
      %dma_wait3A_576 = tpu.memref_slice %arg4[%dma_wait3A_574, %dma_wait3A_575] : memref<32x1000000xf32, #tpu.memory_space<hbm>> -> memref<32x128xf32, #tpu.memory_space<hbm>>
      tpu.wait_dma2 semaphore(%arg30 : memref<!tpu.dma_semaphore, #tpu.memory_space<semaphore_mem>>) src(%dma_wait3A_576 : memref<32x128xf32, #tpu.memory_space<hbm>>) dst(%arg14 : memref<32x128xf32, #tpu.memory_space<vmem>>)
      %dma_wait3A_577 = arith.constant 0 : i32
      %dma_wait3A_578 = arith.constant 0 : i32
      %dma_wait3A_579 = tpu.memref_slice %arg5[%dma_wait3A_577, %dma_wait3A_578] : memref<32x1000000xf32, #tpu.memory_space<hbm>> -> memref<32x128xf32, #tpu.memory_space<hbm>>
      %dma_wait3A_580 = arith.constant 0 : i32
      %dma_wait3A_581 = arith.constant 0 : i32
      %dma_wait3A_582 = tpu.memref_slice %arg5[%dma_wait3A_580, %dma_wait3A_581] : memref<32x1000000xf32, #tpu.memory_space<hbm>> -> memref<32x128xf32, #tpu.memory_space<hbm>>
      tpu.wait_dma2 semaphore(%arg38 : memref<!tpu.dma_semaphore, #tpu.memory_space<semaphore_mem>>) src(%dma_wait3A_582 : memref<32x128xf32, #tpu.memory_space<hbm>>) dst(%arg22 : memref<32x128xf32, #tpu.memory_space<vmem>>)
      %mul3A_583 = arith.constant 16 : i32
      %mul3A_584 = arith.muli %scan3A_181, %mul3A_583 : i32
      %add3A_585 = arith.constant 4 : i32
      %add3A_586 = arith.addi %mul3A_584, %add3A_585 : i32
      %broadcast_in_dim3A_587 = vector.broadcast %add3A_586 : i32 to vector<16xi32>
      %add3A_588 = arith.constant 0 : i32
      %add3A_589 = vector.broadcast %add3A_588 : i32 to vector<16xi32>
      %add3A_590 = arith.addi %iota3A, %add3A_589 : vector<16xi32>
      %gather3A_591 = tpu.vector_load_idx %arg14[%add3A_590, %broadcast_in_dim3A_565] : memref<32x128xf32, #tpu.memory_space<vmem>>[vector<16xi32>, vector<16xi32>], vector<16xf32>,
      %add3A_592 = arith.constant 0 : i32
      %add3A_593 = vector.broadcast %add3A_592 : i32 to vector<16xi32>
      %add3A_594 = arith.addi %iota3A, %add3A_593 : vector<16xi32>
      %gather3A_595 = tpu.vector_load_idx %arg22[%add3A_594, %broadcast_in_dim3A_570] : memref<32x128xf32, #tpu.memory_space<vmem>>[vector<16xi32>, vector<16xi32>], vector<16xf32>,
      %add3A_596 = arith.constant 0 : i32
      %add3A_597 = vector.broadcast %add3A_596 : i32 to vector<16xi32>
      %add3A_598 = arith.addi %iota3A, %add3A_597 : vector<16xi32>
      %add3A_599 = arith.constant 1.000000e+00 : f32
      %add3A_600 = vector.broadcast %add3A_599 : f32 to vector<16xf32>
      %add3A_601 = arith.addf %gather3A_591, %add3A_600 : vector<16xf32>
      %add3A_602 = arith.constant 1.000000e+00 : f32
      %add3A_603 = vector.broadcast %add3A_602 : f32 to vector<16xf32>
      %add3A_604 = arith.addf %gather3A_595, %add3A_603 : vector<16xf32>
      %mul3A_605 = arith.mulf %add3A_601, %add3A_604 : vector<16xf32>
      %mul3A_606 = arith.constant 2.500000e-01 : f32
      %mul3A_607 = vector.broadcast %mul3A_606 : f32 to vector<16xf32>
      %mul3A_608 = arith.mulf %mul3A_605, %mul3A_607 : vector<16xf32>
      tpu.vector_store_idx %arg9[%add3A_598, %broadcast_in_dim3A_587], %mul3A_608 : memref<32x512xf32, #tpu.memory_space<vmem>>[vector<16xi32>, vector<16xi32>], vector<16xf32>,
      %add3A_609 = arith.constant 16 : i32
      %add3A_610 = vector.broadcast %add3A_609 : i32 to vector<16xi32>
      %add3A_611 = arith.addi %iota3A, %add3A_610 : vector<16xi32>
      %gather3A_612 = tpu.vector_load_idx %arg14[%add3A_611, %broadcast_in_dim3A_565] : memref<32x128xf32, #tpu.memory_space<vmem>>[vector<16xi32>, vector<16xi32>], vector<16xf32>,
      %add3A_613 = arith.constant 16 : i32
      %add3A_614 = vector.broadcast %add3A_613 : i32 to vector<16xi32>
      %add3A_615 = arith.addi %iota3A, %add3A_614 : vector<16xi32>
      %gather3A_616 = tpu.vector_load_idx %arg22[%add3A_615, %broadcast_in_dim3A_570] : memref<32x128xf32, #tpu.memory_space<vmem>>[vector<16xi32>, vector<16xi32>], vector<16xf32>,
      %add3A_617 = arith.constant 16 : i32
      %add3A_618 = vector.broadcast %add3A_617 : i32 to vector<16xi32>
      %add3A_619 = arith.addi %iota3A, %add3A_618 : vector<16xi32>
      %add3A_620 = arith.constant 1.000000e+00 : f32
      %add3A_621 = vector.broadcast %add3A_620 : f32 to vector<16xf32>
      %add3A_622 = arith.addf %gather3A_612, %add3A_621 : vector<16xf32>
      %add3A_623 = arith.constant 1.000000e+00 : f32
      %add3A_624 = vector.broadcast %add3A_623 : f32 to vector<16xf32>
      %add3A_625 = arith.addf %gather3A_616, %add3A_624 : vector<16xf32>
      %mul3A_626 = arith.mulf %add3A_622, %add3A_625 : vector<16xf32>
      %mul3A_627 = arith.constant 2.500000e-01 : f32
      %mul3A_628 = vector.broadcast %mul3A_627 : f32 to vector<16xf32>
      %mul3A_629 = arith.mulf %mul3A_626, %mul3A_628 : vector<16xf32>
      tpu.vector_store_idx %arg9[%add3A_619, %broadcast_in_dim3A_587], %mul3A_629 : memref<32x512xf32, #tpu.memory_space<vmem>>[vector<16xi32>, vector<16xi32>], vector<16xf32>,
      %slice3A_630 = vector.extract_strided_slice %get3A_185 {offsets = [12], sizes = [1], strides = [1]} : vector<16xi32> to vector<1xi32>
      %squeeze3A_631 = vector.extract %slice3A_630[0] : i32 from vector<1xi32>
      %shift_right_arithmetic3A_632 = arith.constant 7 : i32
      %shift_right_arithmetic3A_633 = arith.shrsi %squeeze3A_631, %shift_right_arithmetic3A_632 : i32
      %shift_left3A_634 = arith.constant 7 : i32
      %shift_left3A_635 = arith.shli %shift_right_arithmetic3A_633, %shift_left3A_634 : i32
      %multiple_of3A_636 = tpu.assume_multiple %shift_left3A_635, 128 : i32
      %slice3A_637 = vector.extract_strided_slice %get3A_189 {offsets = [12], sizes = [1], strides = [1]} : vector<16xi32> to vector<1xi32>
      %squeeze3A_638 = vector.extract %slice3A_637[0] : i32 from vector<1xi32>
      %shift_right_arithmetic3A_639 = arith.constant 7 : i32
      %shift_right_arithmetic3A_640 = arith.shrsi %squeeze3A_638, %shift_right_arithmetic3A_639 : i32
      %shift_left3A_641 = arith.constant 7 : i32
      %shift_left3A_642 = arith.shli %shift_right_arithmetic3A_640, %shift_left3A_641 : i32
      %multiple_of3A_643 = tpu.assume_multiple %shift_left3A_642, 128 : i32
      %dma_start3A_644 = arith.constant 0 : i32
      %dma_start3A_645 = tpu.memref_slice %arg4[%dma_start3A_644, %multiple_of3A_636] : memref<32x1000000xf32, #tpu.memory_space<hbm>> -> memref<32x128xf32, #tpu.memory_space<hbm>>
      %dma_start3A_646 = arith.constant 0 : i32
      %dma_start3A_647 = tpu.memref_slice %arg4[%dma_start3A_646, %multiple_of3A_636] : memref<32x1000000xf32, #tpu.memory_space<hbm>> -> memref<32x128xf32, #tpu.memory_space<hbm>>
      tpu.enqueue_dma source(%dma_start3A_647 : memref<32x128xf32, #tpu.memory_space<hbm>>) target(%arg14 : memref<32x128xf32, #tpu.memory_space<vmem>>) target_semaphore(%arg30 : memref<!tpu.dma_semaphore, #tpu.memory_space<semaphore_mem>>)
      %dma_start3A_648 = arith.constant 0 : i32
      %dma_start3A_649 = tpu.memref_slice %arg5[%dma_start3A_648, %multiple_of3A_643] : memref<32x1000000xf32, #tpu.memory_space<hbm>> -> memref<32x128xf32, #tpu.memory_space<hbm>>
      %dma_start3A_650 = arith.constant 0 : i32
      %dma_start3A_651 = tpu.memref_slice %arg5[%dma_start3A_650, %multiple_of3A_643] : memref<32x1000000xf32, #tpu.memory_space<hbm>> -> memref<32x128xf32, #tpu.memory_space<hbm>>
      tpu.enqueue_dma source(%dma_start3A_651 : memref<32x128xf32, #tpu.memory_space<hbm>>) target(%arg22 : memref<32x128xf32, #tpu.memory_space<vmem>>) target_semaphore(%arg38 : memref<!tpu.dma_semaphore, #tpu.memory_space<semaphore_mem>>)
      %slice3A_652 = vector.extract_strided_slice %get3A_185 {offsets = [5], sizes = [1], strides = [1]} : vector<16xi32> to vector<1xi32>
      %squeeze3A_653 = vector.extract %slice3A_652[0] : i32 from vector<1xi32>
      %and3A_654 = arith.constant 127 : i32
      %and3A_655 = arith.andi %squeeze3A_653, %and3A_654 : i32
      %broadcast_in_dim3A_656 = vector.broadcast %and3A_655 : i32 to vector<16xi32>
      %slice3A_657 = vector.extract_strided_slice %get3A_189 {offsets = [5], sizes = [1], strides = [1]} : vector<16xi32> to vector<1xi32>
      %squeeze3A_658 = vector.extract %slice3A_657[0] : i32 from vector<1xi32>
      %and3A_659 = arith.constant 127 : i32
      %and3A_660 = arith.andi %squeeze3A_658, %and3A_659 : i32
      %broadcast_in_dim3A_661 = vector.broadcast %and3A_660 : i32 to vector<16xi32>
      %dma_wait3A_662 = arith.constant 0 : i32
      %dma_wait3A_663 = arith.constant 0 : i32
      %dma_wait3A_664 = tpu.memref_slice %arg4[%dma_wait3A_662, %dma_wait3A_663] : memref<32x1000000xf32, #tpu.memory_space<hbm>> -> memref<32x128xf32, #tpu.memory_space<hbm>>
      %dma_wait3A_665 = arith.constant 0 : i32
      %dma_wait3A_666 = arith.constant 0 : i32
      %dma_wait3A_667 = tpu.memref_slice %arg4[%dma_wait3A_665, %dma_wait3A_666] : memref<32x1000000xf32, #tpu.memory_space<hbm>> -> memref<32x128xf32, #tpu.memory_space<hbm>>
      tpu.wait_dma2 semaphore(%arg31 : memref<!tpu.dma_semaphore, #tpu.memory_space<semaphore_mem>>) src(%dma_wait3A_667 : memref<32x128xf32, #tpu.memory_space<hbm>>) dst(%arg15 : memref<32x128xf32, #tpu.memory_space<vmem>>)
      %dma_wait3A_668 = arith.constant 0 : i32
      %dma_wait3A_669 = arith.constant 0 : i32
      %dma_wait3A_670 = tpu.memref_slice %arg5[%dma_wait3A_668, %dma_wait3A_669] : memref<32x1000000xf32, #tpu.memory_space<hbm>> -> memref<32x128xf32, #tpu.memory_space<hbm>>
      %dma_wait3A_671 = arith.constant 0 : i32
      %dma_wait3A_672 = arith.constant 0 : i32
      %dma_wait3A_673 = tpu.memref_slice %arg5[%dma_wait3A_671, %dma_wait3A_672] : memref<32x1000000xf32, #tpu.memory_space<hbm>> -> memref<32x128xf32, #tpu.memory_space<hbm>>
      tpu.wait_dma2 semaphore(%arg39 : memref<!tpu.dma_semaphore, #tpu.memory_space<semaphore_mem>>) src(%dma_wait3A_673 : memref<32x128xf32, #tpu.memory_space<hbm>>) dst(%arg23 : memref<32x128xf32, #tpu.memory_space<vmem>>)
      %mul3A_674 = arith.constant 16 : i32
      %mul3A_675 = arith.muli %scan3A_181, %mul3A_674 : i32
      %add3A_676 = arith.constant 5 : i32
      %add3A_677 = arith.addi %mul3A_675, %add3A_676 : i32
      %broadcast_in_dim3A_678 = vector.broadcast %add3A_677 : i32 to vector<16xi32>
      %add3A_679 = arith.constant 0 : i32
      %add3A_680 = vector.broadcast %add3A_679 : i32 to vector<16xi32>
      %add3A_681 = arith.addi %iota3A, %add3A_680 : vector<16xi32>
      %gather3A_682 = tpu.vector_load_idx %arg15[%add3A_681, %broadcast_in_dim3A_656] : memref<32x128xf32, #tpu.memory_space<vmem>>[vector<16xi32>, vector<16xi32>], vector<16xf32>,
      %add3A_683 = arith.constant 0 : i32
      %add3A_684 = vector.broadcast %add3A_683 : i32 to vector<16xi32>
      %add3A_685 = arith.addi %iota3A, %add3A_684 : vector<16xi32>
      %gather3A_686 = tpu.vector_load_idx %arg23[%add3A_685, %broadcast_in_dim3A_661] : memref<32x128xf32, #tpu.memory_space<vmem>>[vector<16xi32>, vector<16xi32>], vector<16xf32>,
      %add3A_687 = arith.constant 0 : i32
      %add3A_688 = vector.broadcast %add3A_687 : i32 to vector<16xi32>
      %add3A_689 = arith.addi %iota3A, %add3A_688 : vector<16xi32>
      %add3A_690 = arith.constant 1.000000e+00 : f32
      %add3A_691 = vector.broadcast %add3A_690 : f32 to vector<16xf32>
      %add3A_692 = arith.addf %gather3A_682, %add3A_691 : vector<16xf32>
      %add3A_693 = arith.constant 1.000000e+00 : f32
      %add3A_694 = vector.broadcast %add3A_693 : f32 to vector<16xf32>
      %add3A_695 = arith.addf %gather3A_686, %add3A_694 : vector<16xf32>
      %mul3A_696 = arith.mulf %add3A_692, %add3A_695 : vector<16xf32>
      %mul3A_697 = arith.constant 2.500000e-01 : f32
      %mul3A_698 = vector.broadcast %mul3A_697 : f32 to vector<16xf32>
      %mul3A_699 = arith.mulf %mul3A_696, %mul3A_698 : vector<16xf32>
      tpu.vector_store_idx %arg9[%add3A_689, %broadcast_in_dim3A_678], %mul3A_699 : memref<32x512xf32, #tpu.memory_space<vmem>>[vector<16xi32>, vector<16xi32>], vector<16xf32>,
      %add3A_700 = arith.constant 16 : i32
      %add3A_701 = vector.broadcast %add3A_700 : i32 to vector<16xi32>
      %add3A_702 = arith.addi %iota3A, %add3A_701 : vector<16xi32>
      %gather3A_703 = tpu.vector_load_idx %arg15[%add3A_702, %broadcast_in_dim3A_656] : memref<32x128xf32, #tpu.memory_space<vmem>>[vector<16xi32>, vector<16xi32>], vector<16xf32>,
      %add3A_704 = arith.constant 16 : i32
      %add3A_705 = vector.broadcast %add3A_704 : i32 to vector<16xi32>
      %add3A_706 = arith.addi %iota3A, %add3A_705 : vector<16xi32>
      %gather3A_707 = tpu.vector_load_idx %arg23[%add3A_706, %broadcast_in_dim3A_661] : memref<32x128xf32, #tpu.memory_space<vmem>>[vector<16xi32>, vector<16xi32>], vector<16xf32>,
      %add3A_708 = arith.constant 16 : i32
      %add3A_709 = vector.broadcast %add3A_708 : i32 to vector<16xi32>
      %add3A_710 = arith.addi %iota3A, %add3A_709 : vector<16xi32>
      %add3A_711 = arith.constant 1.000000e+00 : f32
      %add3A_712 = vector.broadcast %add3A_711 : f32 to vector<16xf32>
      %add3A_713 = arith.addf %gather3A_703, %add3A_712 : vector<16xf32>
      %add3A_714 = arith.constant 1.000000e+00 : f32
      %add3A_715 = vector.broadcast %add3A_714 : f32 to vector<16xf32>
      %add3A_716 = arith.addf %gather3A_707, %add3A_715 : vector<16xf32>
      %mul3A_717 = arith.mulf %add3A_713, %add3A_716 : vector<16xf32>
      %mul3A_718 = arith.constant 2.500000e-01 : f32
      %mul3A_719 = vector.broadcast %mul3A_718 : f32 to vector<16xf32>
      %mul3A_720 = arith.mulf %mul3A_717, %mul3A_719 : vector<16xf32>
      tpu.vector_store_idx %arg9[%add3A_710, %broadcast_in_dim3A_678], %mul3A_720 : memref<32x512xf32, #tpu.memory_space<vmem>>[vector<16xi32>, vector<16xi32>], vector<16xf32>,
      %slice3A_721 = vector.extract_strided_slice %get3A_185 {offsets = [13], sizes = [1], strides = [1]} : vector<16xi32> to vector<1xi32>
      %squeeze3A_722 = vector.extract %slice3A_721[0] : i32 from vector<1xi32>
      %shift_right_arithmetic3A_723 = arith.constant 7 : i32
      %shift_right_arithmetic3A_724 = arith.shrsi %squeeze3A_722, %shift_right_arithmetic3A_723 : i32
      %shift_left3A_725 = arith.constant 7 : i32
      %shift_left3A_726 = arith.shli %shift_right_arithmetic3A_724, %shift_left3A_725 : i32
      %multiple_of3A_727 = tpu.assume_multiple %shift_left3A_726, 128 : i32
      %slice3A_728 = vector.extract_strided_slice %get3A_189 {offsets = [13], sizes = [1], strides = [1]} : vector<16xi32> to vector<1xi32>
      %squeeze3A_729 = vector.extract %slice3A_728[0] : i32 from vector<1xi32>
      %shift_right_arithmetic3A_730 = arith.constant 7 : i32
      %shift_right_arithmetic3A_731 = arith.shrsi %squeeze3A_729, %shift_right_arithmetic3A_730 : i32
      %shift_left3A_732 = arith.constant 7 : i32
      %shift_left3A_733 = arith.shli %shift_right_arithmetic3A_731, %shift_left3A_732 : i32
      %multiple_of3A_734 = tpu.assume_multiple %shift_left3A_733, 128 : i32
      %dma_start3A_735 = arith.constant 0 : i32
      %dma_start3A_736 = tpu.memref_slice %arg4[%dma_start3A_735, %multiple_of3A_727] : memref<32x1000000xf32, #tpu.memory_space<hbm>> -> memref<32x128xf32, #tpu.memory_space<hbm>>
      %dma_start3A_737 = arith.constant 0 : i32
      %dma_start3A_738 = tpu.memref_slice %arg4[%dma_start3A_737, %multiple_of3A_727] : memref<32x1000000xf32, #tpu.memory_space<hbm>> -> memref<32x128xf32, #tpu.memory_space<hbm>>
      tpu.enqueue_dma source(%dma_start3A_738 : memref<32x128xf32, #tpu.memory_space<hbm>>) target(%arg15 : memref<32x128xf32, #tpu.memory_space<vmem>>) target_semaphore(%arg31 : memref<!tpu.dma_semaphore, #tpu.memory_space<semaphore_mem>>)
      %dma_start3A_739 = arith.constant 0 : i32
      %dma_start3A_740 = tpu.memref_slice %arg5[%dma_start3A_739, %multiple_of3A_734] : memref<32x1000000xf32, #tpu.memory_space<hbm>> -> memref<32x128xf32, #tpu.memory_space<hbm>>
      %dma_start3A_741 = arith.constant 0 : i32
      %dma_start3A_742 = tpu.memref_slice %arg5[%dma_start3A_741, %multiple_of3A_734] : memref<32x1000000xf32, #tpu.memory_space<hbm>> -> memref<32x128xf32, #tpu.memory_space<hbm>>
      tpu.enqueue_dma source(%dma_start3A_742 : memref<32x128xf32, #tpu.memory_space<hbm>>) target(%arg23 : memref<32x128xf32, #tpu.memory_space<vmem>>) target_semaphore(%arg39 : memref<!tpu.dma_semaphore, #tpu.memory_space<semaphore_mem>>)
      %slice3A_743 = vector.extract_strided_slice %get3A_185 {offsets = [6], sizes = [1], strides = [1]} : vector<16xi32> to vector<1xi32>
      %squeeze3A_744 = vector.extract %slice3A_743[0] : i32 from vector<1xi32>
      %and3A_745 = arith.constant 127 : i32
      %and3A_746 = arith.andi %squeeze3A_744, %and3A_745 : i32
      %broadcast_in_dim3A_747 = vector.broadcast %and3A_746 : i32 to vector<16xi32>
      %slice3A_748 = vector.extract_strided_slice %get3A_189 {offsets = [6], sizes = [1], strides = [1]} : vector<16xi32> to vector<1xi32>
      %squeeze3A_749 = vector.extract %slice3A_748[0] : i32 from vector<1xi32>
      %and3A_750 = arith.constant 127 : i32
      %and3A_751 = arith.andi %squeeze3A_749, %and3A_750 : i32
      %broadcast_in_dim3A_752 = vector.broadcast %and3A_751 : i32 to vector<16xi32>
      %dma_wait3A_753 = arith.constant 0 : i32
      %dma_wait3A_754 = arith.constant 0 : i32
      %dma_wait3A_755 = tpu.memref_slice %arg4[%dma_wait3A_753, %dma_wait3A_754] : memref<32x1000000xf32, #tpu.memory_space<hbm>> -> memref<32x128xf32, #tpu.memory_space<hbm>>
      %dma_wait3A_756 = arith.constant 0 : i32
      %dma_wait3A_757 = arith.constant 0 : i32
      %dma_wait3A_758 = tpu.memref_slice %arg4[%dma_wait3A_756, %dma_wait3A_757] : memref<32x1000000xf32, #tpu.memory_space<hbm>> -> memref<32x128xf32, #tpu.memory_space<hbm>>
      tpu.wait_dma2 semaphore(%arg32 : memref<!tpu.dma_semaphore, #tpu.memory_space<semaphore_mem>>) src(%dma_wait3A_758 : memref<32x128xf32, #tpu.memory_space<hbm>>) dst(%arg16 : memref<32x128xf32, #tpu.memory_space<vmem>>)
      %dma_wait3A_759 = arith.constant 0 : i32
      %dma_wait3A_760 = arith.constant 0 : i32
      %dma_wait3A_761 = tpu.memref_slice %arg5[%dma_wait3A_759, %dma_wait3A_760] : memref<32x1000000xf32, #tpu.memory_space<hbm>> -> memref<32x128xf32, #tpu.memory_space<hbm>>
      %dma_wait3A_762 = arith.constant 0 : i32
      %dma_wait3A_763 = arith.constant 0 : i32
      %dma_wait3A_764 = tpu.memref_slice %arg5[%dma_wait3A_762, %dma_wait3A_763] : memref<32x1000000xf32, #tpu.memory_space<hbm>> -> memref<32x128xf32, #tpu.memory_space<hbm>>
      tpu.wait_dma2 semaphore(%arg40 : memref<!tpu.dma_semaphore, #tpu.memory_space<semaphore_mem>>) src(%dma_wait3A_764 : memref<32x128xf32, #tpu.memory_space<hbm>>) dst(%arg24 : memref<32x128xf32, #tpu.memory_space<vmem>>)
      %mul3A_765 = arith.constant 16 : i32
      %mul3A_766 = arith.muli %scan3A_181, %mul3A_765 : i32
      %add3A_767 = arith.constant 6 : i32
      %add3A_768 = arith.addi %mul3A_766, %add3A_767 : i32
      %broadcast_in_dim3A_769 = vector.broadcast %add3A_768 : i32 to vector<16xi32>
      %add3A_770 = arith.constant 0 : i32
      %add3A_771 = vector.broadcast %add3A_770 : i32 to vector<16xi32>
      %add3A_772 = arith.addi %iota3A, %add3A_771 : vector<16xi32>
      %gather3A_773 = tpu.vector_load_idx %arg16[%add3A_772, %broadcast_in_dim3A_747] : memref<32x128xf32, #tpu.memory_space<vmem>>[vector<16xi32>, vector<16xi32>], vector<16xf32>,
      %add3A_774 = arith.constant 0 : i32
      %add3A_775 = vector.broadcast %add3A_774 : i32 to vector<16xi32>
      %add3A_776 = arith.addi %iota3A, %add3A_775 : vector<16xi32>
      %gather3A_777 = tpu.vector_load_idx %arg24[%add3A_776, %broadcast_in_dim3A_752] : memref<32x128xf32, #tpu.memory_space<vmem>>[vector<16xi32>, vector<16xi32>], vector<16xf32>,
      %add3A_778 = arith.constant 0 : i32
      %add3A_779 = vector.broadcast %add3A_778 : i32 to vector<16xi32>
      %add3A_780 = arith.addi %iota3A, %add3A_779 : vector<16xi32>
      %add3A_781 = arith.constant 1.000000e+00 : f32
      %add3A_782 = vector.broadcast %add3A_781 : f32 to vector<16xf32>
      %add3A_783 = arith.addf %gather3A_773, %add3A_782 : vector<16xf32>
      %add3A_784 = arith.constant 1.000000e+00 : f32
      %add3A_785 = vector.broadcast %add3A_784 : f32 to vector<16xf32>
      %add3A_786 = arith.addf %gather3A_777, %add3A_785 : vector<16xf32>
      %mul3A_787 = arith.mulf %add3A_783, %add3A_786 : vector<16xf32>
      %mul3A_788 = arith.constant 2.500000e-01 : f32
      %mul3A_789 = vector.broadcast %mul3A_788 : f32 to vector<16xf32>
      %mul3A_790 = arith.mulf %mul3A_787, %mul3A_789 : vector<16xf32>
      tpu.vector_store_idx %arg9[%add3A_780, %broadcast_in_dim3A_769], %mul3A_790 : memref<32x512xf32, #tpu.memory_space<vmem>>[vector<16xi32>, vector<16xi32>], vector<16xf32>,
      %add3A_791 = arith.constant 16 : i32
      %add3A_792 = vector.broadcast %add3A_791 : i32 to vector<16xi32>
      %add3A_793 = arith.addi %iota3A, %add3A_792 : vector<16xi32>
      %gather3A_794 = tpu.vector_load_idx %arg16[%add3A_793, %broadcast_in_dim3A_747] : memref<32x128xf32, #tpu.memory_space<vmem>>[vector<16xi32>, vector<16xi32>], vector<16xf32>,
      %add3A_795 = arith.constant 16 : i32
      %add3A_796 = vector.broadcast %add3A_795 : i32 to vector<16xi32>
      %add3A_797 = arith.addi %iota3A, %add3A_796 : vector<16xi32>
      %gather3A_798 = tpu.vector_load_idx %arg24[%add3A_797, %broadcast_in_dim3A_752] : memref<32x128xf32, #tpu.memory_space<vmem>>[vector<16xi32>, vector<16xi32>], vector<16xf32>,
      %add3A_799 = arith.constant 16 : i32
      %add3A_800 = vector.broadcast %add3A_799 : i32 to vector<16xi32>
      %add3A_801 = arith.addi %iota3A, %add3A_800 : vector<16xi32>
      %add3A_802 = arith.constant 1.000000e+00 : f32
      %add3A_803 = vector.broadcast %add3A_802 : f32 to vector<16xf32>
      %add3A_804 = arith.addf %gather3A_794, %add3A_803 : vector<16xf32>
      %add3A_805 = arith.constant 1.000000e+00 : f32
      %add3A_806 = vector.broadcast %add3A_805 : f32 to vector<16xf32>
      %add3A_807 = arith.addf %gather3A_798, %add3A_806 : vector<16xf32>
      %mul3A_808 = arith.mulf %add3A_804, %add3A_807 : vector<16xf32>
      %mul3A_809 = arith.constant 2.500000e-01 : f32
      %mul3A_810 = vector.broadcast %mul3A_809 : f32 to vector<16xf32>
      %mul3A_811 = arith.mulf %mul3A_808, %mul3A_810 : vector<16xf32>
      tpu.vector_store_idx %arg9[%add3A_801, %broadcast_in_dim3A_769], %mul3A_811 : memref<32x512xf32, #tpu.memory_space<vmem>>[vector<16xi32>, vector<16xi32>], vector<16xf32>,
      %slice3A_812 = vector.extract_strided_slice %get3A_185 {offsets = [14], sizes = [1], strides = [1]} : vector<16xi32> to vector<1xi32>
      %squeeze3A_813 = vector.extract %slice3A_812[0] : i32 from vector<1xi32>
      %shift_right_arithmetic3A_814 = arith.constant 7 : i32
      %shift_right_arithmetic3A_815 = arith.shrsi %squeeze3A_813, %shift_right_arithmetic3A_814 : i32
      %shift_left3A_816 = arith.constant 7 : i32
      %shift_left3A_817 = arith.shli %shift_right_arithmetic3A_815, %shift_left3A_816 : i32
      %multiple_of3A_818 = tpu.assume_multiple %shift_left3A_817, 128 : i32
      %slice3A_819 = vector.extract_strided_slice %get3A_189 {offsets = [14], sizes = [1], strides = [1]} : vector<16xi32> to vector<1xi32>
      %squeeze3A_820 = vector.extract %slice3A_819[0] : i32 from vector<1xi32>
      %shift_right_arithmetic3A_821 = arith.constant 7 : i32
      %shift_right_arithmetic3A_822 = arith.shrsi %squeeze3A_820, %shift_right_arithmetic3A_821 : i32
      %shift_left3A_823 = arith.constant 7 : i32
      %shift_left3A_824 = arith.shli %shift_right_arithmetic3A_822, %shift_left3A_823 : i32
      %multiple_of3A_825 = tpu.assume_multiple %shift_left3A_824, 128 : i32
      %dma_start3A_826 = arith.constant 0 : i32
      %dma_start3A_827 = tpu.memref_slice %arg4[%dma_start3A_826, %multiple_of3A_818] : memref<32x1000000xf32, #tpu.memory_space<hbm>> -> memref<32x128xf32, #tpu.memory_space<hbm>>
      %dma_start3A_828 = arith.constant 0 : i32
      %dma_start3A_829 = tpu.memref_slice %arg4[%dma_start3A_828, %multiple_of3A_818] : memref<32x1000000xf32, #tpu.memory_space<hbm>> -> memref<32x128xf32, #tpu.memory_space<hbm>>
      tpu.enqueue_dma source(%dma_start3A_829 : memref<32x128xf32, #tpu.memory_space<hbm>>) target(%arg16 : memref<32x128xf32, #tpu.memory_space<vmem>>) target_semaphore(%arg32 : memref<!tpu.dma_semaphore, #tpu.memory_space<semaphore_mem>>)
      %dma_start3A_830 = arith.constant 0 : i32
      %dma_start3A_831 = tpu.memref_slice %arg5[%dma_start3A_830, %multiple_of3A_825] : memref<32x1000000xf32, #tpu.memory_space<hbm>> -> memref<32x128xf32, #tpu.memory_space<hbm>>
      %dma_start3A_832 = arith.constant 0 : i32
      %dma_start3A_833 = tpu.memref_slice %arg5[%dma_start3A_832, %multiple_of3A_825] : memref<32x1000000xf32, #tpu.memory_space<hbm>> -> memref<32x128xf32, #tpu.memory_space<hbm>>
      tpu.enqueue_dma source(%dma_start3A_833 : memref<32x128xf32, #tpu.memory_space<hbm>>) target(%arg24 : memref<32x128xf32, #tpu.memory_space<vmem>>) target_semaphore(%arg40 : memref<!tpu.dma_semaphore, #tpu.memory_space<semaphore_mem>>)
      %slice3A_834 = vector.extract_strided_slice %get3A_185 {offsets = [7], sizes = [1], strides = [1]} : vector<16xi32> to vector<1xi32>
      %squeeze3A_835 = vector.extract %slice3A_834[0] : i32 from vector<1xi32>
      %and3A_836 = arith.constant 127 : i32
      %and3A_837 = arith.andi %squeeze3A_835, %and3A_836 : i32
      %broadcast_in_dim3A_838 = vector.broadcast %and3A_837 : i32 to vector<16xi32>
      %slice3A_839 = vector.extract_strided_slice %get3A_189 {offsets = [7], sizes = [1], strides = [1]} : vector<16xi32> to vector<1xi32>
      %squeeze3A_840 = vector.extract %slice3A_839[0] : i32 from vector<1xi32>
      %and3A_841 = arith.constant 127 : i32
      %and3A_842 = arith.andi %squeeze3A_840, %and3A_841 : i32
      %broadcast_in_dim3A_843 = vector.broadcast %and3A_842 : i32 to vector<16xi32>
      %dma_wait3A_844 = arith.constant 0 : i32
      %dma_wait3A_845 = arith.constant 0 : i32
      %dma_wait3A_846 = tpu.memref_slice %arg4[%dma_wait3A_844, %dma_wait3A_845] : memref<32x1000000xf32, #tpu.memory_space<hbm>> -> memref<32x128xf32, #tpu.memory_space<hbm>>
      %dma_wait3A_847 = arith.constant 0 : i32
      %dma_wait3A_848 = arith.constant 0 : i32
      %dma_wait3A_849 = tpu.memref_slice %arg4[%dma_wait3A_847, %dma_wait3A_848] : memref<32x1000000xf32, #tpu.memory_space<hbm>> -> memref<32x128xf32, #tpu.memory_space<hbm>>
      tpu.wait_dma2 semaphore(%arg33 : memref<!tpu.dma_semaphore, #tpu.memory_space<semaphore_mem>>) src(%dma_wait3A_849 : memref<32x128xf32, #tpu.memory_space<hbm>>) dst(%arg17 : memref<32x128xf32, #tpu.memory_space<vmem>>)
      %dma_wait3A_850 = arith.constant 0 : i32
      %dma_wait3A_851 = arith.constant 0 : i32
      %dma_wait3A_852 = tpu.memref_slice %arg5[%dma_wait3A_850, %dma_wait3A_851] : memref<32x1000000xf32, #tpu.memory_space<hbm>> -> memref<32x128xf32, #tpu.memory_space<hbm>>
      %dma_wait3A_853 = arith.constant 0 : i32
      %dma_wait3A_854 = arith.constant 0 : i32
      %dma_wait3A_855 = tpu.memref_slice %arg5[%dma_wait3A_853, %dma_wait3A_854] : memref<32x1000000xf32, #tpu.memory_space<hbm>> -> memref<32x128xf32, #tpu.memory_space<hbm>>
      tpu.wait_dma2 semaphore(%arg41 : memref<!tpu.dma_semaphore, #tpu.memory_space<semaphore_mem>>) src(%dma_wait3A_855 : memref<32x128xf32, #tpu.memory_space<hbm>>) dst(%arg25 : memref<32x128xf32, #tpu.memory_space<vmem>>)
      %mul3A_856 = arith.constant 16 : i32
      %mul3A_857 = arith.muli %scan3A_181, %mul3A_856 : i32
      %add3A_858 = arith.constant 7 : i32
      %add3A_859 = arith.addi %mul3A_857, %add3A_858 : i32
      %broadcast_in_dim3A_860 = vector.broadcast %add3A_859 : i32 to vector<16xi32>
      %add3A_861 = arith.constant 0 : i32
      %add3A_862 = vector.broadcast %add3A_861 : i32 to vector<16xi32>
      %add3A_863 = arith.addi %iota3A, %add3A_862 : vector<16xi32>
      %gather3A_864 = tpu.vector_load_idx %arg17[%add3A_863, %broadcast_in_dim3A_838] : memref<32x128xf32, #tpu.memory_space<vmem>>[vector<16xi32>, vector<16xi32>], vector<16xf32>,
      %add3A_865 = arith.constant 0 : i32
      %add3A_866 = vector.broadcast %add3A_865 : i32 to vector<16xi32>
      %add3A_867 = arith.addi %iota3A, %add3A_866 : vector<16xi32>
      %gather3A_868 = tpu.vector_load_idx %arg25[%add3A_867, %broadcast_in_dim3A_843] : memref<32x128xf32, #tpu.memory_space<vmem>>[vector<16xi32>, vector<16xi32>], vector<16xf32>,
      %add3A_869 = arith.constant 0 : i32
      %add3A_870 = vector.broadcast %add3A_869 : i32 to vector<16xi32>
      %add3A_871 = arith.addi %iota3A, %add3A_870 : vector<16xi32>
      %add3A_872 = arith.constant 1.000000e+00 : f32
      %add3A_873 = vector.broadcast %add3A_872 : f32 to vector<16xf32>
      %add3A_874 = arith.addf %gather3A_864, %add3A_873 : vector<16xf32>
      %add3A_875 = arith.constant 1.000000e+00 : f32
      %add3A_876 = vector.broadcast %add3A_875 : f32 to vector<16xf32>
      %add3A_877 = arith.addf %gather3A_868, %add3A_876 : vector<16xf32>
      %mul3A_878 = arith.mulf %add3A_874, %add3A_877 : vector<16xf32>
      %mul3A_879 = arith.constant 2.500000e-01 : f32
      %mul3A_880 = vector.broadcast %mul3A_879 : f32 to vector<16xf32>
      %mul3A_881 = arith.mulf %mul3A_878, %mul3A_880 : vector<16xf32>
      tpu.vector_store_idx %arg9[%add3A_871, %broadcast_in_dim3A_860], %mul3A_881 : memref<32x512xf32, #tpu.memory_space<vmem>>[vector<16xi32>, vector<16xi32>], vector<16xf32>,
      %add3A_882 = arith.constant 16 : i32
      %add3A_883 = vector.broadcast %add3A_882 : i32 to vector<16xi32>
      %add3A_884 = arith.addi %iota3A, %add3A_883 : vector<16xi32>
      %gather3A_885 = tpu.vector_load_idx %arg17[%add3A_884, %broadcast_in_dim3A_838] : memref<32x128xf32, #tpu.memory_space<vmem>>[vector<16xi32>, vector<16xi32>], vector<16xf32>,
      %add3A_886 = arith.constant 16 : i32
      %add3A_887 = vector.broadcast %add3A_886 : i32 to vector<16xi32>
      %add3A_888 = arith.addi %iota3A, %add3A_887 : vector<16xi32>
      %gather3A_889 = tpu.vector_load_idx %arg25[%add3A_888, %broadcast_in_dim3A_843] : memref<32x128xf32, #tpu.memory_space<vmem>>[vector<16xi32>, vector<16xi32>], vector<16xf32>,
      %add3A_890 = arith.constant 16 : i32
      %add3A_891 = vector.broadcast %add3A_890 : i32 to vector<16xi32>
      %add3A_892 = arith.addi %iota3A, %add3A_891 : vector<16xi32>
      %add3A_893 = arith.constant 1.000000e+00 : f32
      %add3A_894 = vector.broadcast %add3A_893 : f32 to vector<16xf32>
      %add3A_895 = arith.addf %gather3A_885, %add3A_894 : vector<16xf32>
      %add3A_896 = arith.constant 1.000000e+00 : f32
      %add3A_897 = vector.broadcast %add3A_896 : f32 to vector<16xf32>
      %add3A_898 = arith.addf %gather3A_889, %add3A_897 : vector<16xf32>
      %mul3A_899 = arith.mulf %add3A_895, %add3A_898 : vector<16xf32>
      %mul3A_900 = arith.constant 2.500000e-01 : f32
      %mul3A_901 = vector.broadcast %mul3A_900 : f32 to vector<16xf32>
      %mul3A_902 = arith.mulf %mul3A_899, %mul3A_901 : vector<16xf32>
      tpu.vector_store_idx %arg9[%add3A_892, %broadcast_in_dim3A_860], %mul3A_902 : memref<32x512xf32, #tpu.memory_space<vmem>>[vector<16xi32>, vector<16xi32>], vector<16xf32>,
      %slice3A_903 = vector.extract_strided_slice %get3A_185 {offsets = [15], sizes = [1], strides = [1]} : vector<16xi32> to vector<1xi32>
      %squeeze3A_904 = vector.extract %slice3A_903[0] : i32 from vector<1xi32>
      %shift_right_arithmetic3A_905 = arith.constant 7 : i32
      %shift_right_arithmetic3A_906 = arith.shrsi %squeeze3A_904, %shift_right_arithmetic3A_905 : i32
      %shift_left3A_907 = arith.constant 7 : i32
      %shift_left3A_908 = arith.shli %shift_right_arithmetic3A_906, %shift_left3A_907 : i32
      %multiple_of3A_909 = tpu.assume_multiple %shift_left3A_908, 128 : i32
      %slice3A_910 = vector.extract_strided_slice %get3A_189 {offsets = [15], sizes = [1], strides = [1]} : vector<16xi32> to vector<1xi32>
      %squeeze3A_911 = vector.extract %slice3A_910[0] : i32 from vector<1xi32>
      %shift_right_arithmetic3A_912 = arith.constant 7 : i32
      %shift_right_arithmetic3A_913 = arith.shrsi %squeeze3A_911, %shift_right_arithmetic3A_912 : i32
      %shift_left3A_914 = arith.constant 7 : i32
      %shift_left3A_915 = arith.shli %shift_right_arithmetic3A_913, %shift_left3A_914 : i32
      %multiple_of3A_916 = tpu.assume_multiple %shift_left3A_915, 128 : i32
      %dma_start3A_917 = arith.constant 0 : i32
      %dma_start3A_918 = tpu.memref_slice %arg4[%dma_start3A_917, %multiple_of3A_909] : memref<32x1000000xf32, #tpu.memory_space<hbm>> -> memref<32x128xf32, #tpu.memory_space<hbm>>
      %dma_start3A_919 = arith.constant 0 : i32
      %dma_start3A_920 = tpu.memref_slice %arg4[%dma_start3A_919, %multiple_of3A_909] : memref<32x1000000xf32, #tpu.memory_space<hbm>> -> memref<32x128xf32, #tpu.memory_space<hbm>>
      tpu.enqueue_dma source(%dma_start3A_920 : memref<32x128xf32, #tpu.memory_space<hbm>>) target(%arg17 : memref<32x128xf32, #tpu.memory_space<vmem>>) target_semaphore(%arg33 : memref<!tpu.dma_semaphore, #tpu.memory_space<semaphore_mem>>)
      %dma_start3A_921 = arith.constant 0 : i32
      %dma_start3A_922 = tpu.memref_slice %arg5[%dma_start3A_921, %multiple_of3A_916] : memref<32x1000000xf32, #tpu.memory_space<hbm>> -> memref<32x128xf32, #tpu.memory_space<hbm>>
      %dma_start3A_923 = arith.constant 0 : i32
      %dma_start3A_924 = tpu.memref_slice %arg5[%dma_start3A_923, %multiple_of3A_916] : memref<32x1000000xf32, #tpu.memory_space<hbm>> -> memref<32x128xf32, #tpu.memory_space<hbm>>
      tpu.enqueue_dma source(%dma_start3A_924 : memref<32x128xf32, #tpu.memory_space<hbm>>) target(%arg25 : memref<32x128xf32, #tpu.memory_space<vmem>>) target_semaphore(%arg41 : memref<!tpu.dma_semaphore, #tpu.memory_space<semaphore_mem>>)
      %slice3A_925 = vector.extract_strided_slice %get3A_185 {offsets = [8], sizes = [1], strides = [1]} : vector<16xi32> to vector<1xi32>
      %squeeze3A_926 = vector.extract %slice3A_925[0] : i32 from vector<1xi32>
      %and3A_927 = arith.constant 127 : i32
      %and3A_928 = arith.andi %squeeze3A_926, %and3A_927 : i32
      %broadcast_in_dim3A_929 = vector.broadcast %and3A_928 : i32 to vector<16xi32>
      %slice3A_930 = vector.extract_strided_slice %get3A_189 {offsets = [8], sizes = [1], strides = [1]} : vector<16xi32> to vector<1xi32>
      %squeeze3A_931 = vector.extract %slice3A_930[0] : i32 from vector<1xi32>
      %and3A_932 = arith.constant 127 : i32
      %and3A_933 = arith.andi %squeeze3A_931, %and3A_932 : i32
      %broadcast_in_dim3A_934 = vector.broadcast %and3A_933 : i32 to vector<16xi32>
      %dma_wait3A_935 = arith.constant 0 : i32
      %dma_wait3A_936 = arith.constant 0 : i32
      %dma_wait3A_937 = tpu.memref_slice %arg4[%dma_wait3A_935, %dma_wait3A_936] : memref<32x1000000xf32, #tpu.memory_space<hbm>> -> memref<32x128xf32, #tpu.memory_space<hbm>>
      %dma_wait3A_938 = arith.constant 0 : i32
      %dma_wait3A_939 = arith.constant 0 : i32
      %dma_wait3A_940 = tpu.memref_slice %arg4[%dma_wait3A_938, %dma_wait3A_939] : memref<32x1000000xf32, #tpu.memory_space<hbm>> -> memref<32x128xf32, #tpu.memory_space<hbm>>
      tpu.wait_dma2 semaphore(%arg26 : memref<!tpu.dma_semaphore, #tpu.memory_space<semaphore_mem>>) src(%dma_wait3A_940 : memref<32x128xf32, #tpu.memory_space<hbm>>) dst(%arg10 : memref<32x128xf32, #tpu.memory_space<vmem>>)
      %dma_wait3A_941 = arith.constant 0 : i32
      %dma_wait3A_942 = arith.constant 0 : i32
      %dma_wait3A_943 = tpu.memref_slice %arg5[%dma_wait3A_941, %dma_wait3A_942] : memref<32x1000000xf32, #tpu.memory_space<hbm>> -> memref<32x128xf32, #tpu.memory_space<hbm>>
      %dma_wait3A_944 = arith.constant 0 : i32
      %dma_wait3A_945 = arith.constant 0 : i32
      %dma_wait3A_946 = tpu.memref_slice %arg5[%dma_wait3A_944, %dma_wait3A_945] : memref<32x1000000xf32, #tpu.memory_space<hbm>> -> memref<32x128xf32, #tpu.memory_space<hbm>>
      tpu.wait_dma2 semaphore(%arg34 : memref<!tpu.dma_semaphore, #tpu.memory_space<semaphore_mem>>) src(%dma_wait3A_946 : memref<32x128xf32, #tpu.memory_space<hbm>>) dst(%arg18 : memref<32x128xf32, #tpu.memory_space<vmem>>)
      %mul3A_947 = arith.constant 16 : i32
      %mul3A_948 = arith.muli %scan3A_181, %mul3A_947 : i32
      %add3A_949 = arith.constant 8 : i32
      %add3A_950 = arith.addi %mul3A_948, %add3A_949 : i32
      %broadcast_in_dim3A_951 = vector.broadcast %add3A_950 : i32 to vector<16xi32>
      %add3A_952 = arith.constant 0 : i32
      %add3A_953 = vector.broadcast %add3A_952 : i32 to vector<16xi32>
      %add3A_954 = arith.addi %iota3A, %add3A_953 : vector<16xi32>
      %gather3A_955 = tpu.vector_load_idx %arg10[%add3A_954, %broadcast_in_dim3A_929] : memref<32x128xf32, #tpu.memory_space<vmem>>[vector<16xi32>, vector<16xi32>], vector<16xf32>,
      %add3A_956 = arith.constant 0 : i32
      %add3A_957 = vector.broadcast %add3A_956 : i32 to vector<16xi32>
      %add3A_958 = arith.addi %iota3A, %add3A_957 : vector<16xi32>
      %gather3A_959 = tpu.vector_load_idx %arg18[%add3A_958, %broadcast_in_dim3A_934] : memref<32x128xf32, #tpu.memory_space<vmem>>[vector<16xi32>, vector<16xi32>], vector<16xf32>,
      %add3A_960 = arith.constant 0 : i32
      %add3A_961 = vector.broadcast %add3A_960 : i32 to vector<16xi32>
      %add3A_962 = arith.addi %iota3A, %add3A_961 : vector<16xi32>
      %add3A_963 = arith.constant 1.000000e+00 : f32
      %add3A_964 = vector.broadcast %add3A_963 : f32 to vector<16xf32>
      %add3A_965 = arith.addf %gather3A_955, %add3A_964 : vector<16xf32>
      %add3A_966 = arith.constant 1.000000e+00 : f32
      %add3A_967 = vector.broadcast %add3A_966 : f32 to vector<16xf32>
      %add3A_968 = arith.addf %gather3A_959, %add3A_967 : vector<16xf32>
      %mul3A_969 = arith.mulf %add3A_965, %add3A_968 : vector<16xf32>
      %mul3A_970 = arith.constant 2.500000e-01 : f32
      %mul3A_971 = vector.broadcast %mul3A_970 : f32 to vector<16xf32>
      %mul3A_972 = arith.mulf %mul3A_969, %mul3A_971 : vector<16xf32>
      tpu.vector_store_idx %arg9[%add3A_962, %broadcast_in_dim3A_951], %mul3A_972 : memref<32x512xf32, #tpu.memory_space<vmem>>[vector<16xi32>, vector<16xi32>], vector<16xf32>,
      %add3A_973 = arith.constant 16 : i32
      %add3A_974 = vector.broadcast %add3A_973 : i32 to vector<16xi32>
      %add3A_975 = arith.addi %iota3A, %add3A_974 : vector<16xi32>
      %gather3A_976 = tpu.vector_load_idx %arg10[%add3A_975, %broadcast_in_dim3A_929] : memref<32x128xf32, #tpu.memory_space<vmem>>[vector<16xi32>, vector<16xi32>], vector<16xf32>,
      %add3A_977 = arith.constant 16 : i32
      %add3A_978 = vector.broadcast %add3A_977 : i32 to vector<16xi32>
      %add3A_979 = arith.addi %iota3A, %add3A_978 : vector<16xi32>
      %gather3A_980 = tpu.vector_load_idx %arg18[%add3A_979, %broadcast_in_dim3A_934] : memref<32x128xf32, #tpu.memory_space<vmem>>[vector<16xi32>, vector<16xi32>], vector<16xf32>,
      %add3A_981 = arith.constant 16 : i32
      %add3A_982 = vector.broadcast %add3A_981 : i32 to vector<16xi32>
      %add3A_983 = arith.addi %iota3A, %add3A_982 : vector<16xi32>
      %add3A_984 = arith.constant 1.000000e+00 : f32
      %add3A_985 = vector.broadcast %add3A_984 : f32 to vector<16xf32>
      %add3A_986 = arith.addf %gather3A_976, %add3A_985 : vector<16xf32>
      %add3A_987 = arith.constant 1.000000e+00 : f32
      %add3A_988 = vector.broadcast %add3A_987 : f32 to vector<16xf32>
      %add3A_989 = arith.addf %gather3A_980, %add3A_988 : vector<16xf32>
      %mul3A_990 = arith.mulf %add3A_986, %add3A_989 : vector<16xf32>
      %mul3A_991 = arith.constant 2.500000e-01 : f32
      %mul3A_992 = vector.broadcast %mul3A_991 : f32 to vector<16xf32>
      %mul3A_993 = arith.mulf %mul3A_990, %mul3A_992 : vector<16xf32>
      tpu.vector_store_idx %arg9[%add3A_983, %broadcast_in_dim3A_951], %mul3A_993 : memref<32x512xf32, #tpu.memory_space<vmem>>[vector<16xi32>, vector<16xi32>], vector<16xf32>,
      %lt3A = arith.constant 31 : i32
      %lt3A_994 = arith.cmpi slt, %scan3A_181, %lt3A : i32
      %convert_element_type3A = arith.extui %lt3A_994 : i1 to i32
      %cond3A = arith.constant 0 : i32
      %cond3A_995 = arith.cmpi ne, %convert_element_type3A, %cond3A : i32
      scf.if %cond3A_995 {
        %slice3A_1514 = vector.extract_strided_slice %get3A_196 {offsets = [0], sizes = [1], strides = [1]} : vector<16xi32> to vector<1xi32>
        %squeeze3A_1515 = vector.extract %slice3A_1514[0] : i32 from vector<1xi32>
        %shift_right_arithmetic3A_1516 = arith.constant 7 : i32
        %shift_right_arithmetic3A_1517 = arith.shrsi %squeeze3A_1515, %shift_right_arithmetic3A_1516 : i32
        %shift_left3A_1518 = arith.constant 7 : i32
        %shift_left3A_1519 = arith.shli %shift_right_arithmetic3A_1517, %shift_left3A_1518 : i32
        %multiple_of3A_1520 = tpu.assume_multiple %shift_left3A_1519, 128 : i32
        %slice3A_1521 = vector.extract_strided_slice %get3A_200 {offsets = [0], sizes = [1], strides = [1]} : vector<16xi32> to vector<1xi32>
        %squeeze3A_1522 = vector.extract %slice3A_1521[0] : i32 from vector<1xi32>
        %shift_right_arithmetic3A_1523 = arith.constant 7 : i32
        %shift_right_arithmetic3A_1524 = arith.shrsi %squeeze3A_1522, %shift_right_arithmetic3A_1523 : i32
        %shift_left3A_1525 = arith.constant 7 : i32
        %shift_left3A_1526 = arith.shli %shift_right_arithmetic3A_1524, %shift_left3A_1525 : i32
        %multiple_of3A_1527 = tpu.assume_multiple %shift_left3A_1526, 128 : i32
        %dma_start3A_1528 = arith.constant 0 : i32
        %dma_start3A_1529 = tpu.memref_slice %arg4[%dma_start3A_1528, %multiple_of3A_1520] : memref<32x1000000xf32, #tpu.memory_space<hbm>> -> memref<32x128xf32, #tpu.memory_space<hbm>>
        %dma_start3A_1530 = arith.constant 0 : i32
        %dma_start3A_1531 = tpu.memref_slice %arg4[%dma_start3A_1530, %multiple_of3A_1520] : memref<32x1000000xf32, #tpu.memory_space<hbm>> -> memref<32x128xf32, #tpu.memory_space<hbm>>
        tpu.enqueue_dma source(%dma_start3A_1531 : memref<32x128xf32, #tpu.memory_space<hbm>>) target(%arg10 : memref<32x128xf32, #tpu.memory_space<vmem>>) target_semaphore(%arg26 : memref<!tpu.dma_semaphore, #tpu.memory_space<semaphore_mem>>)
        %dma_start3A_1532 = arith.constant 0 : i32
        %dma_start3A_1533 = tpu.memref_slice %arg5[%dma_start3A_1532, %multiple_of3A_1527] : memref<32x1000000xf32, #tpu.memory_space<hbm>> -> memref<32x128xf32, #tpu.memory_space<hbm>>
        %dma_start3A_1534 = arith.constant 0 : i32
        %dma_start3A_1535 = tpu.memref_slice %arg5[%dma_start3A_1534, %multiple_of3A_1527] : memref<32x1000000xf32, #tpu.memory_space<hbm>> -> memref<32x128xf32, #tpu.memory_space<hbm>>
        tpu.enqueue_dma source(%dma_start3A_1535 : memref<32x128xf32, #tpu.memory_space<hbm>>) target(%arg18 : memref<32x128xf32, #tpu.memory_space<vmem>>) target_semaphore(%arg34 : memref<!tpu.dma_semaphore, #tpu.memory_space<semaphore_mem>>)
      } else {
      }
      %slice3A_996 = vector.extract_strided_slice %get3A_185 {offsets = [9], sizes = [1], strides = [1]} : vector<16xi32> to vector<1xi32>
      %squeeze3A_997 = vector.extract %slice3A_996[0] : i32 from vector<1xi32>
      %and3A_998 = arith.constant 127 : i32
      %and3A_999 = arith.andi %squeeze3A_997, %and3A_998 : i32
      %broadcast_in_dim3A_1000 = vector.broadcast %and3A_999 : i32 to vector<16xi32>
      %slice3A_1001 = vector.extract_strided_slice %get3A_189 {offsets = [9], sizes = [1], strides = [1]} : vector<16xi32> to vector<1xi32>
      %squeeze3A_1002 = vector.extract %slice3A_1001[0] : i32 from vector<1xi32>
      %and3A_1003 = arith.constant 127 : i32
      %and3A_1004 = arith.andi %squeeze3A_1002, %and3A_1003 : i32
      %broadcast_in_dim3A_1005 = vector.broadcast %and3A_1004 : i32 to vector<16xi32>
      %dma_wait3A_1006 = arith.constant 0 : i32
      %dma_wait3A_1007 = arith.constant 0 : i32
      %dma_wait3A_1008 = tpu.memref_slice %arg4[%dma_wait3A_1006, %dma_wait3A_1007] : memref<32x1000000xf32, #tpu.memory_space<hbm>> -> memref<32x128xf32, #tpu.memory_space<hbm>>
      %dma_wait3A_1009 = arith.constant 0 : i32
      %dma_wait3A_1010 = arith.constant 0 : i32
      %dma_wait3A_1011 = tpu.memref_slice %arg4[%dma_wait3A_1009, %dma_wait3A_1010] : memref<32x1000000xf32, #tpu.memory_space<hbm>> -> memref<32x128xf32, #tpu.memory_space<hbm>>
      tpu.wait_dma2 semaphore(%arg27 : memref<!tpu.dma_semaphore, #tpu.memory_space<semaphore_mem>>) src(%dma_wait3A_1011 : memref<32x128xf32, #tpu.memory_space<hbm>>) dst(%arg11 : memref<32x128xf32, #tpu.memory_space<vmem>>)
      %dma_wait3A_1012 = arith.constant 0 : i32
      %dma_wait3A_1013 = arith.constant 0 : i32
      %dma_wait3A_1014 = tpu.memref_slice %arg5[%dma_wait3A_1012, %dma_wait3A_1013] : memref<32x1000000xf32, #tpu.memory_space<hbm>> -> memref<32x128xf32, #tpu.memory_space<hbm>>
      %dma_wait3A_1015 = arith.constant 0 : i32
      %dma_wait3A_1016 = arith.constant 0 : i32
      %dma_wait3A_1017 = tpu.memref_slice %arg5[%dma_wait3A_1015, %dma_wait3A_1016] : memref<32x1000000xf32, #tpu.memory_space<hbm>> -> memref<32x128xf32, #tpu.memory_space<hbm>>
      tpu.wait_dma2 semaphore(%arg35 : memref<!tpu.dma_semaphore, #tpu.memory_space<semaphore_mem>>) src(%dma_wait3A_1017 : memref<32x128xf32, #tpu.memory_space<hbm>>) dst(%arg19 : memref<32x128xf32, #tpu.memory_space<vmem>>)
      %mul3A_1018 = arith.constant 16 : i32
      %mul3A_1019 = arith.muli %scan3A_181, %mul3A_1018 : i32
      %add3A_1020 = arith.constant 9 : i32
      %add3A_1021 = arith.addi %mul3A_1019, %add3A_1020 : i32
      %broadcast_in_dim3A_1022 = vector.broadcast %add3A_1021 : i32 to vector<16xi32>
      %add3A_1023 = arith.constant 0 : i32
      %add3A_1024 = vector.broadcast %add3A_1023 : i32 to vector<16xi32>
      %add3A_1025 = arith.addi %iota3A, %add3A_1024 : vector<16xi32>
      %gather3A_1026 = tpu.vector_load_idx %arg11[%add3A_1025, %broadcast_in_dim3A_1000] : memref<32x128xf32, #tpu.memory_space<vmem>>[vector<16xi32>, vector<16xi32>], vector<16xf32>,
      %add3A_1027 = arith.constant 0 : i32
      %add3A_1028 = vector.broadcast %add3A_1027 : i32 to vector<16xi32>
      %add3A_1029 = arith.addi %iota3A, %add3A_1028 : vector<16xi32>
      %gather3A_1030 = tpu.vector_load_idx %arg19[%add3A_1029, %broadcast_in_dim3A_1005] : memref<32x128xf32, #tpu.memory_space<vmem>>[vector<16xi32>, vector<16xi32>], vector<16xf32>,
      %add3A_1031 = arith.constant 0 : i32
      %add3A_1032 = vector.broadcast %add3A_1031 : i32 to vector<16xi32>
      %add3A_1033 = arith.addi %iota3A, %add3A_1032 : vector<16xi32>
      %add3A_1034 = arith.constant 1.000000e+00 : f32
      %add3A_1035 = vector.broadcast %add3A_1034 : f32 to vector<16xf32>
      %add3A_1036 = arith.addf %gather3A_1026, %add3A_1035 : vector<16xf32>
      %add3A_1037 = arith.constant 1.000000e+00 : f32
      %add3A_1038 = vector.broadcast %add3A_1037 : f32 to vector<16xf32>
      %add3A_1039 = arith.addf %gather3A_1030, %add3A_1038 : vector<16xf32>
      %mul3A_1040 = arith.mulf %add3A_1036, %add3A_1039 : vector<16xf32>
      %mul3A_1041 = arith.constant 2.500000e-01 : f32
      %mul3A_1042 = vector.broadcast %mul3A_1041 : f32 to vector<16xf32>
      %mul3A_1043 = arith.mulf %mul3A_1040, %mul3A_1042 : vector<16xf32>
      tpu.vector_store_idx %arg9[%add3A_1033, %broadcast_in_dim3A_1022], %mul3A_1043 : memref<32x512xf32, #tpu.memory_space<vmem>>[vector<16xi32>, vector<16xi32>], vector<16xf32>,
      %add3A_1044 = arith.constant 16 : i32
      %add3A_1045 = vector.broadcast %add3A_1044 : i32 to vector<16xi32>
      %add3A_1046 = arith.addi %iota3A, %add3A_1045 : vector<16xi32>
      %gather3A_1047 = tpu.vector_load_idx %arg11[%add3A_1046, %broadcast_in_dim3A_1000] : memref<32x128xf32, #tpu.memory_space<vmem>>[vector<16xi32>, vector<16xi32>], vector<16xf32>,
      %add3A_1048 = arith.constant 16 : i32
      %add3A_1049 = vector.broadcast %add3A_1048 : i32 to vector<16xi32>
      %add3A_1050 = arith.addi %iota3A, %add3A_1049 : vector<16xi32>
      %gather3A_1051 = tpu.vector_load_idx %arg19[%add3A_1050, %broadcast_in_dim3A_1005] : memref<32x128xf32, #tpu.memory_space<vmem>>[vector<16xi32>, vector<16xi32>], vector<16xf32>,
      %add3A_1052 = arith.constant 16 : i32
      %add3A_1053 = vector.broadcast %add3A_1052 : i32 to vector<16xi32>
      %add3A_1054 = arith.addi %iota3A, %add3A_1053 : vector<16xi32>
      %add3A_1055 = arith.constant 1.000000e+00 : f32
      %add3A_1056 = vector.broadcast %add3A_1055 : f32 to vector<16xf32>
      %add3A_1057 = arith.addf %gather3A_1047, %add3A_1056 : vector<16xf32>
      %add3A_1058 = arith.constant 1.000000e+00 : f32
      %add3A_1059 = vector.broadcast %add3A_1058 : f32 to vector<16xf32>
      %add3A_1060 = arith.addf %gather3A_1051, %add3A_1059 : vector<16xf32>
      %mul3A_1061 = arith.mulf %add3A_1057, %add3A_1060 : vector<16xf32>
      %mul3A_1062 = arith.constant 2.500000e-01 : f32
      %mul3A_1063 = vector.broadcast %mul3A_1062 : f32 to vector<16xf32>
      %mul3A_1064 = arith.mulf %mul3A_1061, %mul3A_1063 : vector<16xf32>
      tpu.vector_store_idx %arg9[%add3A_1054, %broadcast_in_dim3A_1022], %mul3A_1064 : memref<32x512xf32, #tpu.memory_space<vmem>>[vector<16xi32>, vector<16xi32>], vector<16xf32>,
      %lt3A_1065 = arith.constant 31 : i32
      %lt3A_1066 = arith.cmpi slt, %scan3A_181, %lt3A_1065 : i32
      %convert_element_type3A_1067 = arith.extui %lt3A_1066 : i1 to i32
      %cond3A_1068 = arith.constant 0 : i32
      %cond3A_1069 = arith.cmpi ne, %convert_element_type3A_1067, %cond3A_1068 : i32
      scf.if %cond3A_1069 {
        %slice3A_1514 = vector.extract_strided_slice %get3A_196 {offsets = [1], sizes = [1], strides = [1]} : vector<16xi32> to vector<1xi32>
        %squeeze3A_1515 = vector.extract %slice3A_1514[0] : i32 from vector<1xi32>
        %shift_right_arithmetic3A_1516 = arith.constant 7 : i32
        %shift_right_arithmetic3A_1517 = arith.shrsi %squeeze3A_1515, %shift_right_arithmetic3A_1516 : i32
        %shift_left3A_1518 = arith.constant 7 : i32
        %shift_left3A_1519 = arith.shli %shift_right_arithmetic3A_1517, %shift_left3A_1518 : i32
        %multiple_of3A_1520 = tpu.assume_multiple %shift_left3A_1519, 128 : i32
        %slice3A_1521 = vector.extract_strided_slice %get3A_200 {offsets = [1], sizes = [1], strides = [1]} : vector<16xi32> to vector<1xi32>
        %squeeze3A_1522 = vector.extract %slice3A_1521[0] : i32 from vector<1xi32>
        %shift_right_arithmetic3A_1523 = arith.constant 7 : i32
        %shift_right_arithmetic3A_1524 = arith.shrsi %squeeze3A_1522, %shift_right_arithmetic3A_1523 : i32
        %shift_left3A_1525 = arith.constant 7 : i32
        %shift_left3A_1526 = arith.shli %shift_right_arithmetic3A_1524, %shift_left3A_1525 : i32
        %multiple_of3A_1527 = tpu.assume_multiple %shift_left3A_1526, 128 : i32
        %dma_start3A_1528 = arith.constant 0 : i32
        %dma_start3A_1529 = tpu.memref_slice %arg4[%dma_start3A_1528, %multiple_of3A_1520] : memref<32x1000000xf32, #tpu.memory_space<hbm>> -> memref<32x128xf32, #tpu.memory_space<hbm>>
        %dma_start3A_1530 = arith.constant 0 : i32
        %dma_start3A_1531 = tpu.memref_slice %arg4[%dma_start3A_1530, %multiple_of3A_1520] : memref<32x1000000xf32, #tpu.memory_space<hbm>> -> memref<32x128xf32, #tpu.memory_space<hbm>>
        tpu.enqueue_dma source(%dma_start3A_1531 : memref<32x128xf32, #tpu.memory_space<hbm>>) target(%arg11 : memref<32x128xf32, #tpu.memory_space<vmem>>) target_semaphore(%arg27 : memref<!tpu.dma_semaphore, #tpu.memory_space<semaphore_mem>>)
        %dma_start3A_1532 = arith.constant 0 : i32
        %dma_start3A_1533 = tpu.memref_slice %arg5[%dma_start3A_1532, %multiple_of3A_1527] : memref<32x1000000xf32, #tpu.memory_space<hbm>> -> memref<32x128xf32, #tpu.memory_space<hbm>>
        %dma_start3A_1534 = arith.constant 0 : i32
        %dma_start3A_1535 = tpu.memref_slice %arg5[%dma_start3A_1534, %multiple_of3A_1527] : memref<32x1000000xf32, #tpu.memory_space<hbm>> -> memref<32x128xf32, #tpu.memory_space<hbm>>
        tpu.enqueue_dma source(%dma_start3A_1535 : memref<32x128xf32, #tpu.memory_space<hbm>>) target(%arg19 : memref<32x128xf32, #tpu.memory_space<vmem>>) target_semaphore(%arg35 : memref<!tpu.dma_semaphore, #tpu.memory_space<semaphore_mem>>)
      } else {
      }
      %slice3A_1070 = vector.extract_strided_slice %get3A_185 {offsets = [10], sizes = [1], strides = [1]} : vector<16xi32> to vector<1xi32>
      %squeeze3A_1071 = vector.extract %slice3A_1070[0] : i32 from vector<1xi32>
      %and3A_1072 = arith.constant 127 : i32
      %and3A_1073 = arith.andi %squeeze3A_1071, %and3A_1072 : i32
      %broadcast_in_dim3A_1074 = vector.broadcast %and3A_1073 : i32 to vector<16xi32>
      %slice3A_1075 = vector.extract_strided_slice %get3A_189 {offsets = [10], sizes = [1], strides = [1]} : vector<16xi32> to vector<1xi32>
      %squeeze3A_1076 = vector.extract %slice3A_1075[0] : i32 from vector<1xi32>
      %and3A_1077 = arith.constant 127 : i32
      %and3A_1078 = arith.andi %squeeze3A_1076, %and3A_1077 : i32
      %broadcast_in_dim3A_1079 = vector.broadcast %and3A_1078 : i32 to vector<16xi32>
      %dma_wait3A_1080 = arith.constant 0 : i32
      %dma_wait3A_1081 = arith.constant 0 : i32
      %dma_wait3A_1082 = tpu.memref_slice %arg4[%dma_wait3A_1080, %dma_wait3A_1081] : memref<32x1000000xf32, #tpu.memory_space<hbm>> -> memref<32x128xf32, #tpu.memory_space<hbm>>
      %dma_wait3A_1083 = arith.constant 0 : i32
      %dma_wait3A_1084 = arith.constant 0 : i32
      %dma_wait3A_1085 = tpu.memref_slice %arg4[%dma_wait3A_1083, %dma_wait3A_1084] : memref<32x1000000xf32, #tpu.memory_space<hbm>> -> memref<32x128xf32, #tpu.memory_space<hbm>>
      tpu.wait_dma2 semaphore(%arg28 : memref<!tpu.dma_semaphore, #tpu.memory_space<semaphore_mem>>) src(%dma_wait3A_1085 : memref<32x128xf32, #tpu.memory_space<hbm>>) dst(%arg12 : memref<32x128xf32, #tpu.memory_space<vmem>>)
      %dma_wait3A_1086 = arith.constant 0 : i32
      %dma_wait3A_1087 = arith.constant 0 : i32
      %dma_wait3A_1088 = tpu.memref_slice %arg5[%dma_wait3A_1086, %dma_wait3A_1087] : memref<32x1000000xf32, #tpu.memory_space<hbm>> -> memref<32x128xf32, #tpu.memory_space<hbm>>
      %dma_wait3A_1089 = arith.constant 0 : i32
      %dma_wait3A_1090 = arith.constant 0 : i32
      %dma_wait3A_1091 = tpu.memref_slice %arg5[%dma_wait3A_1089, %dma_wait3A_1090] : memref<32x1000000xf32, #tpu.memory_space<hbm>> -> memref<32x128xf32, #tpu.memory_space<hbm>>
      tpu.wait_dma2 semaphore(%arg36 : memref<!tpu.dma_semaphore, #tpu.memory_space<semaphore_mem>>) src(%dma_wait3A_1091 : memref<32x128xf32, #tpu.memory_space<hbm>>) dst(%arg20 : memref<32x128xf32, #tpu.memory_space<vmem>>)
      %mul3A_1092 = arith.constant 16 : i32
      %mul3A_1093 = arith.muli %scan3A_181, %mul3A_1092 : i32
      %add3A_1094 = arith.constant 10 : i32
      %add3A_1095 = arith.addi %mul3A_1093, %add3A_1094 : i32
      %broadcast_in_dim3A_1096 = vector.broadcast %add3A_1095 : i32 to vector<16xi32>
      %add3A_1097 = arith.constant 0 : i32
      %add3A_1098 = vector.broadcast %add3A_1097 : i32 to vector<16xi32>
      %add3A_1099 = arith.addi %iota3A, %add3A_1098 : vector<16xi32>
      %gather3A_1100 = tpu.vector_load_idx %arg12[%add3A_1099, %broadcast_in_dim3A_1074] : memref<32x128xf32, #tpu.memory_space<vmem>>[vector<16xi32>, vector<16xi32>], vector<16xf32>,
      %add3A_1101 = arith.constant 0 : i32
      %add3A_1102 = vector.broadcast %add3A_1101 : i32 to vector<16xi32>
      %add3A_1103 = arith.addi %iota3A, %add3A_1102 : vector<16xi32>
      %gather3A_1104 = tpu.vector_load_idx %arg20[%add3A_1103, %broadcast_in_dim3A_1079] : memref<32x128xf32, #tpu.memory_space<vmem>>[vector<16xi32>, vector<16xi32>], vector<16xf32>,
      %add3A_1105 = arith.constant 0 : i32
      %add3A_1106 = vector.broadcast %add3A_1105 : i32 to vector<16xi32>
      %add3A_1107 = arith.addi %iota3A, %add3A_1106 : vector<16xi32>
      %add3A_1108 = arith.constant 1.000000e+00 : f32
      %add3A_1109 = vector.broadcast %add3A_1108 : f32 to vector<16xf32>
      %add3A_1110 = arith.addf %gather3A_1100, %add3A_1109 : vector<16xf32>
      %add3A_1111 = arith.constant 1.000000e+00 : f32
      %add3A_1112 = vector.broadcast %add3A_1111 : f32 to vector<16xf32>
      %add3A_1113 = arith.addf %gather3A_1104, %add3A_1112 : vector<16xf32>
      %mul3A_1114 = arith.mulf %add3A_1110, %add3A_1113 : vector<16xf32>
      %mul3A_1115 = arith.constant 2.500000e-01 : f32
      %mul3A_1116 = vector.broadcast %mul3A_1115 : f32 to vector<16xf32>
      %mul3A_1117 = arith.mulf %mul3A_1114, %mul3A_1116 : vector<16xf32>
      tpu.vector_store_idx %arg9[%add3A_1107, %broadcast_in_dim3A_1096], %mul3A_1117 : memref<32x512xf32, #tpu.memory_space<vmem>>[vector<16xi32>, vector<16xi32>], vector<16xf32>,
      %add3A_1118 = arith.constant 16 : i32
      %add3A_1119 = vector.broadcast %add3A_1118 : i32 to vector<16xi32>
      %add3A_1120 = arith.addi %iota3A, %add3A_1119 : vector<16xi32>
      %gather3A_1121 = tpu.vector_load_idx %arg12[%add3A_1120, %broadcast_in_dim3A_1074] : memref<32x128xf32, #tpu.memory_space<vmem>>[vector<16xi32>, vector<16xi32>], vector<16xf32>,
      %add3A_1122 = arith.constant 16 : i32
      %add3A_1123 = vector.broadcast %add3A_1122 : i32 to vector<16xi32>
      %add3A_1124 = arith.addi %iota3A, %add3A_1123 : vector<16xi32>
      %gather3A_1125 = tpu.vector_load_idx %arg20[%add3A_1124, %broadcast_in_dim3A_1079] : memref<32x128xf32, #tpu.memory_space<vmem>>[vector<16xi32>, vector<16xi32>], vector<16xf32>,
      %add3A_1126 = arith.constant 16 : i32
      %add3A_1127 = vector.broadcast %add3A_1126 : i32 to vector<16xi32>
      %add3A_1128 = arith.addi %iota3A, %add3A_1127 : vector<16xi32>
      %add3A_1129 = arith.constant 1.000000e+00 : f32
      %add3A_1130 = vector.broadcast %add3A_1129 : f32 to vector<16xf32>
      %add3A_1131 = arith.addf %gather3A_1121, %add3A_1130 : vector<16xf32>
      %add3A_1132 = arith.constant 1.000000e+00 : f32
      %add3A_1133 = vector.broadcast %add3A_1132 : f32 to vector<16xf32>
      %add3A_1134 = arith.addf %gather3A_1125, %add3A_1133 : vector<16xf32>
      %mul3A_1135 = arith.mulf %add3A_1131, %add3A_1134 : vector<16xf32>
      %mul3A_1136 = arith.constant 2.500000e-01 : f32
      %mul3A_1137 = vector.broadcast %mul3A_1136 : f32 to vector<16xf32>
      %mul3A_1138 = arith.mulf %mul3A_1135, %mul3A_1137 : vector<16xf32>
      tpu.vector_store_idx %arg9[%add3A_1128, %broadcast_in_dim3A_1096], %mul3A_1138 : memref<32x512xf32, #tpu.memory_space<vmem>>[vector<16xi32>, vector<16xi32>], vector<16xf32>,
      %lt3A_1139 = arith.constant 31 : i32
      %lt3A_1140 = arith.cmpi slt, %scan3A_181, %lt3A_1139 : i32
      %convert_element_type3A_1141 = arith.extui %lt3A_1140 : i1 to i32
      %cond3A_1142 = arith.constant 0 : i32
      %cond3A_1143 = arith.cmpi ne, %convert_element_type3A_1141, %cond3A_1142 : i32
      scf.if %cond3A_1143 {
        %slice3A_1514 = vector.extract_strided_slice %get3A_196 {offsets = [2], sizes = [1], strides = [1]} : vector<16xi32> to vector<1xi32>
        %squeeze3A_1515 = vector.extract %slice3A_1514[0] : i32 from vector<1xi32>
        %shift_right_arithmetic3A_1516 = arith.constant 7 : i32
        %shift_right_arithmetic3A_1517 = arith.shrsi %squeeze3A_1515, %shift_right_arithmetic3A_1516 : i32
        %shift_left3A_1518 = arith.constant 7 : i32
        %shift_left3A_1519 = arith.shli %shift_right_arithmetic3A_1517, %shift_left3A_1518 : i32
        %multiple_of3A_1520 = tpu.assume_multiple %shift_left3A_1519, 128 : i32
        %slice3A_1521 = vector.extract_strided_slice %get3A_200 {offsets = [2], sizes = [1], strides = [1]} : vector<16xi32> to vector<1xi32>
        %squeeze3A_1522 = vector.extract %slice3A_1521[0] : i32 from vector<1xi32>
        %shift_right_arithmetic3A_1523 = arith.constant 7 : i32
        %shift_right_arithmetic3A_1524 = arith.shrsi %squeeze3A_1522, %shift_right_arithmetic3A_1523 : i32
        %shift_left3A_1525 = arith.constant 7 : i32
        %shift_left3A_1526 = arith.shli %shift_right_arithmetic3A_1524, %shift_left3A_1525 : i32
        %multiple_of3A_1527 = tpu.assume_multiple %shift_left3A_1526, 128 : i32
        %dma_start3A_1528 = arith.constant 0 : i32
        %dma_start3A_1529 = tpu.memref_slice %arg4[%dma_start3A_1528, %multiple_of3A_1520] : memref<32x1000000xf32, #tpu.memory_space<hbm>> -> memref<32x128xf32, #tpu.memory_space<hbm>>
        %dma_start3A_1530 = arith.constant 0 : i32
        %dma_start3A_1531 = tpu.memref_slice %arg4[%dma_start3A_1530, %multiple_of3A_1520] : memref<32x1000000xf32, #tpu.memory_space<hbm>> -> memref<32x128xf32, #tpu.memory_space<hbm>>
        tpu.enqueue_dma source(%dma_start3A_1531 : memref<32x128xf32, #tpu.memory_space<hbm>>) target(%arg12 : memref<32x128xf32, #tpu.memory_space<vmem>>) target_semaphore(%arg28 : memref<!tpu.dma_semaphore, #tpu.memory_space<semaphore_mem>>)
        %dma_start3A_1532 = arith.constant 0 : i32
        %dma_start3A_1533 = tpu.memref_slice %arg5[%dma_start3A_1532, %multiple_of3A_1527] : memref<32x1000000xf32, #tpu.memory_space<hbm>> -> memref<32x128xf32, #tpu.memory_space<hbm>>
        %dma_start3A_1534 = arith.constant 0 : i32
        %dma_start3A_1535 = tpu.memref_slice %arg5[%dma_start3A_1534, %multiple_of3A_1527] : memref<32x1000000xf32, #tpu.memory_space<hbm>> -> memref<32x128xf32, #tpu.memory_space<hbm>>
        tpu.enqueue_dma source(%dma_start3A_1535 : memref<32x128xf32, #tpu.memory_space<hbm>>) target(%arg20 : memref<32x128xf32, #tpu.memory_space<vmem>>) target_semaphore(%arg36 : memref<!tpu.dma_semaphore, #tpu.memory_space<semaphore_mem>>)
      } else {
      }
      %slice3A_1144 = vector.extract_strided_slice %get3A_185 {offsets = [11], sizes = [1], strides = [1]} : vector<16xi32> to vector<1xi32>
      %squeeze3A_1145 = vector.extract %slice3A_1144[0] : i32 from vector<1xi32>
      %and3A_1146 = arith.constant 127 : i32
      %and3A_1147 = arith.andi %squeeze3A_1145, %and3A_1146 : i32
      %broadcast_in_dim3A_1148 = vector.broadcast %and3A_1147 : i32 to vector<16xi32>
      %slice3A_1149 = vector.extract_strided_slice %get3A_189 {offsets = [11], sizes = [1], strides = [1]} : vector<16xi32> to vector<1xi32>
      %squeeze3A_1150 = vector.extract %slice3A_1149[0] : i32 from vector<1xi32>
      %and3A_1151 = arith.constant 127 : i32
      %and3A_1152 = arith.andi %squeeze3A_1150, %and3A_1151 : i32
      %broadcast_in_dim3A_1153 = vector.broadcast %and3A_1152 : i32 to vector<16xi32>
      %dma_wait3A_1154 = arith.constant 0 : i32
      %dma_wait3A_1155 = arith.constant 0 : i32
      %dma_wait3A_1156 = tpu.memref_slice %arg4[%dma_wait3A_1154, %dma_wait3A_1155] : memref<32x1000000xf32, #tpu.memory_space<hbm>> -> memref<32x128xf32, #tpu.memory_space<hbm>>
      %dma_wait3A_1157 = arith.constant 0 : i32
      %dma_wait3A_1158 = arith.constant 0 : i32
      %dma_wait3A_1159 = tpu.memref_slice %arg4[%dma_wait3A_1157, %dma_wait3A_1158] : memref<32x1000000xf32, #tpu.memory_space<hbm>> -> memref<32x128xf32, #tpu.memory_space<hbm>>
      tpu.wait_dma2 semaphore(%arg29 : memref<!tpu.dma_semaphore, #tpu.memory_space<semaphore_mem>>) src(%dma_wait3A_1159 : memref<32x128xf32, #tpu.memory_space<hbm>>) dst(%arg13 : memref<32x128xf32, #tpu.memory_space<vmem>>)
      %dma_wait3A_1160 = arith.constant 0 : i32
      %dma_wait3A_1161 = arith.constant 0 : i32
      %dma_wait3A_1162 = tpu.memref_slice %arg5[%dma_wait3A_1160, %dma_wait3A_1161] : memref<32x1000000xf32, #tpu.memory_space<hbm>> -> memref<32x128xf32, #tpu.memory_space<hbm>>
      %dma_wait3A_1163 = arith.constant 0 : i32
      %dma_wait3A_1164 = arith.constant 0 : i32
      %dma_wait3A_1165 = tpu.memref_slice %arg5[%dma_wait3A_1163, %dma_wait3A_1164] : memref<32x1000000xf32, #tpu.memory_space<hbm>> -> memref<32x128xf32, #tpu.memory_space<hbm>>
      tpu.wait_dma2 semaphore(%arg37 : memref<!tpu.dma_semaphore, #tpu.memory_space<semaphore_mem>>) src(%dma_wait3A_1165 : memref<32x128xf32, #tpu.memory_space<hbm>>) dst(%arg21 : memref<32x128xf32, #tpu.memory_space<vmem>>)
      %mul3A_1166 = arith.constant 16 : i32
      %mul3A_1167 = arith.muli %scan3A_181, %mul3A_1166 : i32
      %add3A_1168 = arith.constant 11 : i32
      %add3A_1169 = arith.addi %mul3A_1167, %add3A_1168 : i32
      %broadcast_in_dim3A_1170 = vector.broadcast %add3A_1169 : i32 to vector<16xi32>
      %add3A_1171 = arith.constant 0 : i32
      %add3A_1172 = vector.broadcast %add3A_1171 : i32 to vector<16xi32>
      %add3A_1173 = arith.addi %iota3A, %add3A_1172 : vector<16xi32>
      %gather3A_1174 = tpu.vector_load_idx %arg13[%add3A_1173, %broadcast_in_dim3A_1148] : memref<32x128xf32, #tpu.memory_space<vmem>>[vector<16xi32>, vector<16xi32>], vector<16xf32>,
      %add3A_1175 = arith.constant 0 : i32
      %add3A_1176 = vector.broadcast %add3A_1175 : i32 to vector<16xi32>
      %add3A_1177 = arith.addi %iota3A, %add3A_1176 : vector<16xi32>
      %gather3A_1178 = tpu.vector_load_idx %arg21[%add3A_1177, %broadcast_in_dim3A_1153] : memref<32x128xf32, #tpu.memory_space<vmem>>[vector<16xi32>, vector<16xi32>], vector<16xf32>,
      %add3A_1179 = arith.constant 0 : i32
      %add3A_1180 = vector.broadcast %add3A_1179 : i32 to vector<16xi32>
      %add3A_1181 = arith.addi %iota3A, %add3A_1180 : vector<16xi32>
      %add3A_1182 = arith.constant 1.000000e+00 : f32
      %add3A_1183 = vector.broadcast %add3A_1182 : f32 to vector<16xf32>
      %add3A_1184 = arith.addf %gather3A_1174, %add3A_1183 : vector<16xf32>
      %add3A_1185 = arith.constant 1.000000e+00 : f32
      %add3A_1186 = vector.broadcast %add3A_1185 : f32 to vector<16xf32>
      %add3A_1187 = arith.addf %gather3A_1178, %add3A_1186 : vector<16xf32>
      %mul3A_1188 = arith.mulf %add3A_1184, %add3A_1187 : vector<16xf32>
      %mul3A_1189 = arith.constant 2.500000e-01 : f32
      %mul3A_1190 = vector.broadcast %mul3A_1189 : f32 to vector<16xf32>
      %mul3A_1191 = arith.mulf %mul3A_1188, %mul3A_1190 : vector<16xf32>
      tpu.vector_store_idx %arg9[%add3A_1181, %broadcast_in_dim3A_1170], %mul3A_1191 : memref<32x512xf32, #tpu.memory_space<vmem>>[vector<16xi32>, vector<16xi32>], vector<16xf32>,
      %add3A_1192 = arith.constant 16 : i32
      %add3A_1193 = vector.broadcast %add3A_1192 : i32 to vector<16xi32>
      %add3A_1194 = arith.addi %iota3A, %add3A_1193 : vector<16xi32>
      %gather3A_1195 = tpu.vector_load_idx %arg13[%add3A_1194, %broadcast_in_dim3A_1148] : memref<32x128xf32, #tpu.memory_space<vmem>>[vector<16xi32>, vector<16xi32>], vector<16xf32>,
      %add3A_1196 = arith.constant 16 : i32
      %add3A_1197 = vector.broadcast %add3A_1196 : i32 to vector<16xi32>
      %add3A_1198 = arith.addi %iota3A, %add3A_1197 : vector<16xi32>
      %gather3A_1199 = tpu.vector_load_idx %arg21[%add3A_1198, %broadcast_in_dim3A_1153] : memref<32x128xf32, #tpu.memory_space<vmem>>[vector<16xi32>, vector<16xi32>], vector<16xf32>,
      %add3A_1200 = arith.constant 16 : i32
      %add3A_1201 = vector.broadcast %add3A_1200 : i32 to vector<16xi32>
      %add3A_1202 = arith.addi %iota3A, %add3A_1201 : vector<16xi32>
      %add3A_1203 = arith.constant 1.000000e+00 : f32
      %add3A_1204 = vector.broadcast %add3A_1203 : f32 to vector<16xf32>
      %add3A_1205 = arith.addf %gather3A_1195, %add3A_1204 : vector<16xf32>
      %add3A_1206 = arith.constant 1.000000e+00 : f32
      %add3A_1207 = vector.broadcast %add3A_1206 : f32 to vector<16xf32>
      %add3A_1208 = arith.addf %gather3A_1199, %add3A_1207 : vector<16xf32>
      %mul3A_1209 = arith.mulf %add3A_1205, %add3A_1208 : vector<16xf32>
      %mul3A_1210 = arith.constant 2.500000e-01 : f32
      %mul3A_1211 = vector.broadcast %mul3A_1210 : f32 to vector<16xf32>
      %mul3A_1212 = arith.mulf %mul3A_1209, %mul3A_1211 : vector<16xf32>
      tpu.vector_store_idx %arg9[%add3A_1202, %broadcast_in_dim3A_1170], %mul3A_1212 : memref<32x512xf32, #tpu.memory_space<vmem>>[vector<16xi32>, vector<16xi32>], vector<16xf32>,
      %lt3A_1213 = arith.constant 31 : i32
      %lt3A_1214 = arith.cmpi slt, %scan3A_181, %lt3A_1213 : i32
      %convert_element_type3A_1215 = arith.extui %lt3A_1214 : i1 to i32
      %cond3A_1216 = arith.constant 0 : i32
      %cond3A_1217 = arith.cmpi ne, %convert_element_type3A_1215, %cond3A_1216 : i32
      scf.if %cond3A_1217 {
        %slice3A_1514 = vector.extract_strided_slice %get3A_196 {offsets = [3], sizes = [1], strides = [1]} : vector<16xi32> to vector<1xi32>
        %squeeze3A_1515 = vector.extract %slice3A_1514[0] : i32 from vector<1xi32>
        %shift_right_arithmetic3A_1516 = arith.constant 7 : i32
        %shift_right_arithmetic3A_1517 = arith.shrsi %squeeze3A_1515, %shift_right_arithmetic3A_1516 : i32
        %shift_left3A_1518 = arith.constant 7 : i32
        %shift_left3A_1519 = arith.shli %shift_right_arithmetic3A_1517, %shift_left3A_1518 : i32
        %multiple_of3A_1520 = tpu.assume_multiple %shift_left3A_1519, 128 : i32
        %slice3A_1521 = vector.extract_strided_slice %get3A_200 {offsets = [3], sizes = [1], strides = [1]} : vector<16xi32> to vector<1xi32>
        %squeeze3A_1522 = vector.extract %slice3A_1521[0] : i32 from vector<1xi32>
        %shift_right_arithmetic3A_1523 = arith.constant 7 : i32
        %shift_right_arithmetic3A_1524 = arith.shrsi %squeeze3A_1522, %shift_right_arithmetic3A_1523 : i32
        %shift_left3A_1525 = arith.constant 7 : i32
        %shift_left3A_1526 = arith.shli %shift_right_arithmetic3A_1524, %shift_left3A_1525 : i32
        %multiple_of3A_1527 = tpu.assume_multiple %shift_left3A_1526, 128 : i32
        %dma_start3A_1528 = arith.constant 0 : i32
        %dma_start3A_1529 = tpu.memref_slice %arg4[%dma_start3A_1528, %multiple_of3A_1520] : memref<32x1000000xf32, #tpu.memory_space<hbm>> -> memref<32x128xf32, #tpu.memory_space<hbm>>
        %dma_start3A_1530 = arith.constant 0 : i32
        %dma_start3A_1531 = tpu.memref_slice %arg4[%dma_start3A_1530, %multiple_of3A_1520] : memref<32x1000000xf32, #tpu.memory_space<hbm>> -> memref<32x128xf32, #tpu.memory_space<hbm>>
        tpu.enqueue_dma source(%dma_start3A_1531 : memref<32x128xf32, #tpu.memory_space<hbm>>) target(%arg13 : memref<32x128xf32, #tpu.memory_space<vmem>>) target_semaphore(%arg29 : memref<!tpu.dma_semaphore, #tpu.memory_space<semaphore_mem>>)
        %dma_start3A_1532 = arith.constant 0 : i32
        %dma_start3A_1533 = tpu.memref_slice %arg5[%dma_start3A_1532, %multiple_of3A_1527] : memref<32x1000000xf32, #tpu.memory_space<hbm>> -> memref<32x128xf32, #tpu.memory_space<hbm>>
        %dma_start3A_1534 = arith.constant 0 : i32
        %dma_start3A_1535 = tpu.memref_slice %arg5[%dma_start3A_1534, %multiple_of3A_1527] : memref<32x1000000xf32, #tpu.memory_space<hbm>> -> memref<32x128xf32, #tpu.memory_space<hbm>>
        tpu.enqueue_dma source(%dma_start3A_1535 : memref<32x128xf32, #tpu.memory_space<hbm>>) target(%arg21 : memref<32x128xf32, #tpu.memory_space<vmem>>) target_semaphore(%arg37 : memref<!tpu.dma_semaphore, #tpu.memory_space<semaphore_mem>>)
      } else {
      }
      %slice3A_1218 = vector.extract_strided_slice %get3A_185 {offsets = [12], sizes = [1], strides = [1]} : vector<16xi32> to vector<1xi32>
      %squeeze3A_1219 = vector.extract %slice3A_1218[0] : i32 from vector<1xi32>
      %and3A_1220 = arith.constant 127 : i32
      %and3A_1221 = arith.andi %squeeze3A_1219, %and3A_1220 : i32
      %broadcast_in_dim3A_1222 = vector.broadcast %and3A_1221 : i32 to vector<16xi32>
      %slice3A_1223 = vector.extract_strided_slice %get3A_189 {offsets = [12], sizes = [1], strides = [1]} : vector<16xi32> to vector<1xi32>
      %squeeze3A_1224 = vector.extract %slice3A_1223[0] : i32 from vector<1xi32>
      %and3A_1225 = arith.constant 127 : i32
      %and3A_1226 = arith.andi %squeeze3A_1224, %and3A_1225 : i32
      %broadcast_in_dim3A_1227 = vector.broadcast %and3A_1226 : i32 to vector<16xi32>
      %dma_wait3A_1228 = arith.constant 0 : i32
      %dma_wait3A_1229 = arith.constant 0 : i32
      %dma_wait3A_1230 = tpu.memref_slice %arg4[%dma_wait3A_1228, %dma_wait3A_1229] : memref<32x1000000xf32, #tpu.memory_space<hbm>> -> memref<32x128xf32, #tpu.memory_space<hbm>>
      %dma_wait3A_1231 = arith.constant 0 : i32
      %dma_wait3A_1232 = arith.constant 0 : i32
      %dma_wait3A_1233 = tpu.memref_slice %arg4[%dma_wait3A_1231, %dma_wait3A_1232] : memref<32x1000000xf32, #tpu.memory_space<hbm>> -> memref<32x128xf32, #tpu.memory_space<hbm>>
      tpu.wait_dma2 semaphore(%arg30 : memref<!tpu.dma_semaphore, #tpu.memory_space<semaphore_mem>>) src(%dma_wait3A_1233 : memref<32x128xf32, #tpu.memory_space<hbm>>) dst(%arg14 : memref<32x128xf32, #tpu.memory_space<vmem>>)
      %dma_wait3A_1234 = arith.constant 0 : i32
      %dma_wait3A_1235 = arith.constant 0 : i32
      %dma_wait3A_1236 = tpu.memref_slice %arg5[%dma_wait3A_1234, %dma_wait3A_1235] : memref<32x1000000xf32, #tpu.memory_space<hbm>> -> memref<32x128xf32, #tpu.memory_space<hbm>>
      %dma_wait3A_1237 = arith.constant 0 : i32
      %dma_wait3A_1238 = arith.constant 0 : i32
      %dma_wait3A_1239 = tpu.memref_slice %arg5[%dma_wait3A_1237, %dma_wait3A_1238] : memref<32x1000000xf32, #tpu.memory_space<hbm>> -> memref<32x128xf32, #tpu.memory_space<hbm>>
      tpu.wait_dma2 semaphore(%arg38 : memref<!tpu.dma_semaphore, #tpu.memory_space<semaphore_mem>>) src(%dma_wait3A_1239 : memref<32x128xf32, #tpu.memory_space<hbm>>) dst(%arg22 : memref<32x128xf32, #tpu.memory_space<vmem>>)
      %mul3A_1240 = arith.constant 16 : i32
      %mul3A_1241 = arith.muli %scan3A_181, %mul3A_1240 : i32
      %add3A_1242 = arith.constant 12 : i32
      %add3A_1243 = arith.addi %mul3A_1241, %add3A_1242 : i32
      %broadcast_in_dim3A_1244 = vector.broadcast %add3A_1243 : i32 to vector<16xi32>
      %add3A_1245 = arith.constant 0 : i32
      %add3A_1246 = vector.broadcast %add3A_1245 : i32 to vector<16xi32>
      %add3A_1247 = arith.addi %iota3A, %add3A_1246 : vector<16xi32>
      %gather3A_1248 = tpu.vector_load_idx %arg14[%add3A_1247, %broadcast_in_dim3A_1222] : memref<32x128xf32, #tpu.memory_space<vmem>>[vector<16xi32>, vector<16xi32>], vector<16xf32>,
      %add3A_1249 = arith.constant 0 : i32
      %add3A_1250 = vector.broadcast %add3A_1249 : i32 to vector<16xi32>
      %add3A_1251 = arith.addi %iota3A, %add3A_1250 : vector<16xi32>
      %gather3A_1252 = tpu.vector_load_idx %arg22[%add3A_1251, %broadcast_in_dim3A_1227] : memref<32x128xf32, #tpu.memory_space<vmem>>[vector<16xi32>, vector<16xi32>], vector<16xf32>,
      %add3A_1253 = arith.constant 0 : i32
      %add3A_1254 = vector.broadcast %add3A_1253 : i32 to vector<16xi32>
      %add3A_1255 = arith.addi %iota3A, %add3A_1254 : vector<16xi32>
      %add3A_1256 = arith.constant 1.000000e+00 : f32
      %add3A_1257 = vector.broadcast %add3A_1256 : f32 to vector<16xf32>
      %add3A_1258 = arith.addf %gather3A_1248, %add3A_1257 : vector<16xf32>
      %add3A_1259 = arith.constant 1.000000e+00 : f32
      %add3A_1260 = vector.broadcast %add3A_1259 : f32 to vector<16xf32>
      %add3A_1261 = arith.addf %gather3A_1252, %add3A_1260 : vector<16xf32>
      %mul3A_1262 = arith.mulf %add3A_1258, %add3A_1261 : vector<16xf32>
      %mul3A_1263 = arith.constant 2.500000e-01 : f32
      %mul3A_1264 = vector.broadcast %mul3A_1263 : f32 to vector<16xf32>
      %mul3A_1265 = arith.mulf %mul3A_1262, %mul3A_1264 : vector<16xf32>
      tpu.vector_store_idx %arg9[%add3A_1255, %broadcast_in_dim3A_1244], %mul3A_1265 : memref<32x512xf32, #tpu.memory_space<vmem>>[vector<16xi32>, vector<16xi32>], vector<16xf32>,
      %add3A_1266 = arith.constant 16 : i32
      %add3A_1267 = vector.broadcast %add3A_1266 : i32 to vector<16xi32>
      %add3A_1268 = arith.addi %iota3A, %add3A_1267 : vector<16xi32>
      %gather3A_1269 = tpu.vector_load_idx %arg14[%add3A_1268, %broadcast_in_dim3A_1222] : memref<32x128xf32, #tpu.memory_space<vmem>>[vector<16xi32>, vector<16xi32>], vector<16xf32>,
      %add3A_1270 = arith.constant 16 : i32
      %add3A_1271 = vector.broadcast %add3A_1270 : i32 to vector<16xi32>
      %add3A_1272 = arith.addi %iota3A, %add3A_1271 : vector<16xi32>
      %gather3A_1273 = tpu.vector_load_idx %arg22[%add3A_1272, %broadcast_in_dim3A_1227] : memref<32x128xf32, #tpu.memory_space<vmem>>[vector<16xi32>, vector<16xi32>], vector<16xf32>,
      %add3A_1274 = arith.constant 16 : i32
      %add3A_1275 = vector.broadcast %add3A_1274 : i32 to vector<16xi32>
      %add3A_1276 = arith.addi %iota3A, %add3A_1275 : vector<16xi32>
      %add3A_1277 = arith.constant 1.000000e+00 : f32
      %add3A_1278 = vector.broadcast %add3A_1277 : f32 to vector<16xf32>
      %add3A_1279 = arith.addf %gather3A_1269, %add3A_1278 : vector<16xf32>
      %add3A_1280 = arith.constant 1.000000e+00 : f32
      %add3A_1281 = vector.broadcast %add3A_1280 : f32 to vector<16xf32>
      %add3A_1282 = arith.addf %gather3A_1273, %add3A_1281 : vector<16xf32>
      %mul3A_1283 = arith.mulf %add3A_1279, %add3A_1282 : vector<16xf32>
      %mul3A_1284 = arith.constant 2.500000e-01 : f32
      %mul3A_1285 = vector.broadcast %mul3A_1284 : f32 to vector<16xf32>
      %mul3A_1286 = arith.mulf %mul3A_1283, %mul3A_1285 : vector<16xf32>
      tpu.vector_store_idx %arg9[%add3A_1276, %broadcast_in_dim3A_1244], %mul3A_1286 : memref<32x512xf32, #tpu.memory_space<vmem>>[vector<16xi32>, vector<16xi32>], vector<16xf32>,
      %lt3A_1287 = arith.constant 31 : i32
      %lt3A_1288 = arith.cmpi slt, %scan3A_181, %lt3A_1287 : i32
      %convert_element_type3A_1289 = arith.extui %lt3A_1288 : i1 to i32
      %cond3A_1290 = arith.constant 0 : i32
      %cond3A_1291 = arith.cmpi ne, %convert_element_type3A_1289, %cond3A_1290 : i32
      scf.if %cond3A_1291 {
        %slice3A_1514 = vector.extract_strided_slice %get3A_196 {offsets = [4], sizes = [1], strides = [1]} : vector<16xi32> to vector<1xi32>
        %squeeze3A_1515 = vector.extract %slice3A_1514[0] : i32 from vector<1xi32>
        %shift_right_arithmetic3A_1516 = arith.constant 7 : i32
        %shift_right_arithmetic3A_1517 = arith.shrsi %squeeze3A_1515, %shift_right_arithmetic3A_1516 : i32
        %shift_left3A_1518 = arith.constant 7 : i32
        %shift_left3A_1519 = arith.shli %shift_right_arithmetic3A_1517, %shift_left3A_1518 : i32
        %multiple_of3A_1520 = tpu.assume_multiple %shift_left3A_1519, 128 : i32
        %slice3A_1521 = vector.extract_strided_slice %get3A_200 {offsets = [4], sizes = [1], strides = [1]} : vector<16xi32> to vector<1xi32>
        %squeeze3A_1522 = vector.extract %slice3A_1521[0] : i32 from vector<1xi32>
        %shift_right_arithmetic3A_1523 = arith.constant 7 : i32
        %shift_right_arithmetic3A_1524 = arith.shrsi %squeeze3A_1522, %shift_right_arithmetic3A_1523 : i32
        %shift_left3A_1525 = arith.constant 7 : i32
        %shift_left3A_1526 = arith.shli %shift_right_arithmetic3A_1524, %shift_left3A_1525 : i32
        %multiple_of3A_1527 = tpu.assume_multiple %shift_left3A_1526, 128 : i32
        %dma_start3A_1528 = arith.constant 0 : i32
        %dma_start3A_1529 = tpu.memref_slice %arg4[%dma_start3A_1528, %multiple_of3A_1520] : memref<32x1000000xf32, #tpu.memory_space<hbm>> -> memref<32x128xf32, #tpu.memory_space<hbm>>
        %dma_start3A_1530 = arith.constant 0 : i32
        %dma_start3A_1531 = tpu.memref_slice %arg4[%dma_start3A_1530, %multiple_of3A_1520] : memref<32x1000000xf32, #tpu.memory_space<hbm>> -> memref<32x128xf32, #tpu.memory_space<hbm>>
        tpu.enqueue_dma source(%dma_start3A_1531 : memref<32x128xf32, #tpu.memory_space<hbm>>) target(%arg14 : memref<32x128xf32, #tpu.memory_space<vmem>>) target_semaphore(%arg30 : memref<!tpu.dma_semaphore, #tpu.memory_space<semaphore_mem>>)
        %dma_start3A_1532 = arith.constant 0 : i32
        %dma_start3A_1533 = tpu.memref_slice %arg5[%dma_start3A_1532, %multiple_of3A_1527] : memref<32x1000000xf32, #tpu.memory_space<hbm>> -> memref<32x128xf32, #tpu.memory_space<hbm>>
        %dma_start3A_1534 = arith.constant 0 : i32
        %dma_start3A_1535 = tpu.memref_slice %arg5[%dma_start3A_1534, %multiple_of3A_1527] : memref<32x1000000xf32, #tpu.memory_space<hbm>> -> memref<32x128xf32, #tpu.memory_space<hbm>>
        tpu.enqueue_dma source(%dma_start3A_1535 : memref<32x128xf32, #tpu.memory_space<hbm>>) target(%arg22 : memref<32x128xf32, #tpu.memory_space<vmem>>) target_semaphore(%arg38 : memref<!tpu.dma_semaphore, #tpu.memory_space<semaphore_mem>>)
      } else {
      }
      %slice3A_1292 = vector.extract_strided_slice %get3A_185 {offsets = [13], sizes = [1], strides = [1]} : vector<16xi32> to vector<1xi32>
      %squeeze3A_1293 = vector.extract %slice3A_1292[0] : i32 from vector<1xi32>
      %and3A_1294 = arith.constant 127 : i32
      %and3A_1295 = arith.andi %squeeze3A_1293, %and3A_1294 : i32
      %broadcast_in_dim3A_1296 = vector.broadcast %and3A_1295 : i32 to vector<16xi32>
      %slice3A_1297 = vector.extract_strided_slice %get3A_189 {offsets = [13], sizes = [1], strides = [1]} : vector<16xi32> to vector<1xi32>
      %squeeze3A_1298 = vector.extract %slice3A_1297[0] : i32 from vector<1xi32>
      %and3A_1299 = arith.constant 127 : i32
      %and3A_1300 = arith.andi %squeeze3A_1298, %and3A_1299 : i32
      %broadcast_in_dim3A_1301 = vector.broadcast %and3A_1300 : i32 to vector<16xi32>
      %dma_wait3A_1302 = arith.constant 0 : i32
      %dma_wait3A_1303 = arith.constant 0 : i32
      %dma_wait3A_1304 = tpu.memref_slice %arg4[%dma_wait3A_1302, %dma_wait3A_1303] : memref<32x1000000xf32, #tpu.memory_space<hbm>> -> memref<32x128xf32, #tpu.memory_space<hbm>>
      %dma_wait3A_1305 = arith.constant 0 : i32
      %dma_wait3A_1306 = arith.constant 0 : i32
      %dma_wait3A_1307 = tpu.memref_slice %arg4[%dma_wait3A_1305, %dma_wait3A_1306] : memref<32x1000000xf32, #tpu.memory_space<hbm>> -> memref<32x128xf32, #tpu.memory_space<hbm>>
      tpu.wait_dma2 semaphore(%arg31 : memref<!tpu.dma_semaphore, #tpu.memory_space<semaphore_mem>>) src(%dma_wait3A_1307 : memref<32x128xf32, #tpu.memory_space<hbm>>) dst(%arg15 : memref<32x128xf32, #tpu.memory_space<vmem>>)
      %dma_wait3A_1308 = arith.constant 0 : i32
      %dma_wait3A_1309 = arith.constant 0 : i32
      %dma_wait3A_1310 = tpu.memref_slice %arg5[%dma_wait3A_1308, %dma_wait3A_1309] : memref<32x1000000xf32, #tpu.memory_space<hbm>> -> memref<32x128xf32, #tpu.memory_space<hbm>>
      %dma_wait3A_1311 = arith.constant 0 : i32
      %dma_wait3A_1312 = arith.constant 0 : i32
      %dma_wait3A_1313 = tpu.memref_slice %arg5[%dma_wait3A_1311, %dma_wait3A_1312] : memref<32x1000000xf32, #tpu.memory_space<hbm>> -> memref<32x128xf32, #tpu.memory_space<hbm>>
      tpu.wait_dma2 semaphore(%arg39 : memref<!tpu.dma_semaphore, #tpu.memory_space<semaphore_mem>>) src(%dma_wait3A_1313 : memref<32x128xf32, #tpu.memory_space<hbm>>) dst(%arg23 : memref<32x128xf32, #tpu.memory_space<vmem>>)
      %mul3A_1314 = arith.constant 16 : i32
      %mul3A_1315 = arith.muli %scan3A_181, %mul3A_1314 : i32
      %add3A_1316 = arith.constant 13 : i32
      %add3A_1317 = arith.addi %mul3A_1315, %add3A_1316 : i32
      %broadcast_in_dim3A_1318 = vector.broadcast %add3A_1317 : i32 to vector<16xi32>
      %add3A_1319 = arith.constant 0 : i32
      %add3A_1320 = vector.broadcast %add3A_1319 : i32 to vector<16xi32>
      %add3A_1321 = arith.addi %iota3A, %add3A_1320 : vector<16xi32>
      %gather3A_1322 = tpu.vector_load_idx %arg15[%add3A_1321, %broadcast_in_dim3A_1296] : memref<32x128xf32, #tpu.memory_space<vmem>>[vector<16xi32>, vector<16xi32>], vector<16xf32>,
      %add3A_1323 = arith.constant 0 : i32
      %add3A_1324 = vector.broadcast %add3A_1323 : i32 to vector<16xi32>
      %add3A_1325 = arith.addi %iota3A, %add3A_1324 : vector<16xi32>
      %gather3A_1326 = tpu.vector_load_idx %arg23[%add3A_1325, %broadcast_in_dim3A_1301] : memref<32x128xf32, #tpu.memory_space<vmem>>[vector<16xi32>, vector<16xi32>], vector<16xf32>,
      %add3A_1327 = arith.constant 0 : i32
      %add3A_1328 = vector.broadcast %add3A_1327 : i32 to vector<16xi32>
      %add3A_1329 = arith.addi %iota3A, %add3A_1328 : vector<16xi32>
      %add3A_1330 = arith.constant 1.000000e+00 : f32
      %add3A_1331 = vector.broadcast %add3A_1330 : f32 to vector<16xf32>
      %add3A_1332 = arith.addf %gather3A_1322, %add3A_1331 : vector<16xf32>
      %add3A_1333 = arith.constant 1.000000e+00 : f32
      %add3A_1334 = vector.broadcast %add3A_1333 : f32 to vector<16xf32>
      %add3A_1335 = arith.addf %gather3A_1326, %add3A_1334 : vector<16xf32>
      %mul3A_1336 = arith.mulf %add3A_1332, %add3A_1335 : vector<16xf32>
      %mul3A_1337 = arith.constant 2.500000e-01 : f32
      %mul3A_1338 = vector.broadcast %mul3A_1337 : f32 to vector<16xf32>
      %mul3A_1339 = arith.mulf %mul3A_1336, %mul3A_1338 : vector<16xf32>
      tpu.vector_store_idx %arg9[%add3A_1329, %broadcast_in_dim3A_1318], %mul3A_1339 : memref<32x512xf32, #tpu.memory_space<vmem>>[vector<16xi32>, vector<16xi32>], vector<16xf32>,
      %add3A_1340 = arith.constant 16 : i32
      %add3A_1341 = vector.broadcast %add3A_1340 : i32 to vector<16xi32>
      %add3A_1342 = arith.addi %iota3A, %add3A_1341 : vector<16xi32>
      %gather3A_1343 = tpu.vector_load_idx %arg15[%add3A_1342, %broadcast_in_dim3A_1296] : memref<32x128xf32, #tpu.memory_space<vmem>>[vector<16xi32>, vector<16xi32>], vector<16xf32>,
      %add3A_1344 = arith.constant 16 : i32
      %add3A_1345 = vector.broadcast %add3A_1344 : i32 to vector<16xi32>
      %add3A_1346 = arith.addi %iota3A, %add3A_1345 : vector<16xi32>
      %gather3A_1347 = tpu.vector_load_idx %arg23[%add3A_1346, %broadcast_in_dim3A_1301] : memref<32x128xf32, #tpu.memory_space<vmem>>[vector<16xi32>, vector<16xi32>], vector<16xf32>,
      %add3A_1348 = arith.constant 16 : i32
      %add3A_1349 = vector.broadcast %add3A_1348 : i32 to vector<16xi32>
      %add3A_1350 = arith.addi %iota3A, %add3A_1349 : vector<16xi32>
      %add3A_1351 = arith.constant 1.000000e+00 : f32
      %add3A_1352 = vector.broadcast %add3A_1351 : f32 to vector<16xf32>
      %add3A_1353 = arith.addf %gather3A_1343, %add3A_1352 : vector<16xf32>
      %add3A_1354 = arith.constant 1.000000e+00 : f32
      %add3A_1355 = vector.broadcast %add3A_1354 : f32 to vector<16xf32>
      %add3A_1356 = arith.addf %gather3A_1347, %add3A_1355 : vector<16xf32>
      %mul3A_1357 = arith.mulf %add3A_1353, %add3A_1356 : vector<16xf32>
      %mul3A_1358 = arith.constant 2.500000e-01 : f32
      %mul3A_1359 = vector.broadcast %mul3A_1358 : f32 to vector<16xf32>
      %mul3A_1360 = arith.mulf %mul3A_1357, %mul3A_1359 : vector<16xf32>
      tpu.vector_store_idx %arg9[%add3A_1350, %broadcast_in_dim3A_1318], %mul3A_1360 : memref<32x512xf32, #tpu.memory_space<vmem>>[vector<16xi32>, vector<16xi32>], vector<16xf32>,
      %lt3A_1361 = arith.constant 31 : i32
      %lt3A_1362 = arith.cmpi slt, %scan3A_181, %lt3A_1361 : i32
      %convert_element_type3A_1363 = arith.extui %lt3A_1362 : i1 to i32
      %cond3A_1364 = arith.constant 0 : i32
      %cond3A_1365 = arith.cmpi ne, %convert_element_type3A_1363, %cond3A_1364 : i32
      scf.if %cond3A_1365 {
        %slice3A_1514 = vector.extract_strided_slice %get3A_196 {offsets = [5], sizes = [1], strides = [1]} : vector<16xi32> to vector<1xi32>
        %squeeze3A_1515 = vector.extract %slice3A_1514[0] : i32 from vector<1xi32>
        %shift_right_arithmetic3A_1516 = arith.constant 7 : i32
        %shift_right_arithmetic3A_1517 = arith.shrsi %squeeze3A_1515, %shift_right_arithmetic3A_1516 : i32
        %shift_left3A_1518 = arith.constant 7 : i32
        %shift_left3A_1519 = arith.shli %shift_right_arithmetic3A_1517, %shift_left3A_1518 : i32
        %multiple_of3A_1520 = tpu.assume_multiple %shift_left3A_1519, 128 : i32
        %slice3A_1521 = vector.extract_strided_slice %get3A_200 {offsets = [5], sizes = [1], strides = [1]} : vector<16xi32> to vector<1xi32>
        %squeeze3A_1522 = vector.extract %slice3A_1521[0] : i32 from vector<1xi32>
        %shift_right_arithmetic3A_1523 = arith.constant 7 : i32
        %shift_right_arithmetic3A_1524 = arith.shrsi %squeeze3A_1522, %shift_right_arithmetic3A_1523 : i32
        %shift_left3A_1525 = arith.constant 7 : i32
        %shift_left3A_1526 = arith.shli %shift_right_arithmetic3A_1524, %shift_left3A_1525 : i32
        %multiple_of3A_1527 = tpu.assume_multiple %shift_left3A_1526, 128 : i32
        %dma_start3A_1528 = arith.constant 0 : i32
        %dma_start3A_1529 = tpu.memref_slice %arg4[%dma_start3A_1528, %multiple_of3A_1520] : memref<32x1000000xf32, #tpu.memory_space<hbm>> -> memref<32x128xf32, #tpu.memory_space<hbm>>
        %dma_start3A_1530 = arith.constant 0 : i32
        %dma_start3A_1531 = tpu.memref_slice %arg4[%dma_start3A_1530, %multiple_of3A_1520] : memref<32x1000000xf32, #tpu.memory_space<hbm>> -> memref<32x128xf32, #tpu.memory_space<hbm>>
        tpu.enqueue_dma source(%dma_start3A_1531 : memref<32x128xf32, #tpu.memory_space<hbm>>) target(%arg15 : memref<32x128xf32, #tpu.memory_space<vmem>>) target_semaphore(%arg31 : memref<!tpu.dma_semaphore, #tpu.memory_space<semaphore_mem>>)
        %dma_start3A_1532 = arith.constant 0 : i32
        %dma_start3A_1533 = tpu.memref_slice %arg5[%dma_start3A_1532, %multiple_of3A_1527] : memref<32x1000000xf32, #tpu.memory_space<hbm>> -> memref<32x128xf32, #tpu.memory_space<hbm>>
        %dma_start3A_1534 = arith.constant 0 : i32
        %dma_start3A_1535 = tpu.memref_slice %arg5[%dma_start3A_1534, %multiple_of3A_1527] : memref<32x1000000xf32, #tpu.memory_space<hbm>> -> memref<32x128xf32, #tpu.memory_space<hbm>>
        tpu.enqueue_dma source(%dma_start3A_1535 : memref<32x128xf32, #tpu.memory_space<hbm>>) target(%arg23 : memref<32x128xf32, #tpu.memory_space<vmem>>) target_semaphore(%arg39 : memref<!tpu.dma_semaphore, #tpu.memory_space<semaphore_mem>>)
      } else {
      }
      %slice3A_1366 = vector.extract_strided_slice %get3A_185 {offsets = [14], sizes = [1], strides = [1]} : vector<16xi32> to vector<1xi32>
      %squeeze3A_1367 = vector.extract %slice3A_1366[0] : i32 from vector<1xi32>
      %and3A_1368 = arith.constant 127 : i32
      %and3A_1369 = arith.andi %squeeze3A_1367, %and3A_1368 : i32
      %broadcast_in_dim3A_1370 = vector.broadcast %and3A_1369 : i32 to vector<16xi32>
      %slice3A_1371 = vector.extract_strided_slice %get3A_189 {offsets = [14], sizes = [1], strides = [1]} : vector<16xi32> to vector<1xi32>
      %squeeze3A_1372 = vector.extract %slice3A_1371[0] : i32 from vector<1xi32>
      %and3A_1373 = arith.constant 127 : i32
      %and3A_1374 = arith.andi %squeeze3A_1372, %and3A_1373 : i32
      %broadcast_in_dim3A_1375 = vector.broadcast %and3A_1374 : i32 to vector<16xi32>
      %dma_wait3A_1376 = arith.constant 0 : i32
      %dma_wait3A_1377 = arith.constant 0 : i32
      %dma_wait3A_1378 = tpu.memref_slice %arg4[%dma_wait3A_1376, %dma_wait3A_1377] : memref<32x1000000xf32, #tpu.memory_space<hbm>> -> memref<32x128xf32, #tpu.memory_space<hbm>>
      %dma_wait3A_1379 = arith.constant 0 : i32
      %dma_wait3A_1380 = arith.constant 0 : i32
      %dma_wait3A_1381 = tpu.memref_slice %arg4[%dma_wait3A_1379, %dma_wait3A_1380] : memref<32x1000000xf32, #tpu.memory_space<hbm>> -> memref<32x128xf32, #tpu.memory_space<hbm>>
      tpu.wait_dma2 semaphore(%arg32 : memref<!tpu.dma_semaphore, #tpu.memory_space<semaphore_mem>>) src(%dma_wait3A_1381 : memref<32x128xf32, #tpu.memory_space<hbm>>) dst(%arg16 : memref<32x128xf32, #tpu.memory_space<vmem>>)
      %dma_wait3A_1382 = arith.constant 0 : i32
      %dma_wait3A_1383 = arith.constant 0 : i32
      %dma_wait3A_1384 = tpu.memref_slice %arg5[%dma_wait3A_1382, %dma_wait3A_1383] : memref<32x1000000xf32, #tpu.memory_space<hbm>> -> memref<32x128xf32, #tpu.memory_space<hbm>>
      %dma_wait3A_1385 = arith.constant 0 : i32
      %dma_wait3A_1386 = arith.constant 0 : i32
      %dma_wait3A_1387 = tpu.memref_slice %arg5[%dma_wait3A_1385, %dma_wait3A_1386] : memref<32x1000000xf32, #tpu.memory_space<hbm>> -> memref<32x128xf32, #tpu.memory_space<hbm>>
      tpu.wait_dma2 semaphore(%arg40 : memref<!tpu.dma_semaphore, #tpu.memory_space<semaphore_mem>>) src(%dma_wait3A_1387 : memref<32x128xf32, #tpu.memory_space<hbm>>) dst(%arg24 : memref<32x128xf32, #tpu.memory_space<vmem>>)
      %mul3A_1388 = arith.constant 16 : i32
      %mul3A_1389 = arith.muli %scan3A_181, %mul3A_1388 : i32
      %add3A_1390 = arith.constant 14 : i32
      %add3A_1391 = arith.addi %mul3A_1389, %add3A_1390 : i32
      %broadcast_in_dim3A_1392 = vector.broadcast %add3A_1391 : i32 to vector<16xi32>
      %add3A_1393 = arith.constant 0 : i32
      %add3A_1394 = vector.broadcast %add3A_1393 : i32 to vector<16xi32>
      %add3A_1395 = arith.addi %iota3A, %add3A_1394 : vector<16xi32>
      %gather3A_1396 = tpu.vector_load_idx %arg16[%add3A_1395, %broadcast_in_dim3A_1370] : memref<32x128xf32, #tpu.memory_space<vmem>>[vector<16xi32>, vector<16xi32>], vector<16xf32>,
      %add3A_1397 = arith.constant 0 : i32
      %add3A_1398 = vector.broadcast %add3A_1397 : i32 to vector<16xi32>
      %add3A_1399 = arith.addi %iota3A, %add3A_1398 : vector<16xi32>
      %gather3A_1400 = tpu.vector_load_idx %arg24[%add3A_1399, %broadcast_in_dim3A_1375] : memref<32x128xf32, #tpu.memory_space<vmem>>[vector<16xi32>, vector<16xi32>], vector<16xf32>,
      %add3A_1401 = arith.constant 0 : i32
      %add3A_1402 = vector.broadcast %add3A_1401 : i32 to vector<16xi32>
      %add3A_1403 = arith.addi %iota3A, %add3A_1402 : vector<16xi32>
      %add3A_1404 = arith.constant 1.000000e+00 : f32
      %add3A_1405 = vector.broadcast %add3A_1404 : f32 to vector<16xf32>
      %add3A_1406 = arith.addf %gather3A_1396, %add3A_1405 : vector<16xf32>
      %add3A_1407 = arith.constant 1.000000e+00 : f32
      %add3A_1408 = vector.broadcast %add3A_1407 : f32 to vector<16xf32>
      %add3A_1409 = arith.addf %gather3A_1400, %add3A_1408 : vector<16xf32>
      %mul3A_1410 = arith.mulf %add3A_1406, %add3A_1409 : vector<16xf32>
      %mul3A_1411 = arith.constant 2.500000e-01 : f32
      %mul3A_1412 = vector.broadcast %mul3A_1411 : f32 to vector<16xf32>
      %mul3A_1413 = arith.mulf %mul3A_1410, %mul3A_1412 : vector<16xf32>
      tpu.vector_store_idx %arg9[%add3A_1403, %broadcast_in_dim3A_1392], %mul3A_1413 : memref<32x512xf32, #tpu.memory_space<vmem>>[vector<16xi32>, vector<16xi32>], vector<16xf32>,
      %add3A_1414 = arith.constant 16 : i32
      %add3A_1415 = vector.broadcast %add3A_1414 : i32 to vector<16xi32>
      %add3A_1416 = arith.addi %iota3A, %add3A_1415 : vector<16xi32>
      %gather3A_1417 = tpu.vector_load_idx %arg16[%add3A_1416, %broadcast_in_dim3A_1370] : memref<32x128xf32, #tpu.memory_space<vmem>>[vector<16xi32>, vector<16xi32>], vector<16xf32>,
      %add3A_1418 = arith.constant 16 : i32
      %add3A_1419 = vector.broadcast %add3A_1418 : i32 to vector<16xi32>
      %add3A_1420 = arith.addi %iota3A, %add3A_1419 : vector<16xi32>
      %gather3A_1421 = tpu.vector_load_idx %arg24[%add3A_1420, %broadcast_in_dim3A_1375] : memref<32x128xf32, #tpu.memory_space<vmem>>[vector<16xi32>, vector<16xi32>], vector<16xf32>,
      %add3A_1422 = arith.constant 16 : i32
      %add3A_1423 = vector.broadcast %add3A_1422 : i32 to vector<16xi32>
      %add3A_1424 = arith.addi %iota3A, %add3A_1423 : vector<16xi32>
      %add3A_1425 = arith.constant 1.000000e+00 : f32
      %add3A_1426 = vector.broadcast %add3A_1425 : f32 to vector<16xf32>
      %add3A_1427 = arith.addf %gather3A_1417, %add3A_1426 : vector<16xf32>
      %add3A_1428 = arith.constant 1.000000e+00 : f32
      %add3A_1429 = vector.broadcast %add3A_1428 : f32 to vector<16xf32>
      %add3A_1430 = arith.addf %gather3A_1421, %add3A_1429 : vector<16xf32>
      %mul3A_1431 = arith.mulf %add3A_1427, %add3A_1430 : vector<16xf32>
      %mul3A_1432 = arith.constant 2.500000e-01 : f32
      %mul3A_1433 = vector.broadcast %mul3A_1432 : f32 to vector<16xf32>
      %mul3A_1434 = arith.mulf %mul3A_1431, %mul3A_1433 : vector<16xf32>
      tpu.vector_store_idx %arg9[%add3A_1424, %broadcast_in_dim3A_1392], %mul3A_1434 : memref<32x512xf32, #tpu.memory_space<vmem>>[vector<16xi32>, vector<16xi32>], vector<16xf32>,
      %lt3A_1435 = arith.constant 31 : i32
      %lt3A_1436 = arith.cmpi slt, %scan3A_181, %lt3A_1435 : i32
      %convert_element_type3A_1437 = arith.extui %lt3A_1436 : i1 to i32
      %cond3A_1438 = arith.constant 0 : i32
      %cond3A_1439 = arith.cmpi ne, %convert_element_type3A_1437, %cond3A_1438 : i32
      scf.if %cond3A_1439 {
        %slice3A_1514 = vector.extract_strided_slice %get3A_196 {offsets = [6], sizes = [1], strides = [1]} : vector<16xi32> to vector<1xi32>
        %squeeze3A_1515 = vector.extract %slice3A_1514[0] : i32 from vector<1xi32>
        %shift_right_arithmetic3A_1516 = arith.constant 7 : i32
        %shift_right_arithmetic3A_1517 = arith.shrsi %squeeze3A_1515, %shift_right_arithmetic3A_1516 : i32
        %shift_left3A_1518 = arith.constant 7 : i32
        %shift_left3A_1519 = arith.shli %shift_right_arithmetic3A_1517, %shift_left3A_1518 : i32
        %multiple_of3A_1520 = tpu.assume_multiple %shift_left3A_1519, 128 : i32
        %slice3A_1521 = vector.extract_strided_slice %get3A_200 {offsets = [6], sizes = [1], strides = [1]} : vector<16xi32> to vector<1xi32>
        %squeeze3A_1522 = vector.extract %slice3A_1521[0] : i32 from vector<1xi32>
        %shift_right_arithmetic3A_1523 = arith.constant 7 : i32
        %shift_right_arithmetic3A_1524 = arith.shrsi %squeeze3A_1522, %shift_right_arithmetic3A_1523 : i32
        %shift_left3A_1525 = arith.constant 7 : i32
        %shift_left3A_1526 = arith.shli %shift_right_arithmetic3A_1524, %shift_left3A_1525 : i32
        %multiple_of3A_1527 = tpu.assume_multiple %shift_left3A_1526, 128 : i32
        %dma_start3A_1528 = arith.constant 0 : i32
        %dma_start3A_1529 = tpu.memref_slice %arg4[%dma_start3A_1528, %multiple_of3A_1520] : memref<32x1000000xf32, #tpu.memory_space<hbm>> -> memref<32x128xf32, #tpu.memory_space<hbm>>
        %dma_start3A_1530 = arith.constant 0 : i32
        %dma_start3A_1531 = tpu.memref_slice %arg4[%dma_start3A_1530, %multiple_of3A_1520] : memref<32x1000000xf32, #tpu.memory_space<hbm>> -> memref<32x128xf32, #tpu.memory_space<hbm>>
        tpu.enqueue_dma source(%dma_start3A_1531 : memref<32x128xf32, #tpu.memory_space<hbm>>) target(%arg16 : memref<32x128xf32, #tpu.memory_space<vmem>>) target_semaphore(%arg32 : memref<!tpu.dma_semaphore, #tpu.memory_space<semaphore_mem>>)
        %dma_start3A_1532 = arith.constant 0 : i32
        %dma_start3A_1533 = tpu.memref_slice %arg5[%dma_start3A_1532, %multiple_of3A_1527] : memref<32x1000000xf32, #tpu.memory_space<hbm>> -> memref<32x128xf32, #tpu.memory_space<hbm>>
        %dma_start3A_1534 = arith.constant 0 : i32
        %dma_start3A_1535 = tpu.memref_slice %arg5[%dma_start3A_1534, %multiple_of3A_1527] : memref<32x1000000xf32, #tpu.memory_space<hbm>> -> memref<32x128xf32, #tpu.memory_space<hbm>>
        tpu.enqueue_dma source(%dma_start3A_1535 : memref<32x128xf32, #tpu.memory_space<hbm>>) target(%arg24 : memref<32x128xf32, #tpu.memory_space<vmem>>) target_semaphore(%arg40 : memref<!tpu.dma_semaphore, #tpu.memory_space<semaphore_mem>>)
      } else {
      }
      %slice3A_1440 = vector.extract_strided_slice %get3A_185 {offsets = [15], sizes = [1], strides = [1]} : vector<16xi32> to vector<1xi32>
      %squeeze3A_1441 = vector.extract %slice3A_1440[0] : i32 from vector<1xi32>
      %and3A_1442 = arith.constant 127 : i32
      %and3A_1443 = arith.andi %squeeze3A_1441, %and3A_1442 : i32
      %broadcast_in_dim3A_1444 = vector.broadcast %and3A_1443 : i32 to vector<16xi32>
      %slice3A_1445 = vector.extract_strided_slice %get3A_189 {offsets = [15], sizes = [1], strides = [1]} : vector<16xi32> to vector<1xi32>
      %squeeze3A_1446 = vector.extract %slice3A_1445[0] : i32 from vector<1xi32>
      %and3A_1447 = arith.constant 127 : i32
      %and3A_1448 = arith.andi %squeeze3A_1446, %and3A_1447 : i32
      %broadcast_in_dim3A_1449 = vector.broadcast %and3A_1448 : i32 to vector<16xi32>
      %dma_wait3A_1450 = arith.constant 0 : i32
      %dma_wait3A_1451 = arith.constant 0 : i32
      %dma_wait3A_1452 = tpu.memref_slice %arg4[%dma_wait3A_1450, %dma_wait3A_1451] : memref<32x1000000xf32, #tpu.memory_space<hbm>> -> memref<32x128xf32, #tpu.memory_space<hbm>>
      %dma_wait3A_1453 = arith.constant 0 : i32
      %dma_wait3A_1454 = arith.constant 0 : i32
      %dma_wait3A_1455 = tpu.memref_slice %arg4[%dma_wait3A_1453, %dma_wait3A_1454] : memref<32x1000000xf32, #tpu.memory_space<hbm>> -> memref<32x128xf32, #tpu.memory_space<hbm>>
      tpu.wait_dma2 semaphore(%arg33 : memref<!tpu.dma_semaphore, #tpu.memory_space<semaphore_mem>>) src(%dma_wait3A_1455 : memref<32x128xf32, #tpu.memory_space<hbm>>) dst(%arg17 : memref<32x128xf32, #tpu.memory_space<vmem>>)
      %dma_wait3A_1456 = arith.constant 0 : i32
      %dma_wait3A_1457 = arith.constant 0 : i32
      %dma_wait3A_1458 = tpu.memref_slice %arg5[%dma_wait3A_1456, %dma_wait3A_1457] : memref<32x1000000xf32, #tpu.memory_space<hbm>> -> memref<32x128xf32, #tpu.memory_space<hbm>>
      %dma_wait3A_1459 = arith.constant 0 : i32
      %dma_wait3A_1460 = arith.constant 0 : i32
      %dma_wait3A_1461 = tpu.memref_slice %arg5[%dma_wait3A_1459, %dma_wait3A_1460] : memref<32x1000000xf32, #tpu.memory_space<hbm>> -> memref<32x128xf32, #tpu.memory_space<hbm>>
      tpu.wait_dma2 semaphore(%arg41 : memref<!tpu.dma_semaphore, #tpu.memory_space<semaphore_mem>>) src(%dma_wait3A_1461 : memref<32x128xf32, #tpu.memory_space<hbm>>) dst(%arg25 : memref<32x128xf32, #tpu.memory_space<vmem>>)
      %mul3A_1462 = arith.constant 16 : i32
      %mul3A_1463 = arith.muli %scan3A_181, %mul3A_1462 : i32
      %add3A_1464 = arith.constant 15 : i32
      %add3A_1465 = arith.addi %mul3A_1463, %add3A_1464 : i32
      %broadcast_in_dim3A_1466 = vector.broadcast %add3A_1465 : i32 to vector<16xi32>
      %add3A_1467 = arith.constant 0 : i32
      %add3A_1468 = vector.broadcast %add3A_1467 : i32 to vector<16xi32>
      %add3A_1469 = arith.addi %iota3A, %add3A_1468 : vector<16xi32>
      %gather3A_1470 = tpu.vector_load_idx %arg17[%add3A_1469, %broadcast_in_dim3A_1444] : memref<32x128xf32, #tpu.memory_space<vmem>>[vector<16xi32>, vector<16xi32>], vector<16xf32>,
      %add3A_1471 = arith.constant 0 : i32
      %add3A_1472 = vector.broadcast %add3A_1471 : i32 to vector<16xi32>
      %add3A_1473 = arith.addi %iota3A, %add3A_1472 : vector<16xi32>
      %gather3A_1474 = tpu.vector_load_idx %arg25[%add3A_1473, %broadcast_in_dim3A_1449] : memref<32x128xf32, #tpu.memory_space<vmem>>[vector<16xi32>, vector<16xi32>], vector<16xf32>,
      %add3A_1475 = arith.constant 0 : i32
      %add3A_1476 = vector.broadcast %add3A_1475 : i32 to vector<16xi32>
      %add3A_1477 = arith.addi %iota3A, %add3A_1476 : vector<16xi32>
      %add3A_1478 = arith.constant 1.000000e+00 : f32
      %add3A_1479 = vector.broadcast %add3A_1478 : f32 to vector<16xf32>
      %add3A_1480 = arith.addf %gather3A_1470, %add3A_1479 : vector<16xf32>
      %add3A_1481 = arith.constant 1.000000e+00 : f32
      %add3A_1482 = vector.broadcast %add3A_1481 : f32 to vector<16xf32>
      %add3A_1483 = arith.addf %gather3A_1474, %add3A_1482 : vector<16xf32>
      %mul3A_1484 = arith.mulf %add3A_1480, %add3A_1483 : vector<16xf32>
      %mul3A_1485 = arith.constant 2.500000e-01 : f32
      %mul3A_1486 = vector.broadcast %mul3A_1485 : f32 to vector<16xf32>
      %mul3A_1487 = arith.mulf %mul3A_1484, %mul3A_1486 : vector<16xf32>
      tpu.vector_store_idx %arg9[%add3A_1477, %broadcast_in_dim3A_1466], %mul3A_1487 : memref<32x512xf32, #tpu.memory_space<vmem>>[vector<16xi32>, vector<16xi32>], vector<16xf32>,
      %add3A_1488 = arith.constant 16 : i32
      %add3A_1489 = vector.broadcast %add3A_1488 : i32 to vector<16xi32>
      %add3A_1490 = arith.addi %iota3A, %add3A_1489 : vector<16xi32>
      %gather3A_1491 = tpu.vector_load_idx %arg17[%add3A_1490, %broadcast_in_dim3A_1444] : memref<32x128xf32, #tpu.memory_space<vmem>>[vector<16xi32>, vector<16xi32>], vector<16xf32>,
      %add3A_1492 = arith.constant 16 : i32
      %add3A_1493 = vector.broadcast %add3A_1492 : i32 to vector<16xi32>
      %add3A_1494 = arith.addi %iota3A, %add3A_1493 : vector<16xi32>
      %gather3A_1495 = tpu.vector_load_idx %arg25[%add3A_1494, %broadcast_in_dim3A_1449] : memref<32x128xf32, #tpu.memory_space<vmem>>[vector<16xi32>, vector<16xi32>], vector<16xf32>,
      %add3A_1496 = arith.constant 16 : i32
      %add3A_1497 = vector.broadcast %add3A_1496 : i32 to vector<16xi32>
      %add3A_1498 = arith.addi %iota3A, %add3A_1497 : vector<16xi32>
      %add3A_1499 = arith.constant 1.000000e+00 : f32
      %add3A_1500 = vector.broadcast %add3A_1499 : f32 to vector<16xf32>
      %add3A_1501 = arith.addf %gather3A_1491, %add3A_1500 : vector<16xf32>
      %add3A_1502 = arith.constant 1.000000e+00 : f32
      %add3A_1503 = vector.broadcast %add3A_1502 : f32 to vector<16xf32>
      %add3A_1504 = arith.addf %gather3A_1495, %add3A_1503 : vector<16xf32>
      %mul3A_1505 = arith.mulf %add3A_1501, %add3A_1504 : vector<16xf32>
      %mul3A_1506 = arith.constant 2.500000e-01 : f32
      %mul3A_1507 = vector.broadcast %mul3A_1506 : f32 to vector<16xf32>
      %mul3A_1508 = arith.mulf %mul3A_1505, %mul3A_1507 : vector<16xf32>
      tpu.vector_store_idx %arg9[%add3A_1498, %broadcast_in_dim3A_1466], %mul3A_1508 : memref<32x512xf32, #tpu.memory_space<vmem>>[vector<16xi32>, vector<16xi32>], vector<16xf32>,
      %lt3A_1509 = arith.constant 31 : i32
      %lt3A_1510 = arith.cmpi slt, %scan3A_181, %lt3A_1509 : i32
      %convert_element_type3A_1511 = arith.extui %lt3A_1510 : i1 to i32
      %cond3A_1512 = arith.constant 0 : i32
      %cond3A_1513 = arith.cmpi ne, %convert_element_type3A_1511, %cond3A_1512 : i32
      scf.if %cond3A_1513 {
        %slice3A_1514 = vector.extract_strided_slice %get3A_196 {offsets = [7], sizes = [1], strides = [1]} : vector<16xi32> to vector<1xi32>
        %squeeze3A_1515 = vector.extract %slice3A_1514[0] : i32 from vector<1xi32>
        %shift_right_arithmetic3A_1516 = arith.constant 7 : i32
        %shift_right_arithmetic3A_1517 = arith.shrsi %squeeze3A_1515, %shift_right_arithmetic3A_1516 : i32
        %shift_left3A_1518 = arith.constant 7 : i32
        %shift_left3A_1519 = arith.shli %shift_right_arithmetic3A_1517, %shift_left3A_1518 : i32
        %multiple_of3A_1520 = tpu.assume_multiple %shift_left3A_1519, 128 : i32
        %slice3A_1521 = vector.extract_strided_slice %get3A_200 {offsets = [7], sizes = [1], strides = [1]} : vector<16xi32> to vector<1xi32>
        %squeeze3A_1522 = vector.extract %slice3A_1521[0] : i32 from vector<1xi32>
        %shift_right_arithmetic3A_1523 = arith.constant 7 : i32
        %shift_right_arithmetic3A_1524 = arith.shrsi %squeeze3A_1522, %shift_right_arithmetic3A_1523 : i32
        %shift_left3A_1525 = arith.constant 7 : i32
        %shift_left3A_1526 = arith.shli %shift_right_arithmetic3A_1524, %shift_left3A_1525 : i32
        %multiple_of3A_1527 = tpu.assume_multiple %shift_left3A_1526, 128 : i32
        %dma_start3A_1528 = arith.constant 0 : i32
        %dma_start3A_1529 = tpu.memref_slice %arg4[%dma_start3A_1528, %multiple_of3A_1520] : memref<32x1000000xf32, #tpu.memory_space<hbm>> -> memref<32x128xf32, #tpu.memory_space<hbm>>
        %dma_start3A_1530 = arith.constant 0 : i32
        %dma_start3A_1531 = tpu.memref_slice %arg4[%dma_start3A_1530, %multiple_of3A_1520] : memref<32x1000000xf32, #tpu.memory_space<hbm>> -> memref<32x128xf32, #tpu.memory_space<hbm>>
        tpu.enqueue_dma source(%dma_start3A_1531 : memref<32x128xf32, #tpu.memory_space<hbm>>) target(%arg17 : memref<32x128xf32, #tpu.memory_space<vmem>>) target_semaphore(%arg33 : memref<!tpu.dma_semaphore, #tpu.memory_space<semaphore_mem>>)
        %dma_start3A_1532 = arith.constant 0 : i32
        %dma_start3A_1533 = tpu.memref_slice %arg5[%dma_start3A_1532, %multiple_of3A_1527] : memref<32x1000000xf32, #tpu.memory_space<hbm>> -> memref<32x128xf32, #tpu.memory_space<hbm>>
        %dma_start3A_1534 = arith.constant 0 : i32
        %dma_start3A_1535 = tpu.memref_slice %arg5[%dma_start3A_1534, %multiple_of3A_1527] : memref<32x1000000xf32, #tpu.memory_space<hbm>> -> memref<32x128xf32, #tpu.memory_space<hbm>>
        tpu.enqueue_dma source(%dma_start3A_1535 : memref<32x128xf32, #tpu.memory_space<hbm>>) target(%arg25 : memref<32x128xf32, #tpu.memory_space<vmem>>) target_semaphore(%arg41 : memref<!tpu.dma_semaphore, #tpu.memory_space<semaphore_mem>>)
      } else {
      }
    }
    %scan3A_180 = arith.constant 32 : i32
    "tpu.region"() ({
      %run_scoped3A = tpu.sem_alloc : memref<!tpu.dma_semaphore, #tpu.memory_space<semaphore_mem>>
      %dma_start3A_181 = arith.constant 0 : i32
      %dma_start3A_182 = tpu.memref_slice %arg6[%dma_start3A_181, %mul3A_2] : memref<32x16384xf32, #tpu.memory_space<hbm>> -> memref<32x512xf32, #tpu.memory_space<hbm>>
      %dma_start3A_183 = arith.constant 0 : i32
      %dma_start3A_184 = tpu.memref_slice %arg6[%dma_start3A_183, %mul3A_2] : memref<32x16384xf32, #tpu.memory_space<hbm>> -> memref<32x512xf32, #tpu.memory_space<hbm>>
      tpu.enqueue_dma source(%arg9 : memref<32x512xf32, #tpu.memory_space<vmem>>) target(%dma_start3A_184 : memref<32x512xf32, #tpu.memory_space<hbm>>) target_semaphore(%run_scoped3A : memref<!tpu.dma_semaphore, #tpu.memory_space<semaphore_mem>>)
      %dma_wait3A = arith.constant 0 : i32
      %dma_wait3A_185 = tpu.memref_slice %arg6[%dma_wait3A, %mul3A_2] : memref<32x16384xf32, #tpu.memory_space<hbm>> -> memref<32x512xf32, #tpu.memory_space<hbm>>
      %dma_wait3A_186 = arith.constant 0 : i32
      %dma_wait3A_187 = tpu.memref_slice %arg6[%dma_wait3A_186, %mul3A_2] : memref<32x16384xf32, #tpu.memory_space<hbm>> -> memref<32x512xf32, #tpu.memory_space<hbm>>
      tpu.wait_dma2 semaphore(%run_scoped3A : memref<!tpu.dma_semaphore, #tpu.memory_space<semaphore_mem>>) src(%arg9 : memref<32x512xf32, #tpu.memory_space<vmem>>) dst(%dma_wait3A_187 : memref<32x512xf32, #tpu.memory_space<hbm>>)
      tpu.yield
    }) : () -> ()
    return
  }
}

</mosaic_0001>

<sc_bundles>
// kernel: kernel.3.cloned.1.call-start
scs
__scs_entry_jumppad:
0x0: {  	(pc) =	sbr.rel $0x88, $3  }
0x1: {  	(tag) =	ssettag $0x0;
	lr =	simm.s32 $0x1  }
0x2: {  	[smem:$0x3F9E] =	sst lr;
	_ =	strace $0xD0000000  }
0x3: {  	_ = 	snop  }
0x4: {  	_ = 	snop  }
0x5: {  	_ = 	snop  }
0x6: {  	_ = 	snop  }
0x7: {  	_ = 	snop  }
__scs_overlays_trampoline_lowered:
0x8: {  	[smem:$0x3FAD] =	sst s0  }
0x9: {  	[smem:$0x3FAE] =	sst s1  }
0xa: {  	[smem:$0x3FAF] =	sst s2  }
0xb: {  	[smem:$0x3FB0] =	sst s3  }
0xc: {  	[smem:$0x3FB1] =	sst s4  }
0xd: {  	[smem:$0x3FB2] =	sst s5  }
0xe: {  	[smem:$0x3FB3] =	sst s6  }
0xf: {  	[smem:$0x3FB4] =	sst s7  }
0x10: {  	[smem:$0x3FB5] =	sst s8  }
0x11: {  	[smem:$0x3FB6] =	sst s9;
	s0 =	simm.s32 @!p0 $0x0  }
0x12: {  	s1 =	sld [smem:$0x3F9C];
	s0 =	simm.s32 @p0 $0x1  }
0x13: {  	[smem:$0x3FB7] =	sst s0;
	s0 =	simm.s32 @!p1 $0x0  }
0x14: {  	s2 =	sld [smem:$0x3F9B];
	s0 =	simm.s32 @p1 $0x1  }
0x15: {  	[smem:$0x3FB8] =	sst s0;
	s0 =	simm.s32 @!p2 $0x0  }
0x16: {  	s3 =	sld [smem:$0x3FDB];
	s0 =	simm.s32 @p2 $0x1  }
0x17: {  	s4 =	simm.s32 $0x1BF5;
	[smem:$0x3FBA] =	sst s0  }
0x18: {  	s0 =	sld [smem:$0x3F9D];
	_ =	swait.ge [sflag:s4], $0x0  }
0x19: {  	s7 =	sld [smem:$0x3F9E]  }
0x1a: {  	s8 =	sadd.s32 $0xFFFFE003, lr  }
0x1b: {  	s9 =	sadd.s32 $0xFFFFFEF7, lr;
	s5 =	simm.s32 $0xFFFFFFFF;
	p2 =	slt.u32 s8, $0xFFFFF086  }
0x1c: {  	p1 =	slt.u32 s9, $0xF7A;
	s5 =	simm.s32 @!p2 $0x0  }
0x1d: {  	s5 =	simm.s32 @p1 $0x1;
	p0 =	seq.s32 s7, s2  }
0x1e: {  	s7 =	smul.u32 @!p0 $0xF7A, s2;
	p2 =	seq.s32 @!p0 s5, $0x0  }
0x1f: {  	s9 =	smul.u32 $0xF7A, s1;
	s8 =	simm.s32 @!p0 $0x1BF5;
	p2 =	por !p2, p0  }
0x20: {  	[sflag:s8] =	ssyncset.s32 @!p0 $0xFFFFF086;
	s6 =	sadd.s32 @!p0 s3, s7;
	s7 =	simm.s32 @!p0 $0x108  }
0x21: {  	s3 =	sadd.s32 s3, s9;
	s6 =	sadd.s32 @!p0 $0x88, s6;
	s7 =	simm.s32 @p2 $0x1082  }
0x22: {  	[simem:s7], [sflag:s8] =	dma.local @!p0 [hbm:s6], $0xF7A  }
0x23: {  	s9 =	sor.u32 $0xD0000000, s2;
	s6 =	simm.s32 $0x108;
	_ =	swait.ge @!p0 [sflag:s8], $0x0  }
0x24: {  	s3 =	sadd.s32 $0x88, s3;
	s6 =	simm.s32 @!p1 $0x1082;
	[sflag:s4] =	ssyncset.s32 $0xFFFFF086  }
0x25: {  	[simem:s6], [sflag:s4] =	dma.local [hbm:s3], $0xF7A  }
0x26: {  	[smem:$0x3F9E] =	sst s1;
	(tag) =	ssettag s2;
	_ =	strace s9  }
0x27: {  	s1 =	sld [smem:$0x3FAE]  }
0x28: {  	s2 =	sld [smem:$0x3FAF]  }
0x29: {  	s4 =	sld [smem:$0x3FB1]  }
0x2a: {  	p0 =	seq.s32 s5, $0x0;
	s5 =	sld [smem:$0x3FB2]  }
0x2b: {  	s6 =	sld [smem:$0x3FB3]  }
0x2c: {  	s7 =	sld [smem:$0x3FB4]  }
0x2d: {  	s3 =	simm.s32 $0x108;
	s8 =	sld [smem:$0x3FB5]  }
0x2e: {  	s3 =	simm.s32 @!p0 $0x1082;
	s9 =	sld [smem:$0x3FB6]  }
0x2f: {  	lr =	sadd.s32 s0, s3;
	s0 =	sld [smem:$0x3FAD]  }
0x30: {  	s3 =	sld [smem:$0x3FB0]  }
0x31: {  	[smem:$0x3FB9] =	sst s10  }
0x32: {  	s10 =	sld [smem:$0x3FB7];
	_ =	sdelay $0x3  }
0x33: {  	p0 =	seq.s32 s10, $0x1;
	s10 =	sld [smem:$0x3FB9];
	_ =	sdelay $0x3  }
0x34: {  	[smem:$0x3FB9] =	sst s10  }
0x35: {  	s10 =	sld [smem:$0x3FB8];
	_ =	sdelay $0x3  }
0x36: {  	p1 =	seq.s32 s10, $0x1;
	s10 =	sld [smem:$0x3FB9];
	_ =	sdelay $0x3  }
0x37: {  	[smem:$0x3FB9] =	sst s10  }
0x38: {  	s10 =	sld [smem:$0x3FBA]  }
0x39: {  	_ = 	snop;
	(pc) =	sbr.ind lr, $3  }
0x3a: {  	_ = 	snop  }
0x3b: {  	_ = 	snop  }
0x3c: {  	p2 =	seq.s32 s10, $0x1;
	s10 =	sld [smem:$0x3FB9]  }
0x3d: {  	_ =	shalt  }
0x3e: {  	_ =	shalt  }
0x3f: {  	_ =	shalt  }
0x40: {  	_ =	shalt  }
0x41: {  	_ =	shalt  }
0x42: {  	_ =	shalt  }
0x43: {  	_ =	shalt  }
0x44: {  	_ =	shalt  }
0x45: {  	_ =	shalt  }
0x46: {  	_ =	shalt  }
0x47: {  	_ =	shalt  }
0x48: {  	_ =	shalt  }
0x49: {  	_ =	shalt  }
0x4a: {  	_ =	shalt  }
0x4b: {  	_ =	shalt  }
0x4c: {  	_ =	shalt  }
0x4d: {  	_ =	shalt  }
0x4e: {  	_ =	shalt  }
0x4f: {  	_ =	shalt  }
0x50: {  	_ =	shalt  }
0x51: {  	_ =	shalt  }
0x52: {  	_ =	shalt  }
0x53: {  	_ =	shalt  }
0x54: {  	_ =	shalt  }
0x55: {  	_ =	shalt  }
0x56: {  	_ =	shalt  }
0x57: {  	_ =	shalt  }
0x58: {  	_ =	shalt  }
0x59: {  	_ =	shalt  }
0x5a: {  	_ =	shalt  }
0x5b: {  	_ =	shalt  }
0x5c: {  	_ =	shalt  }
0x5d: {  	_ =	shalt  }
0x5e: {  	_ =	shalt  }
0x5f: {  	_ =	shalt  }
0x60: {  	_ =	shalt  }
0x61: {  	_ =	shalt  }
0x62: {  	_ =	shalt  }
0x63: {  	_ =	shalt  }
0x64: {  	_ =	shalt  }
0x65: {  	_ =	shalt  }
0x66: {  	_ =	shalt  }
0x67: {  	_ =	shalt  }
0x68: {  	_ =	shalt  }
0x69: {  	_ =	shalt  }
0x6a: {  	_ =	shalt  }
0x6b: {  	_ =	shalt  }
0x6c: {  	_ =	shalt  }
0x6d: {  	_ =	shalt  }
0x6e: {  	_ =	shalt  }
0x6f: {  	_ =	shalt  }
0x70: {  	_ =	shalt  }
0x71: {  	_ =	shalt  }
0x72: {  	_ =	shalt  }
0x73: {  	_ =	shalt  }
0x74: {  	_ =	shalt  }
0x75: {  	_ =	shalt  }
0x76: {  	_ =	shalt  }
0x77: {  	_ =	shalt  }
0x78: {  	_ =	shalt  }
0x79: {  	_ =	shalt  }
0x7a: {  	_ =	shalt  }
0x7b: {  	_ =	shalt  }
0x7c: {  	_ =	shalt  }
0x7d: {  	_ =	shalt  }
0x7e: {  	_ =	shalt  }
0x7f: {  	_ =	shalt  }
0x80: {  	_ =	shalt  }
0x81: {  	_ =	shalt  }
0x82: {  	_ =	shalt  }
0x83: {  	_ =	shalt  }
0x84: {  	_ =	shalt  }
0x85: {  	_ =	shalt  }
0x86: {  	_ =	shalt  }
0x87: {  	_ =	shalt  }
.Lfunc_end0:
.L_simem_size_0:
called_computation_lowered:
.L_overlay_start_0:
0x88: {  	s2 =	sld [smem:$0x3FD9]  }
0x89: {  	s3 =	sld [smem:$0x3FFE];
	_ =	sdelay $0x1  }
0x8a: {  	s1 =	srdreg.scid  }
0x8b: {  	s0 =	sand.u32 $0x1, s1  }
0x8c: {  	s17 =	sshll.u32 s0, $0xA;
	s2 =	sadd.s32 s3, s2  }
0x8d: {  	s2 =	sadd.s32 s2, s17  }
0x8e: {  	[smem:$0x3FC5] =	sst s2  }
0x8f: {  	_ = 	snop  }
0x90: {  	s2 =	sld [smem:$0x3FC8]  }
0x91: {  	s18 =	sld [smem:$0x3FC7]  }
0x92: {  	s4 =	sld [smem:$0x3FD0];
	(tm) =	ssettm $0x1  }
0x93: {  	s5 =	sld [smem:$0x3FFB];
	_ =	sdelay $0x3  }
0x94: {  	_ =	strace s5  }
0x95: {  	s5 =	sld [smem:$0x3FFC];
	_ =	sdelay $0x3  }
0x96: {  	_ =	strace s5  }
0x97: {  	s5 =	sld [smem:$0x3FFD];
	_ =	sdelay $0x3  }
0x98: {  	_ =	strace s5  }
0x99: {  	_ =	strace $0x8FFFFFFF  }
0x9a: {  	s19 =	sld [smem:$0x3FDB];
	_ =	sdelay $0x1  }
0x9b: {  	s6 =	simm.s32 $_scs_section_size  }
0x9c: {  	s7 =	simm.s32 $_size__tile_overlayer_lowered;
	s8 =	simm.s32 $_tile_overlayer_lowered  }
0x9d: {  	s22 =	simm.s32 $0x1BFF;
	s21 =	sshll.u32 s8, $0x1;
	s5 =	sadd.s32 s6, s19  }
0x9e: {  	s9 =	simm.s32 $0x0;
	s20 =	sshll.u32 s7, $0x1;
	s7 =	sadd.s32 s21, s5  }
0x9f: {  	[timem:s9], [sflag:s22] =	dma.local [hbm:s7], s20  }
0xa0: {  	_ =	swait.ge [sflag:s22], s20  }
0xa1: {  	s6 =	ssub.s32 $0x0, s20;
	[sflag:s22] =	ssyncset.done $0x0  }
0xa2: {  	[sflag:s22] =	ssyncadd.s32 s6;
	_ =	sdelay $0x1  }
0xa3: {  	s23 =	simm.s32 $0x1B8B  }
0xa4: {  	_ =	swait.ge [sflag:s23], $0x1  }
0xa5: {  	[sflag:s23] =	ssyncset.done $0x0  }
0xa6: {  	s25 =	simm.s32 $0x1B8E;
	s24 =	sld [smem:$0x3FFE];
	[sflag:s23] =	ssyncadd.s32 $0xFFFFFFFF  }
0xa7: {  	s26 =	simm.s32 $execute0_lowered;
	[smem:$0x3FD2] =	sst s25  }
0xa8: {  	s7 =	sshll.u32 s26, $0x1;
	_ =	strace $0x80000046;
	[dreg:$0x1] =	wrdreg $0xFFFFFFFF  }
0xa9: {  	s28 =	simm.s32 $_size_execute0_lowered;
	s5 =	sadd.s32 s5, s7;
	[dreg:$0x0] =	wrdreg $0x0  }
0xaa: {  	s7 =	sshll.u32 s28, $0x1;
	[dreg:$0x2] =	wrdreg s5  }
0xab: {  	[dreg:$0x3] =	wrdreg s7  }
0xac: {  	[dreg:$0x4] =	wrdreg $0xC0  }
0xad: {  	_ =	task [dreg:s9], $0x5FFFF  }
0xae: {  	[dreg:$0x1] =	wrdreg $0xFFFFFFFF  }
0xaf: {  	[dreg:$0x0] =	wrdreg $0x60  }
0xb0: {  	[dreg:$0x2] =	wrdreg s24  }
0xb1: {  	[dreg:$0x3] =	wrdreg s2  }
0xb2: {  	[dreg:$0x4] =	wrdreg s18  }
0xb3: {  	[dreg:$0x5] =	wrdreg s4  }
0xb4: {  	[dreg:$0x6] =	wrdreg $0x9  }
0xb5: {  	_ =	task.clear_ibuf [dreg:s9], $0x7FFFF;
	_ =	strace $0x90000046  }
0xb6: {  	s29 =	simm.s32 $0x9;
	_ =	strace $0x80000048  }
0xb7: {  	_ =	swait.ge [sflag:s29], $0x1  }
0xb8: {  	[sflag:s29] =	ssyncadd.s32 $0xFFFFFFFF  }
0xb9: {  	_ =	strace $0x90000048  }
0xba: {  	_ =	sfence  }
0xbb: {  	s30 =	sld [smem:$0x0];
	_ =	sdelay $0x2  }
0xbc: {  	s31 =	sshll.u32 s1, $0xD;
	s1 =	sshrl.u32 s1, $0x2  }
0xbd: {  	s3 =	sand.u32 $0x4000, s31;
	s1 =	sadd.s32 s1, s30  }
0xbe: {  	s0 =	sor.u32 s3, s0;
	s1 =	sshll.u32 s1, $0x11  }
0xbf: {  	s0 =	sor.u32 s1, s0  }
0xc0: {  	s0 =	sadd.s32 $0x8F2B, s0  }
0xc1: {  	[sflag:s0] =	ssyncadd.remote.s32 $0x1  }
0xc2: {  	_ =	sfence.sel $0xFFFF  }
0xc3: {  	[dreg:$0x0] =	wrdreg $0xFFFFFFFF;
	(pc) =	sbr.abs _section_cstart, $3  }
0xc4: {  	[dreg:$0x1] =	wrdreg $0xFFFFFFFF  }
0xc5: {  	_ =	task.clear_ibuf [dreg:s9], $0x2FFFF;
	_ =	strace $0x9FFFFFFF  }
0xc6: {  	(tm) =	ssettm $0x7FFFFFFF  }
0xc7: {  	_ =	shalt  }
tec
execute0_lowered:
.L_overlay_start_1:
0x0: {  	(tag) =	ssettag $0x1  }
0x1: {  	s0 =	rddreg [dreg:$0x0]  }
0x2: {  	s2 =	rddreg [dreg:$0x1]  }
0x3: {  	s3 =	rddreg [dreg:$0x2];
	v0 =	vlaneseq.u32;
	v1 =	vimm.s32 $0x1380  }
0x4: {  	s1 =	srdreg.scid;
	s4 =	rddreg [dreg:$0x3];
	vm0 =	vcmask $0x300;
	v2 =	vimm.s32 $0x3380;
	vm1 =	vcmask $0x704  }
0x5: {  	s5 =	stileid.u32;
	s7 =	simm.s32 $0x0;
	vm15 =	vcmask $0xB08;
	s10 =	simm.s32 $0x7A1400;
	v1 =	vsel vm0, $0x0, v1;
	v2 =	vsel vm0, $0x2000, v2  }
0x6: {  	vm4 =	vcmask $0xF0C;
	s11 =	simm.s32 $0x400;
	s9 =	simm.s32 $0x4400;
	s22 =	simm.s32 $0x5400;
	v1 =	vsel vm1, $0x80, v1;
	v2 =	vsel vm1, $0x2080, v2  }
0x7: {  	vm5 =	vcmask $0x1310;
	s28 =	simm.s32 $0x7400;
	s29 =	simm.s32 $0xF400;
	s30 =	simm.s32 $0x8400;
	v1 =	vsel vm15, $0x100, v1;
	v2 =	vsel vm15, $0x2100, v2  }
0x8: {  	vm6 =	vcmask $0x1714;
	s31 =	simm.s32 $0x10400;
	s8 =	simm.s32 $0x9400;
	s12 =	simm.s32 $0x11400;
	v1 =	vsel vm4, $0x180, v1;
	v2 =	vsel vm4, $0x2180, v2  }
0x9: {  	vm7 =	vcmask $0x1B18;
	s18 =	simm.s32 $0x12400;
	s19 =	simm.s32 $0xB400;
	s20 =	simm.s32 $0x13400;
	v1 =	vsel vm5, $0x200, v1;
	v2 =	vsel vm5, $0x2200, v2  }
0xa: {  	vm8 =	vcmask $0x1F1C;
	s21 =	simm.s32 $0x1;
	s13 =	simm.s32 $0x9;
	s17 =	simm.s32 $0x7A1400;
	v1 =	vsel vm6, $0x280, v1;
	v2 =	vsel vm6, $0x2280, v2  }
0xb: {  	vm9 =	vcmask $0x2320;
	s15 =	simm.s32 $0x8;
	s1 =	sand.u32 $0x1, s1;
	s5 =	sshll.u32 s5, $0xA;
	v1 =	vsel vm7, $0x300, v1;
	v2 =	vsel vm7, $0x2300, v2  }
0xc: {  	vm10 =	vcmask $0x2724;
	[smem:$0x7FF] =	sst s7;
	s6 =	sshll.u32 s1, $0x9;
	s1 =	ssub.s32 $0x2, s1;
	v1 =	vsel vm8, $0x380, v1;
	v2 =	vsel vm8, $0x2380, v2  }
0xd: {  	vm11 =	vcmask $0x2B28;
	s7 =	simm.s32 $0xA400;
	s5 =	sor.u32 s6, s5;
	s24 =	sshrl.u32 s1, $0x1;
	v1 =	vsel vm9, $0x1000, v1;
	v2 =	vsel vm9, $0x3000, v2  }
0xe: {  	vm12 =	vcmask $0x2F2C;
	_ =	strace $0x80000047;
	s6 =	sshrl.u32 s5, $0x3;
	s1 =	ssub.s32 s1, s24;
	v1 =	vsel vm10, $0x1080, v1;
	v2 =	vsel vm10, $0x3080, v2  }
0xf: {  	vm13 =	vcmask $0x3330;
	s25 =	sadd.s32 s4, s5;
	s4 =	simm.s32 $0x11;
	s5 =	simm.s32 $0xC400;
	v1 =	vsel vm11, $0x1100, v1;
	v2 =	vsel vm11, $0x3100, v2  }
0x10: {  	vm14 =	vcmask $0x3734;
	s0 =	sadd.s32 s6, s0;
	[dreg:$0x7] =	wrdreg s25;
	s26 =	smax.u32 s1, $0x1;
	v1 =	vsel vm12, $0x1180, v1;
	v2 =	vsel vm12, $0x3180, v2  }
0x11: {  	v0 =	vmul.u32 $0x80, v0;
	s24 =	simm.s32 $0x6400;
	s6 =	sadd.s32 $0xE00, s0;
	[dreg:$0x8] =	wrdreg s26;
	v1 =	vsel vm13, $0x1200, v1;
	v2 =	vsel vm13, $0x3200, v2  }
0x12: {  	vm15 =	vcmask $0x3B38;
	s1 =	simm.s32 $0x0;
	s0 =	sadd.s32 $0x600, s0;
	[dreg:$0x5] =	wrdreg s6;
	v1 =	vsel vm14, $0x1280, v1;
	v3 =	vsel vm14, $0x3280, v2  }
0x13: {  	s26 =	simm.s32 $0xE400;
	[dreg:$0x6] =	wrdreg s0;
	s6 =	simm.s32 $0xD400;
	v2 =	vor.u32 $0x800, v0;
	v1 =	vsel vm15, $0x1300, v1;
	v3 =	vsel vm15, $0x3300, v3  }
.LBB2_1:
0x14: {  	[dreg:$0x9] =	wrdreg s1  }
0x15: {  	s0 =	simm.s32 $0x0;
	s23 =	rddreg [dreg:$0x5]  }
0x16: {  	[tilespmem:s0], [sflag:$0x11] =	stream.linear.gather [hbm4b:s23+s0], $0x200, $0x38;
	[tilespmem:$0x14400] =	vst v63  }
0x17: {  	_ =	swait.ge [sflag:s4], $0x200  }
0x18: {  	[sflag:s4] =	ssyncset.done $0x0  }
0x19: {  	s14 =	simm.s32 $0x200;
	s25 =	rddreg [dreg:$0x6];
	[sflag:s4] =	ssyncadd.s32 $0xFFFFFE00  }
0x1a: {  	[tilespmem:s14], [sflag:$0x11] =	stream.linear.gather [hbm4b:s25+s0], $0x200, $0x38;
	[tilespmem:$0x14400] =	vst v63  }
0x1b: {  	_ =	swait.ge [sflag:s4], $0x200  }
0x1c: {  	[sflag:s4] =	ssyncset.done $0x0  }
0x1d: {  	[sflag:s4] =	ssyncadd.s32 $0xFFFFFE00  }
0x1e: {  	v4 =	vld [tilespmem:$0x0]  }
0x1f: {  	v5 =	vld [tilespmem:$0x200];
	_ =	sdelay $0x3  }
0x20: {  	(v2sf) =	vpush v4, $0x0  }
0x21: {  	(v2sf) =	vpush v5, $0x0;
	_ =	sdelay $0x5  }
0x22: {  	(v2sf) =	vpush v4, $0x1;
	_ =	sdelay $0x1  }
0x23: {  	(v2sf) =	vpush v5, $0x1;
	_ =	sdelay $0x5  }
0x24: {  	s1 =	spop (v2sf);
	(v2sf) =	vpush v4, $0x2  }
0x25: {  	s4 =	spop (v2sf);
	(v2sf) =	vpush v5, $0x2;
	_ =	sdelay $0x4  }
0x26: {  	s0 =	sand.u32 $0xFFFFF80, s1  }
0x27: {  	s0 =	sadd.s32 s2, s0;
	s16 =	spop (v2sf);
	(v2sf) =	vpush v4, $0x3  }
0x28: {  	[tilespmem:s9], [sflag:$0x1] =	stream.strided.gather [hbm4b:s0+s11], $0x1000, s10, s11, $0x38;
	[tilespmem:$0x14400] =	vst v63  }
0x29: {  	s0 =	sand.u32 $0xFFFFF80, s4;
	s23 =	spop (v2sf);
	(v2sf) =	vpush v5, $0x3  }
0x2a: {  	s0 =	sadd.s32 s3, s0  }
0x2b: {  	[tilespmem:s5], [sflag:$0x9] =	stream.strided.gather [hbm4b:s0+s11], $0x1000, s10, s11, $0x38;
	[tilespmem:$0x14400] =	vst v63  }
0x2c: {  	s0 =	sand.u32 $0xFFFFF80, s16  }
0x2d: {  	s0 =	sadd.s32 s2, s0  }
0x2e: {  	[tilespmem:s22], [sflag:$0x2] =	stream.strided.gather [hbm4b:s0+s11], $0x1000, s10, s11, $0x38;
	[tilespmem:$0x14400] =	vst v63  }
0x2f: {  	s0 =	sand.u32 $0xFFFFF80, s23;
	s25 =	spop (v2sf);
	(v2sf) =	vpush v4, $0x4  }
0x30: {  	s0 =	sadd.s32 s3, s0;
	s1 =	spop (v2sf);
	(v2sf) =	vpush v5, $0x4  }
0x31: {  	[tilespmem:s6], [sflag:$0xA] =	stream.strided.gather [hbm4b:s0+s11], $0x1000, s10, s11, $0x38;
	[tilespmem:$0x14400] =	vst v63  }
0x32: {  	s0 =	sand.u32 $0xFFFFF80, s25;
	(v2sf) =	vpush v4, $0x5  }
0x33: {  	s0 =	sadd.s32 s2, s0  }
0x34: {  	[tilespmem:s24], [sflag:$0x3] =	stream.strided.gather [hbm4b:s0+s11], $0x1000, s10, s11, $0x38;
	[tilespmem:$0x14400] =	vst v63  }
0x35: {  	s0 =	sand.u32 $0xFFFFF80, s1  }
0x36: {  	s4 =	spop (v2sf);
	s0 =	sadd.s32 s3, s0  }
0x37: {  	(v2sf) =	vpush v5, $0x5;
	[tilespmem:s26], [sflag:$0xB] =	stream.strided.gather [hbm4b:s0+s11], $0x1000, s10, s11, $0x38;
	[tilespmem:$0x14400] =	vst v63  }
0x38: {  	s5 =	spop (v2sf);
	(v2sf) =	vpush v4, $0x6;
	s0 =	sand.u32 $0xFFFFF80, s4  }
0x39: {  	s0 =	sadd.s32 s2, s0  }
0x3a: {  	[tilespmem:s28], [sflag:$0x4] =	stream.strided.gather [hbm4b:s0+s11], $0x1000, s10, s11, $0x38;
	[tilespmem:$0x14400] =	vst v63  }
0x3b: {  	s0 =	sand.u32 $0xFFFFF80, s5  }
0x3c: {  	s0 =	sadd.s32 s3, s0  }
0x3d: {  	[tilespmem:s29], [sflag:$0xC] =	stream.strided.gather [hbm4b:s0+s11], $0x1000, s10, s11, $0x38;
	[tilespmem:$0x14400] =	vst v63  }
0x3e: {  	s6 =	spop (v2sf);
	(v2sf) =	vpush v5, $0x6  }
0x3f: {  	s16 =	spop (v2sf);
	(v2sf) =	vpush v4, $0x7  }
0x40: {  	s0 =	sand.u32 $0xFFFFF80, s6  }
0x41: {  	s0 =	sadd.s32 s2, s0;
	s23 =	spop (v2sf)  }
0x42: {  	(v2sf) =	vpush v5, $0x7;
	[tilespmem:s30], [sflag:$0x5] =	stream.strided.gather [hbm4b:s0+s11], $0x1000, s10, s11, $0x38;
	[tilespmem:$0x14400] =	vst v63  }
0x43: {  	s0 =	sand.u32 $0xFFFFF80, s16  }
0x44: {  	s0 =	sadd.s32 s3, s0  }
0x45: {  	[tilespmem:s31], [sflag:$0xD] =	stream.strided.gather [hbm4b:s0+s11], $0x1000, s10, s11, $0x38;
	[tilespmem:$0x14400] =	vst v63  }
0x46: {  	s25 =	spop (v2sf);
	s0 =	sand.u32 $0xFFFFF80, s23  }
0x47: {  	s1 =	sand.u32 $0xFFFFF80, s25;
	s4 =	spop (v2sf);
	s0 =	sadd.s32 s2, s0  }
0x48: {  	[tilespmem:s8], [sflag:$0x6] =	stream.strided.gather [hbm4b:s0+s11], $0x1000, s10, s11, $0x38;
	[tilespmem:$0x14400] =	vst v63  }
0x49: {  	s5 =	sand.u32 $0xFFFFF80, s4;
	s0 =	sadd.s32 s3, s1  }
0x4a: {  	[tilespmem:s12], [sflag:$0xE] =	stream.strided.gather [hbm4b:s0+s11], $0x1000, s10, s11, $0x38;
	[tilespmem:$0x14400] =	vst v63  }
0x4b: {  	s0 =	sadd.s32 s2, s5  }
0x4c: {  	[tilespmem:s7], [sflag:$0x7] =	stream.strided.gather [hbm4b:s0+s11], $0x1000, s10, s11, $0x38;
	[tilespmem:$0x14400] =	vst v63  }
0x4d: {  	s6 =	spop (v2sf)  }
0x4e: {  	s7 =	sand.u32 $0xFFFFF80, s6;
	s16 =	spop (v2sf)  }
0x4f: {  	s0 =	sadd.s32 s3, s7;
	s23 =	sand.u32 $0xFFFFF80, s16  }
0x50: {  	[tilespmem:s18], [sflag:$0xF] =	stream.strided.gather [hbm4b:s0+s11], $0x1000, s10, s11, $0x38;
	[tilespmem:$0x14400] =	vst v63  }
0x51: {  	s25 =	spop (v2sf);
	s0 =	sadd.s32 s2, s23  }
0x52: {  	[tilespmem:s19], [sflag:$0x8] =	stream.strided.gather [hbm4b:s0+s11], $0x1000, s10, s11, $0x38;
	[tilespmem:$0x14400] =	vst v63  }
0x53: {  	s0 =	sand.u32 $0xFFFFF80, s25  }
0x54: {  	s0 =	sadd.s32 s3, s0  }
0x55: {  	[tilespmem:s20], [sflag:$0x10] =	stream.strided.gather [hbm4b:s0+s11], $0x1000, s10, s11, $0x38;
	[tilespmem:$0x14400] =	vst v63  }
0x56: {  	s18 =	simm.s32 $0x0;
	s19 =	simm.s32 $0x1;
	s20 =	simm.s32 $0xF  }
.LBB2_2:
0x57: {  	v7 =	vld [tilespmem:s18+$0x0]  }
0x58: {  	v6 =	vld [tilespmem:s14+$0x0];
	_ =	sdelay $0x3  }
0x59: {  	(v2sf) =	vpush v7, $0x0  }
0x5a: {  	(v2sf) =	vpush v6, $0x0;
	_ =	sdelay $0xc  }
0x5b: {  	s0 =	smin.u32 s19, $0x1F  }
0x5c: {  	s0 =	sshll.u32 s0, $0x4;
	s1 =	spop (v2sf)  }
0x5d: {  	[dreg:$0xa] =	wrdreg s14;
	v5 =	vld [tilespmem:s0+$0x0];
	s5 =	spop (v2sf)  }
0x5e: {  	v4 =	vld [tilespmem:s0+$0x200];
	s1 =	sand.u32 $0x7F, s1;
	_ =	swait.ge [sflag:s21], $0x1000  }
0x5f: {  	s0 =	sand.u32 $0x7F, s5;
	v8 =	vor.u32 s1, v0;
	[sflag:s21] =	ssyncset.done $0x0  }
0x60: {  	v9 =	vor.u32 s0, v0;
	[sflag:s21] =	ssyncadd.s32 $0xFFFFF000  }
0x61: {  	_ =	swait.ge [sflag:s13], $0x1000  }
0x62: {  	[sflag:s13] =	ssyncset.done $0x0  }
0x63: {  	[sflag:s13] =	ssyncadd.s32 $0xFFFFF000  }
0x64: {  	s4 =	simm.s32 $0xC400;
	v8 =	vld.idx.msk [tilespmem:v8+s9+$0x0], $0xffff  }
0x65: {  	v9 =	vld.idx.msk [tilespmem:v9+s4+$0x0], $0xffff  }
0x66: {  	s6 =	sadd.s32 $0xFFFFFFF1, s20  }
0x67: {  	v10 =	vmov s6  }
0x68: {  	v11 =	vshll.u32 v10, $0x3  }
0x69: {  	v10 =	vand.u32 $0x70, v10;
	v11 =	vand.u32 $0xC00, v11  }
0x6a: {  	v10 =	vor.u32 v10, v11;
	v8 =	vadd.f32 $1.000000000e+00, v8;
	v9 =	vadd.f32 $1.000000000e+00, v9  }
0x6b: {  	v11 =	vor.u32 v1, v10  }
0x6c: {  	v57 =	vor.u32 s1, v2;
	(v2sf) =	vpush v7, $0x8;
	v8 =	vmul.f32 v9, v8  }
0x6d: {  	v12 =	vor.u32 s0, v2;
	(v2sf) =	vpush v6, $0x8  }
0x6e: {  	(v2sf) =	vpush v7, $0x1;
	v8 =	vmul.f32 $2.500000000e-01, v8;
	_ =	sdelay $0x1  }
0x6f: {  	(v2sf) =	vpush v6, $0x1;
	[tilespmem:v11+s11+$0x0] =	vst.idx.msk $0xffff, v8  }
0x70: {  	s7 =	simm.s32 $0xC400;
	v8 =	vld.idx.msk [tilespmem:v57+s9+$0x0], $0xffff  }
0x71: {  	v58 =	vld.idx.msk [tilespmem:v12+s7+$0x0], $0xffff;
	_ =	sdelay $0x4  }
0x72: {  	v8 =	vadd.f32 $1.000000000e+00, v8;
	v9 =	vadd.f32 $1.000000000e+00, v58  }
0x73: {  	v10 =	vor.u32 v3, v10  }
0x74: {  	v8 =	vmul.f32 v9, v8;
	_ =	sdelay $0x1  }
0x75: {  	s23 =	spop (v2sf);
	v8 =	vmul.f32 $2.500000000e-01, v8  }
0x76: {  	s10 =	sand.u32 $0xFFFFF80, s23;
	s25 =	spop (v2sf)  }
0x77: {  	s0 =	sadd.s32 s2, s10;
	s13 =	sand.u32 $0xFFFFF80, s25;
	s14 =	spop (v2sf);
	[tilespmem:v10+s11+$0x0] =	vst.idx.msk $0xffff, v8  }
0x78: {  	[tilespmem:s9], [sflag:$0x1] =	stream.strided.gather [hbm4b:s0+s11], $0x1000, s17, s11, $0x38;
	[tilespmem:$0x14400] =	vst v63  }
0x79: {  	s21 =	simm.s32 $0x2;
	s16 =	spop (v2sf);
	s0 =	sadd.s32 s3, s13  }
0x7a: {  	[tilespmem:s7], [sflag:$0x9] =	stream.strided.gather [hbm4b:s0+s11], $0x1000, s17, s11, $0x38;
	[tilespmem:$0x14400] =	vst v63  }
0x7b: {  	s0 =	sand.u32 $0x7F, s14;
	_ =	swait.ge [sflag:s21], $0x1000  }
0x7c: {  	s1 =	sand.u32 $0x7F, s16;
	v59 =	vor.u32 s0, v0;
	[sflag:s21] =	ssyncset.done $0x0  }
0x7d: {  	v60 =	vor.u32 s1, v0;
	[sflag:s21] =	ssyncadd.s32 $0xFFFFF000;
	s21 =	simm.s32 $0xA  }
0x7e: {  	_ =	swait.ge [sflag:s21], $0x1000  }
0x7f: {  	[sflag:s21] =	ssyncset.done $0x0  }
0x80: {  	[sflag:s21] =	ssyncadd.s32 $0xFFFFF000  }
0x81: {  	s5 =	simm.s32 $0xD400;
	v8 =	vld.idx.msk [tilespmem:v59+s22+$0x0], $0xffff  }
0x82: {  	v9 =	vld.idx.msk [tilespmem:v60+s5+$0x0], $0xffff  }
0x83: {  	s6 =	sadd.s32 $0xFFFFFFF2, s20  }
0x84: {  	v61 =	vmov s6  }
0x85: {  	v62 =	vshll.u32 v61, $0x3  }
0x86: {  	v11 =	vand.u32 $0xC00, v62;
	v10 =	vand.u32 $0x71, v61  }
0x87: {  	v10 =	vor.u32 v10, v11;
	v8 =	vadd.f32 $1.000000000e+00, v8;
	v9 =	vadd.f32 $1.000000000e+00, v9  }
0x88: {  	v11 =	vor.u32 v1, v10  }
0x89: {  	v63 =	vor.u32 s0, v2;
	(v2sf) =	vpush v7, $0x9;
	v8 =	vmul.f32 v9, v8  }
0x8a: {  	v16 =	vor.u32 s1, v2;
	(v2sf) =	vpush v6, $0x9  }
0x8b: {  	(v2sf) =	vpush v7, $0x2;
	v8 =	vmul.f32 $2.500000000e-01, v8;
	_ =	sdelay $0x1  }
0x8c: {  	(v2sf) =	vpush v6, $0x2;
	[tilespmem:v11+s11+$0x0] =	vst.idx.msk $0xffff, v8  }
0x8d: {  	s7 =	simm.s32 $0xD400;
	v8 =	vld.idx.msk [tilespmem:v63+s22+$0x0], $0xffff  }
0x8e: {  	v17 =	vld.idx.msk [tilespmem:v16+s7+$0x0], $0xffff;
	_ =	sdelay $0x4  }
0x8f: {  	v8 =	vadd.f32 $1.000000000e+00, v8;
	v9 =	vadd.f32 $1.000000000e+00, v17  }
0x90: {  	v10 =	vor.u32 v3, v10  }
0x91: {  	v8 =	vmul.f32 v9, v8;
	_ =	sdelay $0x1  }
0x92: {  	s14 =	simm.s32 $0x5400;
	s10 =	spop (v2sf);
	v8 =	vmul.f32 $2.500000000e-01, v8  }
0x93: {  	[dreg:$0xb] =	wrdreg s10;
	s0 =	sand.u32 $0xFFFFF80, s10;
	s22 =	spop (v2sf)  }
0x94: {  	s0 =	sadd.s32 s2, s0;
	s16 =	sand.u32 $0xFFFFF80, s22;
	s1 =	spop (v2sf);
	[tilespmem:v10+s11+$0x0] =	vst.idx.msk $0xffff, v8  }
0x95: {  	[tilespmem:s14], [sflag:$0x2] =	stream.strided.gather [hbm4b:s0+s11], $0x1000, s17, s11, $0x38;
	[tilespmem:$0x14400] =	vst v63  }
0x96: {  	s4 =	spop (v2sf);
	s0 =	sadd.s32 s3, s16;
	s14 =	simm.s32 $0x3  }
0x97: {  	[tilespmem:s7], [sflag:$0xA] =	stream.strided.gather [hbm4b:s0+s11], $0x1000, s17, s11, $0x38;
	[tilespmem:$0x14400] =	vst v63  }
0x98: {  	s0 =	sand.u32 $0x7F, s1;
	_ =	swait.ge [sflag:s14], $0x1000  }
0x99: {  	s1 =	sand.u32 $0x7F, s4;
	v18 =	vor.u32 s0, v0;
	[sflag:s14] =	ssyncset.done $0x0  }
0x9a: {  	s5 =	simm.s32 $0xB;
	v19 =	vor.u32 s1, v0;
	[sflag:s14] =	ssyncadd.s32 $0xFFFFF000  }
0x9b: {  	_ =	swait.ge [sflag:s5], $0x1000  }
0x9c: {  	[sflag:s5] =	ssyncset.done $0x0  }
0x9d: {  	[sflag:s5] =	ssyncadd.s32 $0xFFFFF000  }
0x9e: {  	v8 =	vld.idx.msk [tilespmem:v18+s24+$0x0], $0xffff  }
0x9f: {  	v9 =	vld.idx.msk [tilespmem:v19+s26+$0x0], $0xffff  }
0xa0: {  	s6 =	sadd.s32 $0xFFFFFFF3, s20  }
0xa1: {  	v20 =	vmov s6  }
0xa2: {  	v21 =	vshll.u32 v20, $0x3  }
0xa3: {  	v11 =	vand.u32 $0xC00, v21;
	v10 =	vand.u32 $0x72, v20  }
0xa4: {  	v10 =	vor.u32 v10, v11;
	v8 =	vadd.f32 $1.000000000e+00, v8;
	v9 =	vadd.f32 $1.000000000e+00, v9  }
0xa5: {  	v11 =	vor.u32 v1, v10  }
0xa6: {  	v22 =	vor.u32 s0, v2;
	(v2sf) =	vpush v7, $0xA;
	v8 =	vmul.f32 v9, v8  }
0xa7: {  	v23 =	vor.u32 s1, v2;
	(v2sf) =	vpush v6, $0xA  }
0xa8: {  	(v2sf) =	vpush v7, $0x3;
	v8 =	vmul.f32 $2.500000000e-01, v8;
	_ =	sdelay $0x1  }
0xa9: {  	(v2sf) =	vpush v6, $0x3;
	[tilespmem:v11+s11+$0x0] =	vst.idx.msk $0xffff, v8  }
0xaa: {  	v8 =	vld.idx.msk [tilespmem:v22+s24+$0x0], $0xffff  }
0xab: {  	v24 =	vld.idx.msk [tilespmem:v23+s26+$0x0], $0xffff;
	_ =	sdelay $0x4  }
0xac: {  	v8 =	vadd.f32 $1.000000000e+00, v8;
	v9 =	vadd.f32 $1.000000000e+00, v24  }
0xad: {  	v10 =	vor.u32 v3, v10  }
0xae: {  	v8 =	vmul.f32 v9, v8;
	_ =	sdelay $0x1  }
0xaf: {  	s6 =	simm.s32 $0x4;
	s24 =	spop (v2sf);
	v8 =	vmul.f32 $2.500000000e-01, v8  }
0xb0: {  	s7 =	simm.s32 $0x6400;
	s10 =	sand.u32 $0xFFFFF80, s24;
	s26 =	spop (v2sf)  }
0xb1: {  	s0 =	sadd.s32 s2, s10;
	s1 =	sand.u32 $0xFFFFF80, s26;
	s4 =	spop (v2sf);
	[tilespmem:v10+s11+$0x0] =	vst.idx.msk $0xffff, v8  }
0xb2: {  	[tilespmem:s7], [sflag:$0x3] =	stream.strided.gather [hbm4b:s0+s11], $0x1000, s17, s11, $0x38;
	[tilespmem:$0x14400] =	vst v63  }
0xb3: {  	s16 =	simm.s32 $0xE400;
	s5 =	spop (v2sf);
	s0 =	sadd.s32 s3, s1  }
0xb4: {  	[tilespmem:s16], [sflag:$0xB] =	stream.strided.gather [hbm4b:s0+s11], $0x1000, s17, s11, $0x38;
	[tilespmem:$0x14400] =	vst v63  }
0xb5: {  	s0 =	sand.u32 $0x7F, s4;
	_ =	swait.ge [sflag:s6], $0x1000  }
0xb6: {  	s1 =	sand.u32 $0x7F, s5;
	v25 =	vor.u32 s0, v0;
	[sflag:s6] =	ssyncset.done $0x0  }
0xb7: {  	s7 =	simm.s32 $0xC;
	v26 =	vor.u32 s1, v0;
	[sflag:s6] =	ssyncadd.s32 $0xFFFFF000  }
0xb8: {  	_ =	swait.ge [sflag:s7], $0x1000  }
0xb9: {  	[sflag:s7] =	ssyncset.done $0x0  }
0xba: {  	[sflag:s7] =	ssyncadd.s32 $0xFFFFF000  }
0xbb: {  	v8 =	vld.idx.msk [tilespmem:v25+s28+$0x0], $0xffff  }
0xbc: {  	v9 =	vld.idx.msk [tilespmem:v26+s29+$0x0], $0xffff  }
0xbd: {  	s10 =	sadd.s32 $0xFFFFFFF4, s20  }
0xbe: {  	v27 =	vmov s10  }
0xbf: {  	v28 =	vshll.u32 v27, $0x3  }
0xc0: {  	v11 =	vand.u32 $0xC00, v28;
	v10 =	vand.u32 $0x73, v27  }
0xc1: {  	v10 =	vor.u32 v10, v11;
	v8 =	vadd.f32 $1.000000000e+00, v8;
	v9 =	vadd.f32 $1.000000000e+00, v9  }
0xc2: {  	v11 =	vor.u32 v1, v10  }
0xc3: {  	v29 =	vor.u32 s0, v2;
	(v2sf) =	vpush v7, $0xB;
	v8 =	vmul.f32 v9, v8  }
0xc4: {  	v30 =	vor.u32 s1, v2;
	(v2sf) =	vpush v6, $0xB  }
0xc5: {  	(v2sf) =	vpush v7, $0x4;
	v8 =	vmul.f32 $2.500000000e-01, v8;
	_ =	sdelay $0x1  }
0xc6: {  	(v2sf) =	vpush v6, $0x4;
	[tilespmem:v11+s11+$0x0] =	vst.idx.msk $0xffff, v8  }
0xc7: {  	v8 =	vld.idx.msk [tilespmem:v29+s28+$0x0], $0xffff  }
0xc8: {  	v31 =	vld.idx.msk [tilespmem:v30+s29+$0x0], $0xffff;
	_ =	sdelay $0x4  }
0xc9: {  	v8 =	vadd.f32 $1.000000000e+00, v8;
	v9 =	vadd.f32 $1.000000000e+00, v31  }
0xca: {  	v10 =	vor.u32 v3, v10  }
0xcb: {  	v8 =	vmul.f32 v9, v8;
	_ =	sdelay $0x1  }
0xcc: {  	s5 =	simm.s32 $0xF400;
	s28 =	spop (v2sf);
	v8 =	vmul.f32 $2.500000000e-01, v8  }
0xcd: {  	s16 =	simm.s32 $0x7400;
	s4 =	sand.u32 $0xFFFFF80, s28;
	s29 =	spop (v2sf)  }
0xce: {  	s0 =	sadd.s32 s2, s4;
	s6 =	sand.u32 $0xFFFFF80, s29;
	s7 =	spop (v2sf);
	[tilespmem:v10+s11+$0x0] =	vst.idx.msk $0xffff, v8  }
0xcf: {  	[tilespmem:s16], [sflag:$0x4] =	stream.strided.gather [hbm4b:s0+s11], $0x1000, s17, s11, $0x38;
	[tilespmem:$0x14400] =	vst v63  }
0xd0: {  	s10 =	spop (v2sf);
	s0 =	sadd.s32 s3, s6;
	s16 =	simm.s32 $0x5  }
0xd1: {  	[tilespmem:s5], [sflag:$0xC] =	stream.strided.gather [hbm4b:s0+s11], $0x1000, s17, s11, $0x38;
	[tilespmem:$0x14400] =	vst v63  }
0xd2: {  	s0 =	sand.u32 $0x7F, s7;
	_ =	swait.ge [sflag:s16], $0x1000  }
0xd3: {  	s1 =	sand.u32 $0x7F, s10;
	v32 =	vor.u32 s0, v0;
	[sflag:s16] =	ssyncset.done $0x0  }
0xd4: {  	v33 =	vor.u32 s1, v0;
	s5 =	simm.s32 $0xD;
	[sflag:s16] =	ssyncadd.s32 $0xFFFFF000  }
0xd5: {  	_ =	swait.ge [sflag:s5], $0x1000  }
0xd6: {  	[sflag:s5] =	ssyncset.done $0x0  }
0xd7: {  	[sflag:s5] =	ssyncadd.s32 $0xFFFFF000  }
0xd8: {  	v8 =	vld.idx.msk [tilespmem:v32+s30+$0x0], $0xffff  }
0xd9: {  	v9 =	vld.idx.msk [tilespmem:v33+s31+$0x0], $0xffff  }
0xda: {  	s6 =	sadd.s32 $0xFFFFFFF5, s20  }
0xdb: {  	v34 =	vmov s6  }
0xdc: {  	v35 =	vshll.u32 v34, $0x3  }
0xdd: {  	v10 =	vand.u32 $0x74, v34;
	v11 =	vand.u32 $0xC00, v35  }
0xde: {  	v10 =	vor.u32 v10, v11;
	v8 =	vadd.f32 $1.000000000e+00, v8;
	v9 =	vadd.f32 $1.000000000e+00, v9  }
0xdf: {  	v11 =	vor.u32 v1, v10  }
0xe0: {  	v36 =	vor.u32 s0, v2;
	(v2sf) =	vpush v7, $0xC;
	v8 =	vmul.f32 v9, v8  }
0xe1: {  	v37 =	vor.u32 s1, v2;
	(v2sf) =	vpush v6, $0xC  }
0xe2: {  	(v2sf) =	vpush v7, $0x5;
	v8 =	vmul.f32 $2.500000000e-01, v8;
	_ =	sdelay $0x1  }
0xe3: {  	(v2sf) =	vpush v6, $0x5;
	[tilespmem:v11+s11+$0x0] =	vst.idx.msk $0xffff, v8  }
0xe4: {  	v8 =	vld.idx.msk [tilespmem:v36+s30+$0x0], $0xffff  }
0xe5: {  	v38 =	vld.idx.msk [tilespmem:v37+s31+$0x0], $0xffff;
	_ =	sdelay $0x4  }
0xe6: {  	v8 =	vadd.f32 $1.000000000e+00, v8;
	v9 =	vadd.f32 $1.000000000e+00, v38  }
0xe7: {  	v10 =	vor.u32 v3, v10  }
0xe8: {  	v8 =	vmul.f32 v9, v8;
	_ =	sdelay $0x1  }
0xe9: {  	s7 =	simm.s32 $0x8400;
	s30 =	spop (v2sf);
	v8 =	vmul.f32 $2.500000000e-01, v8  }
0xea: {  	s16 =	simm.s32 $0x10400;
	s10 =	sand.u32 $0xFFFFF80, s30;
	s31 =	spop (v2sf)  }
0xeb: {  	s0 =	sadd.s32 s2, s10;
	s1 =	sand.u32 $0xFFFFF80, s31;
	s5 =	spop (v2sf);
	[tilespmem:v10+s11+$0x0] =	vst.idx.msk $0xffff, v8  }
0xec: {  	[tilespmem:s7], [sflag:$0x5] =	stream.strided.gather [hbm4b:s0+s11], $0x1000, s17, s11, $0x38;
	[tilespmem:$0x14400] =	vst v63  }
0xed: {  	s6 =	spop (v2sf);
	s0 =	sadd.s32 s3, s1;
	s7 =	simm.s32 $0x6  }
0xee: {  	[tilespmem:s16], [sflag:$0xD] =	stream.strided.gather [hbm4b:s0+s11], $0x1000, s17, s11, $0x38;
	[tilespmem:$0x14400] =	vst v63  }
0xef: {  	s0 =	sand.u32 $0x7F, s5;
	_ =	swait.ge [sflag:s7], $0x1000  }
0xf0: {  	s1 =	sand.u32 $0x7F, s6;
	v39 =	vor.u32 s0, v0;
	[sflag:s7] =	ssyncset.done $0x0  }
0xf1: {  	v40 =	vor.u32 s1, v0;
	s16 =	simm.s32 $0xE;
	[sflag:s7] =	ssyncadd.s32 $0xFFFFF000  }
0xf2: {  	_ =	swait.ge [sflag:s16], $0x1000  }
0xf3: {  	[sflag:s16] =	ssyncset.done $0x0  }
0xf4: {  	[sflag:s16] =	ssyncadd.s32 $0xFFFFF000  }
0xf5: {  	v8 =	vld.idx.msk [tilespmem:v39+s8+$0x0], $0xffff  }
0xf6: {  	v9 =	vld.idx.msk [tilespmem:v40+s12+$0x0], $0xffff  }
0xf7: {  	s10 =	sadd.s32 $0xFFFFFFF6, s20  }
0xf8: {  	v41 =	vmov s10  }
0xf9: {  	v42 =	vshll.u32 v41, $0x3  }
0xfa: {  	v11 =	vand.u32 $0xC00, v42;
	v10 =	vand.u32 $0x75, v41  }
0xfb: {  	v10 =	vor.u32 v10, v11;
	v8 =	vadd.f32 $1.000000000e+00, v8;
	v9 =	vadd.f32 $1.000000000e+00, v9  }
0xfc: {  	v11 =	vor.u32 v1, v10  }
0xfd: {  	v43 =	vor.u32 s0, v2;
	(v2sf) =	vpush v7, $0xD;
	v8 =	vmul.f32 v9, v8  }
0xfe: {  	v44 =	vor.u32 s1, v2  }
0xff: {  	(v2sf) =	vpush v6, $0xD;
	v8 =	vmul.f32 $2.500000000e-01, v8;
	_ =	sdelay $0x1  }
0x100: {  	(v2sf) =	vpush v7, $0x6;
	[tilespmem:v11+s11+$0x0] =	vst.idx.msk $0xffff, v8  }
0x101: {  	(v2sf) =	vpush v6, $0x6;
	v8 =	vld.idx.msk [tilespmem:v43+s8+$0x0], $0xffff  }
0x102: {  	v45 =	vld.idx.msk [tilespmem:v44+s12+$0x0], $0xffff;
	_ =	sdelay $0x4  }
0x103: {  	v8 =	vadd.f32 $1.000000000e+00, v8;
	v9 =	vadd.f32 $1.000000000e+00, v45  }
0x104: {  	v10 =	vor.u32 v3, v10  }
0x105: {  	v8 =	vmul.f32 v9, v8;
	_ =	sdelay $0x1  }
0x106: {  	s4 =	spop (v2sf);
	v8 =	vmul.f32 $2.500000000e-01, v8  }
0x107: {  	s5 =	sand.u32 $0xFFFFF80, s4  }
0x108: {  	[dreg:$0xc] =	wrdreg s4;
	s6 =	spop (v2sf);
	s4 =	sadd.s32 s2, s5;
	[tilespmem:v10+s11+$0x0] =	vst.idx.msk $0xffff, v8  }
0x109: {  	[tilespmem:s8], [sflag:$0x6] =	stream.strided.gather [hbm4b:s4+s11], $0x1000, s17, s11, $0x38;
	[tilespmem:$0x14400] =	vst v63  }
0x10a: {  	s10 =	simm.s32 $0x7;
	s7 =	sand.u32 $0xFFFFF80, s6;
	s8 =	spop (v2sf)  }
0x10b: {  	[dreg:$0xe] =	wrdreg s6;
	s4 =	sadd.s32 s3, s7;
	s5 =	spop (v2sf)  }
0x10c: {  	[tilespmem:s12], [sflag:$0xE] =	stream.strided.gather [hbm4b:s4+s11], $0x1000, s17, s11, $0x38;
	[tilespmem:$0x14400] =	vst v63  }
0x10d: {  	s4 =	sand.u32 $0x7F, s8;
	_ =	swait.ge [sflag:s10], $0x1000  }
0x10e: {  	s5 =	sand.u32 $0x7F, s5;
	v46 =	vor.u32 s4, v0;
	[sflag:s10] =	ssyncset.done $0x0  }
0x10f: {  	v47 =	vor.u32 s5, v0;
	[sflag:s10] =	ssyncadd.s32 $0xFFFFF000;
	s10 =	simm.s32 $0xF  }
0x110: {  	_ =	swait.ge [sflag:s10], $0x1000  }
0x111: {  	[sflag:s10] =	ssyncset.done $0x0  }
0x112: {  	s6 =	simm.s32 $0xA400;
	[sflag:s10] =	ssyncadd.s32 $0xFFFFF000  }
0x113: {  	s12 =	simm.s32 $0x12400;
	v8 =	vld.idx.msk [tilespmem:v46+s6+$0x0], $0xffff  }
0x114: {  	v9 =	vld.idx.msk [tilespmem:v47+s12+$0x0], $0xffff  }
0x115: {  	s1 =	sadd.s32 $0xFFFFFFF7, s20  }
0x116: {  	v48 =	vmov s1  }
0x117: {  	v49 =	vshll.u32 v48, $0x3  }
0x118: {  	v11 =	vand.u32 $0xC00, v49;
	v10 =	vand.u32 $0x76, v48  }
0x119: {  	v10 =	vor.u32 v10, v11;
	v8 =	vadd.f32 $1.000000000e+00, v8;
	v9 =	vadd.f32 $1.000000000e+00, v9  }
0x11a: {  	v11 =	vor.u32 v1, v10  }
0x11b: {  	v50 =	vor.u32 s4, v2;
	(v2sf) =	vpush v7, $0xE;
	v8 =	vmul.f32 v9, v8  }
0x11c: {  	v51 =	vor.u32 s5, v2;
	(v2sf) =	vpush v6, $0xE  }
0x11d: {  	v8 =	vmul.f32 $2.500000000e-01, v8;
	_ =	sdelay $0x1  }
0x11e: {  	s7 =	simm.s32 $0xA400;
	[tilespmem:v11+s11+$0x0] =	vst.idx.msk $0xffff, v8  }
0x11f: {  	s0 =	simm.s32 $0x12400;
	v8 =	vld.idx.msk [tilespmem:v50+s7+$0x0], $0xffff  }
0x120: {  	(v2sf) =	vpush v7, $0x7;
	v52 =	vld.idx.msk [tilespmem:v51+s0+$0x0], $0xffff  }
0x121: {  	(v2sf) =	vpush v6, $0x7;
	_ =	sdelay $0x3  }
0x122: {  	v8 =	vadd.f32 $1.000000000e+00, v8;
	v9 =	vadd.f32 $1.000000000e+00, v52  }
0x123: {  	v10 =	vor.u32 v3, v10  }
0x124: {  	v8 =	vmul.f32 v9, v8;
	_ =	sdelay $0x1  }
0x125: {  	s4 =	spop (v2sf);
	v8 =	vmul.f32 $2.500000000e-01, v8  }
0x126: {  	[dreg:$0xd] =	wrdreg s4;
	s5 =	sand.u32 $0xFFFFF80, s4;
	s4 =	spop (v2sf)  }
0x127: {  	s6 =	sadd.s32 s2, s5;
	s8 =	sand.u32 $0xFFFFF80, s4;
	[tilespmem:v10+s11+$0x0] =	vst.idx.msk $0xffff, v8  }
0x128: {  	[tilespmem:s7], [sflag:$0x7] =	stream.strided.gather [hbm4b:s6+s11], $0x1000, s17, s11, $0x38;
	[tilespmem:$0x14400] =	vst v63  }
0x129: {  	s12 =	simm.s32 $0x12400;
	s6 =	sadd.s32 s3, s8  }
0x12a: {  	[tilespmem:s12], [sflag:$0xF] =	stream.strided.gather [hbm4b:s6+s11], $0x1000, s17, s11, $0x38;
	[tilespmem:$0x14400] =	vst v63  }
0x12b: {  	s12 =	spop (v2sf)  }
0x12c: {  	s0 =	spop (v2sf)  }
0x12d: {  	s6 =	sand.u32 $0x7F, s12;
	_ =	swait.ge [sflag:s15], $0x1000  }
0x12e: {  	s7 =	sand.u32 $0x7F, s0;
	v53 =	vor.u32 s6, v0;
	[sflag:s15] =	ssyncset.done $0x0  }
0x12f: {  	s5 =	simm.s32 $0x10;
	v54 =	vor.u32 s7, v0;
	[sflag:s15] =	ssyncadd.s32 $0xFFFFF000  }
0x130: {  	_ =	swait.ge [sflag:s5], $0x1000  }
0x131: {  	[sflag:s5] =	ssyncset.done $0x0  }
0x132: {  	s1 =	simm.s32 $0xB400;
	[sflag:s5] =	ssyncadd.s32 $0xFFFFF000  }
0x133: {  	s12 =	simm.s32 $0x13400;
	v8 =	vld.idx.msk [tilespmem:v53+s1+$0x0], $0xffff  }
0x134: {  	v9 =	vld.idx.msk [tilespmem:v54+s12+$0x0], $0xffff  }
0x135: {  	s8 =	sadd.s32 $0xFFFFFFF8, s20  }
0x136: {  	v55 =	vmov s8  }
0x137: {  	v56 =	vshll.u32 v55, $0x3  }
0x138: {  	v10 =	vand.u32 $0x77, v55;
	v11 =	vand.u32 $0xC00, v56  }
0x139: {  	v10 =	vor.u32 v10, v11;
	v8 =	vadd.f32 $1.000000000e+00, v8;
	v9 =	vadd.f32 $1.000000000e+00, v9  }
0x13a: {  	v11 =	vor.u32 v1, v10  }
0x13b: {  	v57 =	vor.u32 s6, v2;
	(v2sf) =	vpush v7, $0xF;
	v8 =	vmul.f32 v9, v8  }
0x13c: {  	v58 =	vor.u32 s7, v2  }
0x13d: {  	(v2sf) =	vpush v6, $0xF;
	v59 =	vmul.f32 $2.500000000e-01, v8;
	_ =	sdelay $0x1  }
0x13e: {  	s0 =	simm.s32 $0xB400;
	[tilespmem:v11+s11+$0x0] =	vst.idx.msk $0xffff, v59  }
0x13f: {  	s1 =	simm.s32 $0x13400;
	v6 =	vld.idx.msk [tilespmem:v57+s0+$0x0], $0xffff  }
0x140: {  	v7 =	vld.idx.msk [tilespmem:v58+s1+$0x0], $0xffff;
	_ =	sdelay $0x4  }
0x141: {  	v6 =	vadd.f32 $1.000000000e+00, v6;
	v7 =	vadd.f32 $1.000000000e+00, v7  }
0x142: {  	v60 =	vor.u32 v3, v10  }
0x143: {  	v6 =	vmul.f32 v7, v6;
	_ =	sdelay $0x1  }
0x144: {  	s6 =	spop (v2sf);
	v6 =	vmul.f32 $2.500000000e-01, v6  }
0x145: {  	s8 =	sand.u32 $0xFFFFF80, s6  }
0x146: {  	s7 =	spop (v2sf);
	s8 =	sadd.s32 s2, s8;
	[tilespmem:v60+s11+$0x0] =	vst.idx.msk $0xffff, v6  }
0x147: {  	[tilespmem:s0], [sflag:$0x8] =	stream.strided.gather [hbm4b:s8+s11], $0x1000, s17, s11, $0x38;
	[tilespmem:$0x14400] =	vst v63  }
0x148: {  	s0 =	sand.u32 $0xFFFFF80, s7  }
0x149: {  	s13 =	simm.s32 $0x1;
	s8 =	sadd.s32 s3, s0  }
0x14a: {  	[tilespmem:s1], [sflag:$0x10] =	stream.strided.gather [hbm4b:s8+s11], $0x1000, s17, s11, $0x38;
	[tilespmem:$0x14400] =	vst v63  }
0x14b: {  	s8 =	sand.u32 $0x7F, s23;
	_ =	swait.ge [sflag:s13], $0x1000  }
0x14c: {  	s23 =	sand.u32 $0x7F, s25;
	v61 =	vor.u32 s8, v0;
	[sflag:s13] =	ssyncset.done $0x0  }
0x14d: {  	v62 =	vor.u32 s23, v0;
	[sflag:s13] =	ssyncadd.s32 $0xFFFFF000;
	s13 =	simm.s32 $0x9  }
0x14e: {  	_ =	swait.ge [sflag:s13], $0x1000  }
0x14f: {  	[sflag:s13] =	ssyncset.done $0x0  }
0x150: {  	[sflag:s13] =	ssyncadd.s32 $0xFFFFF000  }
0x151: {  	s0 =	simm.s32 $0xC400;
	v6 =	vld.idx.msk [tilespmem:v61+s9+$0x0], $0xffff  }
0x152: {  	v7 =	vld.idx.msk [tilespmem:v62+s0+$0x0], $0xffff  }
0x153: {  	s1 =	sadd.s32 $0xFFFFFFF9, s20  }
0x154: {  	v63 =	vmov s1  }
0x155: {  	v12 =	vshll.u32 v63, $0x3  }
0x156: {  	v8 =	vand.u32 $0x78, v63;
	v9 =	vand.u32 $0xC00, v12  }
0x157: {  	v8 =	vor.u32 v8, v9;
	v6 =	vadd.f32 $1.000000000e+00, v6;
	v7 =	vadd.f32 $1.000000000e+00, v7  }
0x158: {  	p0 =	seq.s32 s20, $0x1FF;
	v9 =	vor.u32 v1, v8  }
0x159: {  	v13 =	vor.u32 s8, v2;
	(v2sf) =	vpush @!p0 v5, $0x0;
	v6 =	vmul.f32 v7, v6  }
0x15a: {  	v14 =	vor.u32 s23, v2  }
0x15b: {  	v6 =	vmul.f32 $2.500000000e-01, v6;
	_ =	sdelay $0x1  }
0x15c: {  	(v2sf) =	vpush @!p0 v4, $0x0;
	[tilespmem:v9+s11+$0x0] =	vst.idx.msk $0xffff, v6  }
0x15d: {  	v6 =	vld.idx.msk [tilespmem:v13+s9+$0x0], $0xffff  }
0x15e: {  	v15 =	vld.idx.msk [tilespmem:v14+s0+$0x0], $0xffff;
	_ =	sdelay $0x4  }
0x15f: {  	v6 =	vadd.f32 $1.000000000e+00, v6;
	v7 =	vadd.f32 $1.000000000e+00, v15  }
0x160: {  	v8 =	vor.u32 v3, v8  }
0x161: {  	v6 =	vmul.f32 v7, v6;
	_ =	sdelay $0x1  }
0x162: {  	s8 =	spop @!p0 (v2sf);
	v6 =	vmul.f32 $2.500000000e-01, v6  }
0x163: {  	s25 =	simm.s32 @!p0 $0x7A1400;
	s8 =	sand.u32 @!p0 $0xFFFFF80, s8  }
0x164: {  	s23 =	simm.s32 @!p0 $0x400;
	s9 =	simm.s32 @!p0 $0x4400;
	s8 =	sadd.s32 @!p0 s2, s8;
	[tilespmem:v8+s11+$0x0] =	vst.idx.msk $0xffff, v6  }
0x165: {  	[tilespmem:s9], [sflag:$0x1] =	stream.strided.gather @!p0 [hbm4b:s8+s23], $0x1000, s25, s23, $0x38;
	[tilespmem:$0x14400] =	vst v63  }
0x166: {  	s8 =	spop @!p0 (v2sf)  }
0x167: {  	s8 =	sand.u32 @!p0 $0xFFFFF80, s8  }
0x168: {  	s9 =	simm.s32 @!p0 $0xC400;
	s8 =	sadd.s32 @!p0 s3, s8  }
0x169: {  	[tilespmem:s9], [sflag:$0x9] =	stream.strided.gather @!p0 [hbm4b:s8+s23], $0x1000, s25, s23, $0x38;
	[tilespmem:$0x14400] =	vst v63  }
0x16a: {  	s1 =	simm.s32 $0x2;
	s9 =	rddreg [dreg:$0xb]  }
0x16b: {  	s8 =	sand.u32 $0x7F, s9;
	_ =	swait.ge [sflag:s1], $0x1000  }
0x16c: {  	s9 =	sand.u32 $0x7F, s22;
	[sflag:s1] =	ssyncset.done $0x0;
	s1 =	simm.s32 $0x2;
	v16 =	vor.u32 s8, v0  }
0x16d: {  	v17 =	vor.u32 s9, v0;
	[sflag:s1] =	ssyncadd.s32 $0xFFFFF000  }
0x16e: {  	_ =	swait.ge [sflag:s21], $0x1000  }
0x16f: {  	[sflag:s21] =	ssyncset.done $0x0  }
0x170: {  	s22 =	simm.s32 $0x5400;
	[sflag:s21] =	ssyncadd.s32 $0xFFFFF000  }
0x171: {  	s0 =	simm.s32 $0xD400;
	v6 =	vld.idx.msk [tilespmem:v16+s22+$0x0], $0xffff  }
0x172: {  	v7 =	vld.idx.msk [tilespmem:v17+s0+$0x0], $0xffff  }
0x173: {  	s1 =	sadd.s32 $0xFFFFFFFA, s20  }
0x174: {  	v18 =	vmov s1  }
0x175: {  	v19 =	vshll.u32 v18, $0x3  }
0x176: {  	v8 =	vand.u32 $0x79, v18;
	v9 =	vand.u32 $0xC00, v19  }
0x177: {  	v8 =	vor.u32 v8, v9;
	v6 =	vadd.f32 $1.000000000e+00, v6;
	v7 =	vadd.f32 $1.000000000e+00, v7  }
0x178: {  	v9 =	vor.u32 v1, v8  }
0x179: {  	v20 =	vor.u32 s8, v2;
	(v2sf) =	vpush @!p0 v5, $0x1;
	v6 =	vmul.f32 v7, v6  }
0x17a: {  	v21 =	vor.u32 s9, v2  }
0x17b: {  	v6 =	vmul.f32 $2.500000000e-01, v6;
	_ =	sdelay $0x1  }
0x17c: {  	(v2sf) =	vpush @!p0 v4, $0x1;
	[tilespmem:v9+s11+$0x0] =	vst.idx.msk $0xffff, v6  }
0x17d: {  	v6 =	vld.idx.msk [tilespmem:v20+s22+$0x0], $0xffff  }
0x17e: {  	v22 =	vld.idx.msk [tilespmem:v21+s0+$0x0], $0xffff;
	_ =	sdelay $0x4  }
0x17f: {  	v6 =	vadd.f32 $1.000000000e+00, v6;
	v7 =	vadd.f32 $1.000000000e+00, v22  }
0x180: {  	v8 =	vor.u32 v3, v8  }
0x181: {  	v6 =	vmul.f32 v7, v6;
	_ =	sdelay $0x1  }
0x182: {  	s8 =	spop @!p0 (v2sf);
	v6 =	vmul.f32 $2.500000000e-01, v6  }
0x183: {  	s8 =	sand.u32 @!p0 $0xFFFFF80, s8  }
0x184: {  	s9 =	simm.s32 @!p0 $0x5400;
	s8 =	sadd.s32 @!p0 s2, s8;
	[tilespmem:v8+s11+$0x0] =	vst.idx.msk $0xffff, v6  }
0x185: {  	[tilespmem:s9], [sflag:$0x2] =	stream.strided.gather @!p0 [hbm4b:s8+s23], $0x1000, s25, s23, $0x38;
	[tilespmem:$0x14400] =	vst v63  }
0x186: {  	s8 =	spop @!p0 (v2sf)  }
0x187: {  	s8 =	sand.u32 @!p0 $0xFFFFF80, s8  }
0x188: {  	s9 =	simm.s32 @!p0 $0xD400;
	s8 =	sadd.s32 @!p0 s3, s8  }
0x189: {  	[tilespmem:s9], [sflag:$0xA] =	stream.strided.gather @!p0 [hbm4b:s8+s23], $0x1000, s25, s23, $0x38;
	[tilespmem:$0x14400] =	vst v63  }
0x18a: {  	s8 =	sand.u32 $0x7F, s24;
	_ =	swait.ge [sflag:s14], $0x1000  }
0x18b: {  	s9 =	sand.u32 $0x7F, s26;
	v23 =	vor.u32 s8, v0;
	[sflag:s14] =	ssyncset.done $0x0  }
0x18c: {  	s21 =	simm.s32 $0xB;
	v24 =	vor.u32 s9, v0;
	[sflag:s14] =	ssyncadd.s32 $0xFFFFF000  }
0x18d: {  	s14 =	rddreg [dreg:$0xa];
	_ =	swait.ge [sflag:s21], $0x1000  }
0x18e: {  	[sflag:s21] =	ssyncset.done $0x0  }
0x18f: {  	s24 =	simm.s32 $0x6400;
	[sflag:s21] =	ssyncadd.s32 $0xFFFFF000  }
0x190: {  	s26 =	simm.s32 $0xE400;
	v6 =	vld.idx.msk [tilespmem:v23+s24+$0x0], $0xffff  }
0x191: {  	v7 =	vld.idx.msk [tilespmem:v24+s26+$0x0], $0xffff  }
0x192: {  	s1 =	sadd.s32 $0xFFFFFFFB, s20  }
0x193: {  	v25 =	vmov s1  }
0x194: {  	v26 =	vshll.u32 v25, $0x3  }
0x195: {  	v9 =	vand.u32 $0xC00, v26;
	v8 =	vand.u32 $0x7A, v25  }
0x196: {  	v8 =	vor.u32 v8, v9;
	v6 =	vadd.f32 $1.000000000e+00, v6;
	v7 =	vadd.f32 $1.000000000e+00, v7  }
0x197: {  	v9 =	vor.u32 v1, v8  }
0x198: {  	v27 =	vor.u32 s8, v2;
	(v2sf) =	vpush @!p0 v5, $0x2;
	v6 =	vmul.f32 v7, v6  }
0x199: {  	v28 =	vor.u32 s9, v2  }
0x19a: {  	v6 =	vmul.f32 $2.500000000e-01, v6;
	_ =	sdelay $0x1  }
0x19b: {  	(v2sf) =	vpush @!p0 v4, $0x2;
	[tilespmem:v9+s11+$0x0] =	vst.idx.msk $0xffff, v6  }
0x19c: {  	v6 =	vld.idx.msk [tilespmem:v27+s24+$0x0], $0xffff  }
0x19d: {  	v29 =	vld.idx.msk [tilespmem:v28+s26+$0x0], $0xffff;
	_ =	sdelay $0x4  }
0x19e: {  	v6 =	vadd.f32 $1.000000000e+00, v6;
	v7 =	vadd.f32 $1.000000000e+00, v29  }
0x19f: {  	v8 =	vor.u32 v3, v8  }
0x1a0: {  	v6 =	vmul.f32 v7, v6;
	_ =	sdelay $0x1  }
0x1a1: {  	s8 =	spop @!p0 (v2sf);
	v6 =	vmul.f32 $2.500000000e-01, v6  }
0x1a2: {  	s8 =	sand.u32 @!p0 $0xFFFFF80, s8  }
0x1a3: {  	s9 =	simm.s32 @!p0 $0x6400;
	s8 =	sadd.s32 @!p0 s2, s8;
	[tilespmem:v8+s11+$0x0] =	vst.idx.msk $0xffff, v6  }
0x1a4: {  	[tilespmem:s9], [sflag:$0x3] =	stream.strided.gather @!p0 [hbm4b:s8+s23], $0x1000, s25, s23, $0x38;
	[tilespmem:$0x14400] =	vst v63  }
0x1a5: {  	s8 =	spop @!p0 (v2sf)  }
0x1a6: {  	s8 =	sand.u32 @!p0 $0xFFFFF80, s8  }
0x1a7: {  	s21 =	simm.s32 $0x4;
	s9 =	simm.s32 @!p0 $0xE400;
	s8 =	sadd.s32 @!p0 s3, s8  }
0x1a8: {  	[tilespmem:s9], [sflag:$0xB] =	stream.strided.gather @!p0 [hbm4b:s8+s23], $0x1000, s25, s23, $0x38;
	[tilespmem:$0x14400] =	vst v63  }
0x1a9: {  	s8 =	sand.u32 $0x7F, s28;
	_ =	swait.ge [sflag:s21], $0x1000  }
0x1aa: {  	s1 =	simm.s32 $0x4;
	s9 =	sand.u32 $0x7F, s29;
	v30 =	vor.u32 s8, v0;
	[sflag:s21] =	ssyncset.done $0x0  }
0x1ab: {  	v31 =	vor.u32 s9, v0;
	s21 =	simm.s32 $0xC;
	[sflag:s1] =	ssyncadd.s32 $0xFFFFF000  }
0x1ac: {  	_ =	swait.ge [sflag:s21], $0x1000  }
0x1ad: {  	[sflag:s21] =	ssyncset.done $0x0  }
0x1ae: {  	s28 =	simm.s32 $0x7400;
	[sflag:s21] =	ssyncadd.s32 $0xFFFFF000  }
0x1af: {  	s29 =	simm.s32 $0xF400;
	v6 =	vld.idx.msk [tilespmem:v30+s28+$0x0], $0xffff  }
0x1b0: {  	v7 =	vld.idx.msk [tilespmem:v31+s29+$0x0], $0xffff  }
0x1b1: {  	s1 =	sadd.s32 $0xFFFFFFFC, s20  }
0x1b2: {  	v32 =	vmov s1  }
0x1b3: {  	v33 =	vshll.u32 v32, $0x3  }
0x1b4: {  	v8 =	vand.u32 $0x7B, v32;
	v9 =	vand.u32 $0xC00, v33  }
0x1b5: {  	v8 =	vor.u32 v8, v9;
	v6 =	vadd.f32 $1.000000000e+00, v6;
	v7 =	vadd.f32 $1.000000000e+00, v7  }
0x1b6: {  	v9 =	vor.u32 v1, v8  }
0x1b7: {  	v34 =	vor.u32 s8, v2;
	(v2sf) =	vpush @!p0 v5, $0x3;
	v6 =	vmul.f32 v7, v6  }
0x1b8: {  	v35 =	vor.u32 s9, v2  }
0x1b9: {  	v6 =	vmul.f32 $2.500000000e-01, v6;
	_ =	sdelay $0x1  }
0x1ba: {  	(v2sf) =	vpush @!p0 v4, $0x3;
	[tilespmem:v9+s11+$0x0] =	vst.idx.msk $0xffff, v6  }
0x1bb: {  	v6 =	vld.idx.msk [tilespmem:v34+s28+$0x0], $0xffff  }
0x1bc: {  	v36 =	vld.idx.msk [tilespmem:v35+s29+$0x0], $0xffff;
	_ =	sdelay $0x4  }
0x1bd: {  	v6 =	vadd.f32 $1.000000000e+00, v6;
	v7 =	vadd.f32 $1.000000000e+00, v36  }
0x1be: {  	v8 =	vor.u32 v3, v8  }
0x1bf: {  	v6 =	vmul.f32 v7, v6;
	_ =	sdelay $0x1  }
0x1c0: {  	s8 =	spop @!p0 (v2sf);
	v6 =	vmul.f32 $2.500000000e-01, v6  }
0x1c1: {  	s8 =	sand.u32 @!p0 $0xFFFFF80, s8  }
0x1c2: {  	s9 =	simm.s32 @!p0 $0x7400;
	s8 =	sadd.s32 @!p0 s2, s8;
	[tilespmem:v8+s11+$0x0] =	vst.idx.msk $0xffff, v6  }
0x1c3: {  	[tilespmem:s9], [sflag:$0x4] =	stream.strided.gather @!p0 [hbm4b:s8+s23], $0x1000, s25, s23, $0x38;
	[tilespmem:$0x14400] =	vst v63  }
0x1c4: {  	s8 =	spop @!p0 (v2sf)  }
0x1c5: {  	s8 =	sand.u32 @!p0 $0xFFFFF80, s8  }
0x1c6: {  	s21 =	simm.s32 $0x5;
	s9 =	simm.s32 @!p0 $0xF400;
	s8 =	sadd.s32 @!p0 s3, s8  }
0x1c7: {  	[tilespmem:s9], [sflag:$0xC] =	stream.strided.gather @!p0 [hbm4b:s8+s23], $0x1000, s25, s23, $0x38;
	[tilespmem:$0x14400] =	vst v63  }
0x1c8: {  	s8 =	sand.u32 $0x7F, s30;
	_ =	swait.ge [sflag:s21], $0x1000  }
0x1c9: {  	s1 =	simm.s32 $0x5;
	s9 =	sand.u32 $0x7F, s31;
	v37 =	vor.u32 s8, v0;
	[sflag:s21] =	ssyncset.done $0x0  }
0x1ca: {  	v38 =	vor.u32 s9, v0;
	s21 =	simm.s32 $0xD;
	[sflag:s1] =	ssyncadd.s32 $0xFFFFF000  }
0x1cb: {  	_ =	swait.ge [sflag:s21], $0x1000  }
0x1cc: {  	[sflag:s21] =	ssyncset.done $0x0  }
0x1cd: {  	s30 =	simm.s32 $0x8400;
	[sflag:s21] =	ssyncadd.s32 $0xFFFFF000  }
0x1ce: {  	s31 =	simm.s32 $0x10400;
	v6 =	vld.idx.msk [tilespmem:v37+s30+$0x0], $0xffff  }
0x1cf: {  	v7 =	vld.idx.msk [tilespmem:v38+s31+$0x0], $0xffff  }
0x1d0: {  	s1 =	sadd.s32 $0xFFFFFFFD, s20  }
0x1d1: {  	v39 =	vmov s1  }
0x1d2: {  	v40 =	vshll.u32 v39, $0x3  }
0x1d3: {  	v8 =	vand.u32 $0x7C, v39;
	v9 =	vand.u32 $0xC00, v40  }
0x1d4: {  	v8 =	vor.u32 v8, v9;
	v6 =	vadd.f32 $1.000000000e+00, v6;
	v7 =	vadd.f32 $1.000000000e+00, v7  }
0x1d5: {  	v9 =	vor.u32 v1, v8  }
0x1d6: {  	v41 =	vor.u32 s8, v2;
	(v2sf) =	vpush @!p0 v5, $0x4;
	v6 =	vmul.f32 v7, v6  }
0x1d7: {  	v42 =	vor.u32 s9, v2  }
0x1d8: {  	v6 =	vmul.f32 $2.500000000e-01, v6;
	_ =	sdelay $0x1  }
0x1d9: {  	(v2sf) =	vpush @!p0 v4, $0x4;
	[tilespmem:v9+s11+$0x0] =	vst.idx.msk $0xffff, v6  }
0x1da: {  	v6 =	vld.idx.msk [tilespmem:v41+s30+$0x0], $0xffff  }
0x1db: {  	v43 =	vld.idx.msk [tilespmem:v42+s31+$0x0], $0xffff;
	_ =	sdelay $0x4  }
0x1dc: {  	v6 =	vadd.f32 $1.000000000e+00, v6;
	v7 =	vadd.f32 $1.000000000e+00, v43  }
0x1dd: {  	v8 =	vor.u32 v3, v8  }
0x1de: {  	v6 =	vmul.f32 v7, v6;
	_ =	sdelay $0x1  }
0x1df: {  	s8 =	spop @!p0 (v2sf);
	v6 =	vmul.f32 $2.500000000e-01, v6  }
0x1e0: {  	s8 =	sand.u32 @!p0 $0xFFFFF80, s8  }
0x1e1: {  	s9 =	simm.s32 @!p0 $0x8400;
	s8 =	sadd.s32 @!p0 s2, s8;
	[tilespmem:v8+s11+$0x0] =	vst.idx.msk $0xffff, v6  }
0x1e2: {  	[tilespmem:s9], [sflag:$0x5] =	stream.strided.gather @!p0 [hbm4b:s8+s23], $0x1000, s25, s23, $0x38;
	[tilespmem:$0x14400] =	vst v63  }
0x1e3: {  	s8 =	spop @!p0 (v2sf)  }
0x1e4: {  	s8 =	sand.u32 @!p0 $0xFFFFF80, s8  }
0x1e5: {  	s9 =	simm.s32 @!p0 $0x10400;
	s8 =	sadd.s32 @!p0 s3, s8  }
0x1e6: {  	[tilespmem:s9], [sflag:$0xD] =	stream.strided.gather @!p0 [hbm4b:s8+s23], $0x1000, s25, s23, $0x38;
	[tilespmem:$0x14400] =	vst v63  }
0x1e7: {  	s8 =	rddreg [dreg:$0xc]  }
0x1e8: {  	s0 =	sand.u32 $0x7F, s8;
	s8 =	simm.s32 $0x6  }
0x1e9: {  	_ =	swait.ge [sflag:s8], $0x1000  }
0x1ea: {  	s1 =	rddreg [dreg:$0xe]  }
0x1eb: {  	v44 =	vor.u32 s0, v0;
	[sflag:s8] =	ssyncset.done $0x0;
	s8 =	simm.s32 $0x6;
	s1 =	sand.u32 $0x7F, s1  }
0x1ec: {  	[sflag:s8] =	ssyncadd.s32 $0xFFFFF000;
	v45 =	vor.u32 s1, v0  }
0x1ed: {  	_ =	swait.ge [sflag:s16], $0x1000  }
0x1ee: {  	[sflag:s16] =	ssyncset.done $0x0  }
0x1ef: {  	s12 =	simm.s32 $0x9400;
	[sflag:s16] =	ssyncadd.s32 $0xFFFFF000  }
0x1f0: {  	v6 =	vld.idx.msk [tilespmem:v44+s12+$0x0], $0xffff;
	s12 =	simm.s32 $0x11400  }
0x1f1: {  	v7 =	vld.idx.msk [tilespmem:v45+s12+$0x0], $0xffff  }
0x1f2: {  	s16 =	sadd.s32 $0xFFFFFFFE, s20  }
0x1f3: {  	v46 =	vmov s16  }
0x1f4: {  	v47 =	vshll.u32 v46, $0x3  }
0x1f5: {  	v8 =	vand.u32 $0x7D, v46;
	v9 =	vand.u32 $0xC00, v47  }
0x1f6: {  	v8 =	vor.u32 v8, v9;
	v6 =	vadd.f32 $1.000000000e+00, v6;
	v7 =	vadd.f32 $1.000000000e+00, v7  }
0x1f7: {  	v9 =	vor.u32 v1, v8  }
0x1f8: {  	v48 =	vor.u32 s0, v2;
	(v2sf) =	vpush @!p0 v5, $0x5;
	v6 =	vmul.f32 v7, v6  }
0x1f9: {  	v49 =	vor.u32 s1, v2  }
0x1fa: {  	v6 =	vmul.f32 $2.500000000e-01, v6;
	_ =	sdelay $0x1  }
0x1fb: {  	s8 =	simm.s32 $0x9400;
	(v2sf) =	vpush @!p0 v4, $0x5;
	[tilespmem:v9+s11+$0x0] =	vst.idx.msk $0xffff, v6  }
0x1fc: {  	v6 =	vld.idx.msk [tilespmem:v48+s8+$0x0], $0xffff  }
0x1fd: {  	v50 =	vld.idx.msk [tilespmem:v49+s12+$0x0], $0xffff;
	_ =	sdelay $0x4  }
0x1fe: {  	v6 =	vadd.f32 $1.000000000e+00, v6;
	v7 =	vadd.f32 $1.000000000e+00, v50  }
0x1ff: {  	v8 =	vor.u32 v3, v8  }
0x200: {  	v6 =	vmul.f32 v7, v6;
	_ =	sdelay $0x1  }
0x201: {  	s0 =	spop @!p0 (v2sf);
	v6 =	vmul.f32 $2.500000000e-01, v6  }
0x202: {  	s0 =	sand.u32 @!p0 $0xFFFFF80, s0  }
0x203: {  	s1 =	simm.s32 @!p0 $0x9400;
	s0 =	sadd.s32 @!p0 s2, s0;
	[tilespmem:v8+s11+$0x0] =	vst.idx.msk $0xffff, v6  }
0x204: {  	[tilespmem:s1], [sflag:$0x6] =	stream.strided.gather @!p0 [hbm4b:s0+s23], $0x1000, s25, s23, $0x38;
	[tilespmem:$0x14400] =	vst v63  }
0x205: {  	s0 =	spop @!p0 (v2sf)  }
0x206: {  	s0 =	sand.u32 @!p0 $0xFFFFF80, s0  }
0x207: {  	s1 =	simm.s32 @!p0 $0x11400;
	s0 =	sadd.s32 @!p0 s3, s0  }
0x208: {  	[tilespmem:s1], [sflag:$0xE] =	stream.strided.gather @!p0 [hbm4b:s0+s23], $0x1000, s25, s23, $0x38;
	[tilespmem:$0x14400] =	vst v63  }
0x209: {  	s16 =	simm.s32 $0x7;
	s1 =	rddreg [dreg:$0xd]  }
0x20a: {  	s0 =	sand.u32 $0x7F, s1;
	_ =	swait.ge [sflag:s16], $0x1000  }
0x20b: {  	s1 =	sand.u32 $0x7F, s4;
	[sflag:s16] =	ssyncset.done $0x0;
	s16 =	simm.s32 $0x7;
	v51 =	vor.u32 s0, v0  }
0x20c: {  	v52 =	vor.u32 s1, v0;
	[sflag:s16] =	ssyncadd.s32 $0xFFFFF000  }
0x20d: {  	_ =	swait.ge [sflag:s10], $0x1000  }
0x20e: {  	[sflag:s10] =	ssyncset.done $0x0  }
0x20f: {  	[sflag:s10] =	ssyncadd.s32 $0xFFFFF000;
	s10 =	simm.s32 $0xA400  }
0x210: {  	s16 =	simm.s32 $0x12400;
	v6 =	vld.idx.msk [tilespmem:v51+s10+$0x0], $0xffff  }
0x211: {  	v7 =	vld.idx.msk [tilespmem:v52+s16+$0x0], $0xffff  }
0x212: {  	s4 =	sadd.s32 $0xFFFFFFFF, s20  }
0x213: {  	v53 =	vmov s4  }
0x214: {  	v54 =	vshll.u32 v53, $0x3  }
0x215: {  	v8 =	vand.u32 $0x7E, v53;
	v9 =	vand.u32 $0xC00, v54  }
0x216: {  	v8 =	vor.u32 v8, v9;
	v6 =	vadd.f32 $1.000000000e+00, v6;
	v7 =	vadd.f32 $1.000000000e+00, v7  }
0x217: {  	v9 =	vor.u32 v1, v8  }
0x218: {  	v55 =	vor.u32 s0, v2;
	(v2sf) =	vpush @!p0 v5, $0x6;
	v6 =	vmul.f32 v7, v6  }
0x219: {  	v56 =	vor.u32 s1, v2  }
0x21a: {  	v6 =	vmul.f32 $2.500000000e-01, v6;
	_ =	sdelay $0x1  }
0x21b: {  	(v2sf) =	vpush @!p0 v4, $0x6;
	[tilespmem:v9+s11+$0x0] =	vst.idx.msk $0xffff, v6  }
0x21c: {  	v6 =	vld.idx.msk [tilespmem:v55+s10+$0x0], $0xffff  }
0x21d: {  	v57 =	vld.idx.msk [tilespmem:v56+s16+$0x0], $0xffff;
	_ =	sdelay $0x4  }
0x21e: {  	v6 =	vadd.f32 $1.000000000e+00, v6;
	v7 =	vadd.f32 $1.000000000e+00, v57  }
0x21f: {  	v8 =	vor.u32 v3, v8  }
0x220: {  	v6 =	vmul.f32 v7, v6;
	_ =	sdelay $0x1  }
0x221: {  	s0 =	spop @!p0 (v2sf);
	v6 =	vmul.f32 $2.500000000e-01, v6  }
0x222: {  	s0 =	sand.u32 @!p0 $0xFFFFF80, s0  }
0x223: {  	s1 =	simm.s32 @!p0 $0xA400;
	s0 =	sadd.s32 @!p0 s2, s0;
	[tilespmem:v8+s11+$0x0] =	vst.idx.msk $0xffff, v6  }
0x224: {  	[tilespmem:s1], [sflag:$0x7] =	stream.strided.gather @!p0 [hbm4b:s0+s23], $0x1000, s25, s23, $0x38;
	[tilespmem:$0x14400] =	vst v63  }
0x225: {  	s0 =	spop @!p0 (v2sf)  }
0x226: {  	s0 =	sand.u32 @!p0 $0xFFFFF80, s0  }
0x227: {  	s1 =	simm.s32 @!p0 $0x12400;
	s0 =	sadd.s32 @!p0 s3, s0  }
0x228: {  	[tilespmem:s1], [sflag:$0xF] =	stream.strided.gather @!p0 [hbm4b:s0+s23], $0x1000, s25, s23, $0x38;
	[tilespmem:$0x14400] =	vst v63  }
0x229: {  	s6 =	sand.u32 $0x7F, s6;
	_ =	swait.ge [sflag:s15], $0x1000  }
0x22a: {  	v58 =	vor.u32 s6, v0;
	s7 =	sand.u32 $0x7F, s7;
	[sflag:s15] =	ssyncset.done $0x0  }
0x22b: {  	v59 =	vor.u32 s7, v0;
	[sflag:s15] =	ssyncadd.s32 $0xFFFFF000  }
0x22c: {  	_ =	swait.ge [sflag:s5], $0x1000  }
0x22d: {  	[sflag:s5] =	ssyncset.done $0x0  }
0x22e: {  	s10 =	simm.s32 $0xB400;
	[sflag:s5] =	ssyncadd.s32 $0xFFFFF000  }
0x22f: {  	s16 =	simm.s32 $0x13400;
	v6 =	vld.idx.msk [tilespmem:v58+s10+$0x0], $0xffff  }
0x230: {  	v7 =	vld.idx.msk [tilespmem:v59+s16+$0x0], $0xffff;
	_ =	sdelay $0x1  }
0x231: {  	v60 =	vmov s20  }
0x232: {  	v61 =	vshll.u32 v60, $0x3  }
0x233: {  	v9 =	vand.u32 $0xC00, v61;
	v8 =	vand.u32 $0x7F, v60  }
0x234: {  	v8 =	vor.u32 v8, v9;
	v6 =	vadd.f32 $1.000000000e+00, v6;
	v7 =	vadd.f32 $1.000000000e+00, v7  }
0x235: {  	v9 =	vor.u32 v1, v8  }
0x236: {  	v62 =	vor.u32 s6, v2;
	(v2sf) =	vpush @!p0 v5, $0x7;
	v6 =	vmul.f32 v7, v6  }
0x237: {  	v5 =	vor.u32 s7, v2  }
0x238: {  	v6 =	vmul.f32 $2.500000000e-01, v6;
	_ =	sdelay $0x1  }
0x239: {  	[tilespmem:v9+s11+$0x0] =	vst.idx.msk $0xffff, v6  }
0x23a: {  	(v2sf) =	vpush @!p0 v4, $0x7;
	v4 =	vld.idx.msk [tilespmem:v62+s10+$0x0], $0xffff  }
0x23b: {  	v5 =	vld.idx.msk [tilespmem:v5+s16+$0x0], $0xffff;
	_ =	sdelay $0x4  }
0x23c: {  	v4 =	vadd.f32 $1.000000000e+00, v4;
	v5 =	vadd.f32 $1.000000000e+00, v5  }
0x23d: {  	v63 =	vor.u32 v3, v8  }
0x23e: {  	v4 =	vmul.f32 v5, v4;
	_ =	sdelay $0x1  }
0x23f: {  	s20 =	sadd.s32 @!p0 $0x10, s20;
	s0 =	spop @!p0 (v2sf);
	v4 =	vmul.f32 $2.500000000e-01, v4  }
0x240: {  	p1 =	sne.s32 @!p0 s20, $0x20F;
	s0 =	sand.u32 @!p0 $0xFFFFF80, s0  }
0x241: {  	p1 =	por p0, !p1;
	s1 =	simm.s32 @!p0 $0xB400;
	s0 =	sadd.s32 @!p0 s2, s0;
	[tilespmem:v63+s11+$0x0] =	vst.idx.msk $0xffff, v4  }
0x242: {  	[tilespmem:s1], [sflag:$0x8] =	stream.strided.gather @!p0 [hbm4b:s0+s23], $0x1000, s25, s23, $0x38;
	[tilespmem:$0x14400] =	vst v63  }
.Ltmp0:
0x243: {  	_ = 	snop;
	(pc) =	sbr.rel @!p1 .LBB2_2-.Ltmp0, $4  }
0x244: {  	s19 =	sadd.s32 @!p0 $0x1, s19;
	s18 =	sadd.s32 @!p0 $0x10, s18;
	s0 =	spop @!p0 (v2sf)  }
0x245: {  	s14 =	sadd.s32 @!p0 $0x10, s14;
	s21 =	simm.s32 $0x1;
	s0 =	sand.u32 @!p0 $0xFFFFF80, s0  }
0x246: {  	s9 =	simm.s32 $0x4400;
	s1 =	simm.s32 @!p0 $0x13400;
	s0 =	sadd.s32 @!p0 s3, s0  }
0x247: {  	[tilespmem:s1], [sflag:$0x10] =	stream.strided.gather @!p0 [hbm4b:s0+s23], $0x1000, s25, s23, $0x38;
	[tilespmem:$0x14400] =	vst v63  }
0x248: {  	s0 =	rddreg [dreg:$0x7];
	s1 =	simm.s32 $0x1000;
	s4 =	simm.s32 $0x20000  }
0x249: {  	[hbm4b:s0+s1] =	stream.strided.scatter [tilespmem:s11], [sflag:$0x11], $0x4000, s4, s1, $0x38;
	[tilespmem:$0x14400] =	vst v63  }
0x24a: {  	s4 =	simm.s32 $0x11  }
0x24b: {  	_ =	swait.ge [sflag:s4], $0x4000  }
0x24c: {  	s23 =	rddreg [dreg:$0x9]  }
0x24d: {  	s25 =	rddreg [dreg:$0x8];
	s1 =	sadd.s32 $0x1, s23  }
0x24e: {  	p0 =	sne.s32 s1, s25  }
.Ltmp1:
0x24f: {  	_ = 	snop;
	(pc) =	sbr.rel @p0 .LBB2_1-.Ltmp1, $4  }
0x250: {  	_ = 	snop  }
0x251: {  	s5 =	simm.s32 $0xC400;
	s6 =	simm.s32 $0xD400;
	s7 =	simm.s32 $0xA400  }
0x252: {  	s18 =	simm.s32 $0x12400;
	s19 =	simm.s32 $0xB400;
	[sflag:s4] =	ssyncset.done $0x0  }
0x253: {  	s20 =	simm.s32 $0x13400;
	s10 =	simm.s32 $0x7A1400;
	[sflag:s4] =	ssyncadd.s32 $0xFFFFC000  }
0x254: {  	_ =	sfence.sel $0x180000  }
0x255: {  	[bflag:$0x0] =	sbarrier.arrive $0xFFFF  }
0x256: {  	_ =	strace $0x90000047  }
0x257: {  	s0 =	stileid.u32;
	[bflag:$0x2] =	sbarrier.arrive $0xFFFF  }
0x258: {  	p0 =	sne.s32 s0, $0x0;
	s0 =	rddreg [dreg:$0x4]  }
0x259: {  	s0 =	sadd.s32 @!p0 $0x100000, s0  }
0x25a: {  	[sflag:s0] =	ssyncadd.tile.s32 @!p0 $0x1;
	_ =	shalt  }
.Lfunc_end2:
_tile_overlayer_lowered:
.L_overlay_start_2:
0x25b: {  	(tag) =	ssettag $0x2  }
0x25c: {  	s0 =	rddreg [dreg:$0x0];
	s2 =	stileid.u32  }
0x25d: {  	s1 =	rddreg [dreg:$0x1];
	p0 =	sne.s32 s2, $0x0  }
0x25e: {  	s3 =	rddreg [dreg:$0x2];
	[bflag:$0x3] =	sbarrier.arrive $0xFFFF;
	s2 =	simm.s32 @!p0 $0x1C11  }
0x25f: {  	[timem:s3], [sflag:s2] =	dma.local @!p0 [hbm:s0], s1  }
0x260: {  	s0 =	simm.s32 @!p0 $0x11  }
0x261: {  	_ =	swait.ge @!p0 [sflag:s0], s1  }
0x262: {  	s1 =	ssub.s32 @!p0 $0x0, s1;
	[sflag:s0] =	ssyncset.done @!p0 $0x0  }
0x263: {  	[sflag:s0] =	ssyncadd.s32 @!p0 s1  }
0x264: {  	[bflag:$0x3] =	sbarrier.arrive $0xFFFF  }
0x265: {  	_ =	shalt  }

</sc_bundles>
